<compile_context>
chip_gen: v7x
topology: tpu7x:2x2x1
jax: 0.10.2.dev20260603
libtpu: 0.0.44.dev20260713+nightly
codegen_flags: <defaults>
</compile_context>

<pallas_src>
import functools

import jax
import jax.numpy as jnp
from jax import lax
from jax.experimental import pallas as pl
from jax.experimental.pallas import tpu as pltpu
from jax.experimental.pallas import tpu_sc as plsc

N = 10000
E = 320000
D = 128
H = 128
O = 128
G = 64

NC = 2
NS = 16
NW = NC * NS
EPT = E // NW
CH = 128
NCHUNK = (EPT + CH - 1) // CH
EPAD = (NW - 1) * EPT + NCHUNK * CH
ZCHUNKS = ((0, 128), (128, 128), (256, 128), (384, 128), (512, 112))

B = 2000
NB = N // B


def _leaky(v):
    return jnp.where(v > 0, v, 0.2 * v)



def _tc_prep_body(x_ref, w1_ref, b1_ref, wg_ref, att_ref,
                  h_ref, hw_ref, asad_ref):
    h = jnp.dot(x_ref[...], w1_ref[...], preferred_element_type=jnp.float32)
    h = h + b1_ref[...]
    hw = jnp.dot(h, wg_ref[...], preferred_element_type=jnp.float32)
    asad = lax.dot_general(hw, att_ref[...], (((1,), (1,)), ((), ())),
                           preferred_element_type=jnp.float32)
    h_ref[...] = h
    hw_ref[...] = hw
    asad_ref[...] = asad


def _tc_prep(x, W1, b1r, Wg0, att0):
    return pl.pallas_call(
        _tc_prep_body,
        grid=(NB,),
        in_specs=[
            pl.BlockSpec((B, D), lambda i: (i, 0)),
            pl.BlockSpec((D, H), lambda i: (0, 0)),
            pl.BlockSpec((1, H), lambda i: (0, 0)),
            pl.BlockSpec((H, H), lambda i: (0, 0)),
            pl.BlockSpec((2, H), lambda i: (0, 0)),
        ],
        out_specs=[
            pl.BlockSpec((B, H), lambda i: (i, 0)),
            pl.BlockSpec((B, H), lambda i: (i, 0)),
            pl.BlockSpec((B, 2), lambda i: (i, 0)),
        ],
        out_shape=[
            jax.ShapeDtypeStruct((N, H), jnp.float32),
            jax.ShapeDtypeStruct((N, H), jnp.float32),
            jax.ShapeDtypeStruct((N, 2), jnp.float32),
        ],
    )(x, W1, b1r, Wg0, att0)


def _epilogue_h(acc2_ref, s32_ref, hw_ref, asad_ref, hprev_ref, bg_ref):
    es = jnp.sum(asad_ref[...], axis=1, keepdims=True)
    ws = jnp.exp(_leaky(es))
    acc = acc2_ref[0] + acc2_ref[1] + ws * hw_ref[...]
    s = jnp.sum(s32_ref[...], axis=1, keepdims=True)
    stot = s + ws
    out = acc / (stot + 1e-16) + bg_ref[...]
    return jnp.maximum(out, 0.0) + hprev_ref[...]


def _tc_mid_body(acc2_ref, s32_ref, hw_ref, asad_ref, hprev_ref, bg_ref,
                 wg_ref, att_ref, h_ref, hwn_ref, asadn_ref):
    h = _epilogue_h(acc2_ref, s32_ref, hw_ref, asad_ref, hprev_ref, bg_ref)
    hw = jnp.dot(h, wg_ref[...], preferred_element_type=jnp.float32)
    asad = lax.dot_general(hw, att_ref[...], (((1,), (1,)), ((), ())),
                           preferred_element_type=jnp.float32)
    h_ref[...] = h
    hwn_ref[...] = hw
    asadn_ref[...] = asad


def _tc_mid(acc2, s32, hw, asad, hprev, bgr, Wg1, att1):
    return pl.pallas_call(
        _tc_mid_body,
        grid=(NB,),
        in_specs=[
            pl.BlockSpec((NC, B, H), lambda i: (0, i, 0)),
            pl.BlockSpec((B, NW), lambda i: (i, 0)),
            pl.BlockSpec((B, H), lambda i: (i, 0)),
            pl.BlockSpec((B, 2), lambda i: (i, 0)),
            pl.BlockSpec((B, H), lambda i: (i, 0)),
            pl.BlockSpec((1, H), lambda i: (0, 0)),
            pl.BlockSpec((H, H), lambda i: (0, 0)),
            pl.BlockSpec((2, H), lambda i: (0, 0)),
        ],
        out_specs=[
            pl.BlockSpec((B, H), lambda i: (i, 0)),
            pl.BlockSpec((B, H), lambda i: (i, 0)),
            pl.BlockSpec((B, 2), lambda i: (i, 0)),
        ],
        out_shape=[
            jax.ShapeDtypeStruct((N, H), jnp.float32),
            jax.ShapeDtypeStruct((N, H), jnp.float32),
            jax.ShapeDtypeStruct((N, 2), jnp.float32),
        ],
    )(acc2, s32, hw, asad, hprev, bgr, Wg1, att1)


def _tc_final_body(acc2_ref, s32_ref, hw_ref, asad_ref, hprev_ref, bg_ref,
                   batch_ref, w2_ref, b2_ref, out_ref, pooled_ref):
    i = pl.program_id(0)
    h = _epilogue_h(acc2_ref, s32_ref, hw_ref, asad_ref, hprev_ref, bg_ref)
    gids = lax.broadcasted_iota(jnp.int32, (1, G), 1)
    onehot = (batch_ref[...] == gids).astype(jnp.float32)
    part = lax.dot_general(onehot, h, (((0,), (0,)), ((), ())),
                           preferred_element_type=jnp.float32)

    @pl.when(i == 0)
    def _():
        pooled_ref[...] = part

    @pl.when(i > 0)
    def _():
        pooled_ref[...] = pooled_ref[...] + part

    @pl.when(i == NB - 1)
    def _():
        out_ref[...] = jnp.dot(pooled_ref[...], w2_ref[...],
                               preferred_element_type=jnp.float32) + b2_ref[...]


def _tc_final(acc2, s32, hw, asad, hprev, bgr, batch_col, W2, b2r):
    return pl.pallas_call(
        _tc_final_body,
        grid=(NB,),
        in_specs=[
            pl.BlockSpec((NC, B, H), lambda i: (0, i, 0)),
            pl.BlockSpec((B, NW), lambda i: (i, 0)),
            pl.BlockSpec((B, H), lambda i: (i, 0)),
            pl.BlockSpec((B, 2), lambda i: (i, 0)),
            pl.BlockSpec((B, H), lambda i: (i, 0)),
            pl.BlockSpec((1, H), lambda i: (0, 0)),
            pl.BlockSpec((B, 1), lambda i: (i, 0)),
            pl.BlockSpec((H, O), lambda i: (0, 0)),
            pl.BlockSpec((1, O), lambda i: (0, 0)),
        ],
        out_specs=pl.BlockSpec((G, O), lambda i: (0, 0)),
        out_shape=jax.ShapeDtypeStruct((G, O), jnp.float32),
        scratch_shapes=[pltpu.VMEM((G, H), jnp.float32)],
    )(acc2, s32, hw, asad, hprev, bgr, batch_col, W2, b2r)



def _sc_edge_pass(hw, a_src, a_dst, srcp, dstp):
    mesh = plsc.VectorSubcoreMesh(core_axis_name="c", subcore_axis_name="s")

    @functools.partial(
        pl.kernel,
        mesh=mesh,
        compiler_params=pltpu.CompilerParams(needs_layout_passes=False),
        out_type=(
            jax.ShapeDtypeStruct((NC, N, H), jnp.float32),
            jax.ShapeDtypeStruct((NW, 1, N), jnp.float32),
        ),
        scratch_types=[
            pltpu.VMEM((N,), jnp.float32),
            pltpu.VMEM((N,), jnp.float32),
            pltpu.VMEM((N,), jnp.float32),
            pltpu.VMEM((CH, H), jnp.float32),
            pltpu.VMEM((CH,), jnp.int32),
            pltpu.VMEM((CH,), jnp.int32),
            pltpu.VMEM((CH,), jnp.float32),
            pltpu.VMEM_SHARED((N, H), jnp.float32),
            pltpu.SemaphoreType.DMA,
        ],
    )
    def k(hw_hbm, as_hbm, ad_hbm, src_hbm, dst_hbm, acc_out, s_out,
          asv, adv, s_loc, rows, sidx, didx, wbuf, acc_sh, gsem):
        cid = lax.axis_index("c")
        sid = lax.axis_index("s")
        wid = sid * NC + cid
        z16 = jnp.zeros((16,), jnp.float32)

        def zrow(j, _):
            for kk in range(H // 16):
                rows[j, pl.ds(kk * 16, 16)] = z16
            return 0
        lax.fori_loop(0, CH, zrow, 0)

        rbase = pl.multiple_of(sid * 624 + jnp.minimum(sid, 2) * 8, 8)
        for roff, nr in ZCHUNKS:
            pltpu.sync_copy(rows.at[pl.ds(0, nr)],
                            acc_sh.at[pl.ds(rbase + roff, nr)])

        @pl.when(sid < 2)
        def _():
            pltpu.sync_copy(rows.at[pl.ds(0, 8)],
                            acc_sh.at[pl.ds(rbase + 624, 8)])

        def zs(j, _):
            s_loc[pl.ds(j * 16, 16)] = z16
            return 0
        lax.fori_loop(0, N // 16, zs, 0)

        pltpu.sync_copy(as_hbm, asv)
        pltpu.sync_copy(ad_hbm, adv)

        plsc.subcore_barrier()

        lane = lax.iota(jnp.int32, 16)

        def chunk(i, _):
            base = wid * EPT + i * CH
            pltpu.sync_copy(src_hbm.at[pl.ds(base, CH)], sidx)
            pltpu.sync_copy(dst_hbm.at[pl.ds(base, CH)], didx)
            gd = pltpu.async_copy(hw_hbm.at[sidx], rows, gsem)
            for g in range(CH // 16):
                s16 = sidx[pl.ds(g * 16, 16)]
                d16 = didx[pl.ds(g * 16, 16)]
                a1 = plsc.load_gather(asv, [s16])
                a2 = plsc.load_gather(adv, [d16])
                w = jnp.exp(_leaky(a1 + a2))
                eoff = i * CH + g * 16 + lane
                w = jnp.where(eoff < EPT, w, 0.0)
                wbuf[pl.ds(g * 16, 16)] = w
                plsc.addupdate_scatter(s_loc, [d16], w)
            gd.wait()

            def scale(j, _):
                wv = plsc.load_gather(wbuf, [jnp.full((16,), j, jnp.int32)])
                for kk in range(H // 16):
                    rows[j, pl.ds(kk * 16, 16)] = \
                        rows[j, pl.ds(kk * 16, 16)] * wv
                return 0
            lax.fori_loop(0, CH, scale, 0)

            pltpu.sync_copy(rows, acc_sh.at[didx], add=True)
            return 0

        lax.fori_loop(0, NCHUNK, chunk, 0)

        plsc.subcore_barrier()

        for roff, nr in ZCHUNKS:
            pltpu.sync_copy(acc_sh.at[pl.ds(rbase + roff, nr)],
                            acc_out.at[cid, pl.ds(rbase + roff, nr)])

        @pl.when(sid < 2)
        def _():
            pltpu.sync_copy(acc_sh.at[pl.ds(rbase + 624, 8)],
                            acc_out.at[cid, pl.ds(rbase + 624, 8)])

        pltpu.sync_copy(s_loc, s_out.at[wid, 0])

    return k(hw, a_src, a_dst, srcp, dstp)



def kernel(x, edge_index, batch, W1, b1, Wg, att_src, att_dst, bg, W2, b2):
    pad = jnp.zeros((EPAD - E,), jnp.int32)
    srcp = jnp.concatenate([edge_index[0].astype(jnp.int32), pad])
    dstp = jnp.concatenate([edge_index[1].astype(jnp.int32), pad])
    batch_col = batch.astype(jnp.int32).reshape(N, 1)
    b1r = b1.reshape(1, H)
    b2r = b2.reshape(1, O)
    att0 = jnp.stack([att_src[0], att_dst[0]])
    att1 = jnp.stack([att_src[1], att_dst[1]])
    bg0 = bg[0].reshape(1, H)
    bg1 = bg[1].reshape(1, H)

    h0, hw0, asad0 = _tc_prep(x, W1, b1r, Wg[0], att0)
    acc0, s0 = _sc_edge_pass(hw0, asad0[:, 0], asad0[:, 1], srcp, dstp)
    h1, hw1, asad1 = _tc_mid(acc0, s0.reshape(NW, N).T, hw0, asad0, h0,
                             bg0, Wg[1], att1)
    acc1, s1 = _sc_edge_pass(hw1, asad1[:, 0], asad1[:, 1], srcp, dstp)
    return _tc_final(acc1, s1.reshape(NW, N).T, hw1, asad1, h1, bg1,
                     batch_col, W2, b2r)

# --- scband reference (transcript-rebuilt; emitter-appended) ---
"""Pipeline reference for scband-gat-1649267441817 (READ-ONLY COPY).

The authoritative reference and input builder live on the scoring server;
editing this copy changes nothing except your own understanding.
"""

import jax, jax.numpy as jnp
import numpy as np

N = 10000
E = 320000
D = 128
H = 128
O = 128
L = 2
G = 64


def setup_inputs(seed: int = 0) -> dict:
    key = jax.random.key(seed)
    ks = jax.random.split(key, 12)
    x = jax.random.normal(ks[0], (N, D), dtype=jnp.float32)
    edge_index = jax.random.randint(ks[1], (2, E), 0, N, dtype=jnp.int32)
    batch = jnp.sort(jax.random.randint(ks[2], (N,), 0, G, dtype=jnp.int32))
    W1 = jax.random.normal(ks[3], (D, H), dtype=jnp.float32) * 0.05
    b1 = jnp.zeros((H,), dtype=jnp.float32)
    Wg = jax.random.normal(ks[4], (L, H, H), dtype=jnp.float32) * 0.05
    att_src = jax.random.normal(ks[5], (L, H), dtype=jnp.float32) * 0.05
    att_dst = jax.random.normal(ks[6], (L, H), dtype=jnp.float32) * 0.05
    bg = jnp.zeros((L, H), dtype=jnp.float32)
    W2 = jax.random.normal(ks[7], (H, O), dtype=jnp.float32) * 0.05
    b2 = jnp.zeros((O,), dtype=jnp.float32)
    return {"x": x, "edge_index": edge_index, "batch": batch, "W1": W1, "b1": b1,
            "Wg": Wg, "att_src": att_src, "att_dst": att_dst, "bg": bg, "W2": W2, "b2": b2}


def _gat_layer(h, src, dst, W, asrc, adst, b):
    hw = h @ W
    e = (hw @ asrc)[src] + (hw @ adst)[dst]
    e = jnp.where(e > 0, e, 0.2 * e)  # leaky_relu(0.2)
    m = jax.ops.segment_max(e, dst, num_segments=N)
    m = jnp.where(jnp.isfinite(m), m, 0.0)
    ex = jnp.exp(e - m[dst])
    s = jax.ops.segment_sum(ex, dst, num_segments=N)
    a = ex / (s[dst] + 1e-16)
    out = jax.ops.segment_sum(a[:, None] * hw[src], dst, num_segments=N)
    return out + b


def reference(x, edge_index, batch, W1, b1, Wg, att_src, att_dst, bg, W2, b2):
    loops = jnp.arange(N, dtype=edge_index.dtype)
    src = jnp.concatenate([edge_index[0], loops])  # add_self_loops=True as in GATConv
    dst = jnp.concatenate([edge_index[1], loops])
    h = x @ W1 + b1
    for l in range(L):
        h_in = h
        h = jax.nn.relu(_gat_layer(h, src, dst, Wg[l], att_src[l], att_dst[l], bg[l]))
        h = h + h_in
    pooled = jax.ops.segment_sum(h, batch, num_segments=G)  # global_add_pool
    return pooled @ W2 + b2

if __name__ == "__main__":
    import jax
    _d = setup_inputs()
    print(jax.jit(kernel)(*tuple(_d.values())))

</pallas_src>

<mosaic_0001>
#map = affine_map<(d0, d1) -> (0, 0)>
#map1 = affine_map<(d0, d1) -> (0)>
#map2 = affine_map<(d0, d1) -> (0, 0, 0)>
module attributes {stable_mosaic.version = 14 : i64} {
  func.func @k(%arg0: i32, %arg1: i32, %arg2: memref<10000x128xf32, #tpu.memory_space<hbm>>, %arg3: memref<10000xf32, #tpu.memory_space<hbm>>, %arg4: memref<10000xf32, #tpu.memory_space<hbm>>, %arg5: memref<320112xi32, #tpu.memory_space<hbm>>, %arg6: memref<320112xi32, #tpu.memory_space<hbm>>, %arg7: memref<2x10000x128xf32, #tpu.memory_space<hbm>>, %arg8: memref<32x1x10000xf32, #tpu.memory_space<hbm>>, %arg9: memref<10000xf32, #tpu.memory_space<vmem>>, %arg10: memref<10000xf32, #tpu.memory_space<vmem>>, %arg11: memref<10000xf32, #tpu.memory_space<vmem>>, %arg12: memref<128x128xf32, #tpu.memory_space<vmem>>, %arg13: memref<128xi32, #tpu.memory_space<vmem>>, %arg14: memref<128xi32, #tpu.memory_space<vmem>>, %arg15: memref<128xf32, #tpu.memory_space<vmem>>, %arg16: memref<10000x128xf32, #tpu.memory_space<vmem_shared>>, %arg17: memref<!tpu.dma_semaphore, #tpu.memory_space<semaphore_mem>>) attributes {dimension_semantics = [#tpu.dimension_semantics<core_parallel>, #tpu.dimension_semantics<subcore_parallel>], iteration_bounds = array<i64: 2, 16>, scalar_prefetch = 0 : i64, scratch_operands = 9 : i64, tpu.core_type = #tpu.core_type<sc_vector_subcore>, window_params = [{transform_indices = #map}, {transform_indices = #map1}, {transform_indices = #map1}, {transform_indices = #map1}, {transform_indices = #map1}, {transform_indices = #map2}, {transform_indices = #map2}]} {
    %mul3A = arith.constant 2 : i32
    %mul3A_0 = arith.muli %arg1, %mul3A : i32
    %add3A = arith.addi %mul3A_0, %arg0 : i32
    %broadcast_in_dim3A = arith.constant 0.000000e+00 : f32
    %broadcast_in_dim3A_1 = vector.broadcast %broadcast_in_dim3A : f32 to vector<16xf32>
    %scan3A = arith.constant 0 : i32
    %scan3A_2 = arith.constant 0 : i32
    %scan3A_3 = arith.constant 128 : i32
    %scan3A_4 = arith.addi %scan3A_2, %scan3A_3 : i32
    %scan3A_5 = arith.constant 1 : i32
    %scan3A_6 = scf.for %scan3A_66 = %scan3A_2 to %scan3A_4 step %scan3A_5 iter_args(%scan3A_67 = %scan3A) -> (i32)  : i32 {
      %swap3A = arith.index_cast %scan3A_66 : i32 to index
      %swap3A_68 = arith.constant 0 : index
      %swap3A_69 = tpu.vector_load %arg12[%swap3A, %swap3A_68] {strides = array<i32>} : memref<128x128xf32, #tpu.memory_space<vmem>>, vector<16xf32>,
      tpu.vector_store %arg12[%swap3A, %swap3A_68], %broadcast_in_dim3A_1 {strides = array<i32>} : memref<128x128xf32, #tpu.memory_space<vmem>>, vector<16xf32>,
      %swap3A_70 = arith.index_cast %scan3A_66 : i32 to index
      %swap3A_71 = arith.constant 16 : index
      %swap3A_72 = tpu.vector_load %arg12[%swap3A_70, %swap3A_71] {strides = array<i32>} : memref<128x128xf32, #tpu.memory_space<vmem>>, vector<16xf32>,
      tpu.vector_store %arg12[%swap3A_70, %swap3A_71], %broadcast_in_dim3A_1 {strides = array<i32>} : memref<128x128xf32, #tpu.memory_space<vmem>>, vector<16xf32>,
      %swap3A_73 = arith.index_cast %scan3A_66 : i32 to index
      %swap3A_74 = arith.constant 32 : index
      %swap3A_75 = tpu.vector_load %arg12[%swap3A_73, %swap3A_74] {strides = array<i32>} : memref<128x128xf32, #tpu.memory_space<vmem>>, vector<16xf32>,
      tpu.vector_store %arg12[%swap3A_73, %swap3A_74], %broadcast_in_dim3A_1 {strides = array<i32>} : memref<128x128xf32, #tpu.memory_space<vmem>>, vector<16xf32>,
      %swap3A_76 = arith.index_cast %scan3A_66 : i32 to index
      %swap3A_77 = arith.constant 48 : index
      %swap3A_78 = tpu.vector_load %arg12[%swap3A_76, %swap3A_77] {strides = array<i32>} : memref<128x128xf32, #tpu.memory_space<vmem>>, vector<16xf32>,
      tpu.vector_store %arg12[%swap3A_76, %swap3A_77], %broadcast_in_dim3A_1 {strides = array<i32>} : memref<128x128xf32, #tpu.memory_space<vmem>>, vector<16xf32>,
      %swap3A_79 = arith.index_cast %scan3A_66 : i32 to index
      %swap3A_80 = arith.constant 64 : index
      %swap3A_81 = tpu.vector_load %arg12[%swap3A_79, %swap3A_80] {strides = array<i32>} : memref<128x128xf32, #tpu.memory_space<vmem>>, vector<16xf32>,
      tpu.vector_store %arg12[%swap3A_79, %swap3A_80], %broadcast_in_dim3A_1 {strides = array<i32>} : memref<128x128xf32, #tpu.memory_space<vmem>>, vector<16xf32>,
      %swap3A_82 = arith.index_cast %scan3A_66 : i32 to index
      %swap3A_83 = arith.constant 80 : index
      %swap3A_84 = tpu.vector_load %arg12[%swap3A_82, %swap3A_83] {strides = array<i32>} : memref<128x128xf32, #tpu.memory_space<vmem>>, vector<16xf32>,
      tpu.vector_store %arg12[%swap3A_82, %swap3A_83], %broadcast_in_dim3A_1 {strides = array<i32>} : memref<128x128xf32, #tpu.memory_space<vmem>>, vector<16xf32>,
      %swap3A_85 = arith.index_cast %scan3A_66 : i32 to index
      %swap3A_86 = arith.constant 96 : index
      %swap3A_87 = tpu.vector_load %arg12[%swap3A_85, %swap3A_86] {strides = array<i32>} : memref<128x128xf32, #tpu.memory_space<vmem>>, vector<16xf32>,
      tpu.vector_store %arg12[%swap3A_85, %swap3A_86], %broadcast_in_dim3A_1 {strides = array<i32>} : memref<128x128xf32, #tpu.memory_space<vmem>>, vector<16xf32>,
      %swap3A_88 = arith.index_cast %scan3A_66 : i32 to index
      %swap3A_89 = arith.constant 112 : index
      %swap3A_90 = tpu.vector_load %arg12[%swap3A_88, %swap3A_89] {strides = array<i32>} : memref<128x128xf32, #tpu.memory_space<vmem>>, vector<16xf32>,
      tpu.vector_store %arg12[%swap3A_88, %swap3A_89], %broadcast_in_dim3A_1 {strides = array<i32>} : memref<128x128xf32, #tpu.memory_space<vmem>>, vector<16xf32>,
      %scan3A_91 = arith.constant 0 : i32
      scf.yield %scan3A_91 : i32
    }
    %scan3A_7 = arith.constant 128 : i32
    %mul3A_8 = arith.constant 624 : i32
    %mul3A_9 = arith.muli %arg1, %mul3A_8 : i32
    %min3A = arith.constant 2 : i32
    %min3A_10 = arith.minsi %arg1, %min3A : i32
    %mul3A_11 = arith.constant 8 : i32
    %mul3A_12 = arith.muli %min3A_10, %mul3A_11 : i32
    %add3A_13 = arith.addi %mul3A_9, %mul3A_12 : i32
    %multiple_of3A = tpu.assume_multiple %add3A_13, 8 : i32
    %add3A_14 = arith.constant 0 : i32
    %add3A_15 = arith.addi %multiple_of3A, %add3A_14 : i32
    "tpu.region"() ({
      %run_scoped3A_66 = tpu.sem_alloc : memref<!tpu.dma_semaphore, #tpu.memory_space<semaphore_mem>>
      %dma_start3A = arith.constant 0 : i32
      %dma_start3A_67 = arith.constant 0 : i32
      %dma_start3A_68 = tpu.memref_slice %arg12[%dma_start3A, %dma_start3A_67] : memref<128x128xf32, #tpu.memory_space<vmem>> -> memref<128x128xf32, #tpu.memory_space<vmem>>
      %dma_start3A_69 = arith.constant 0 : i32
      %dma_start3A_70 = tpu.memref_slice %arg16[%add3A_15, %dma_start3A_69] : memref<10000x128xf32, #tpu.memory_space<vmem_shared>> -> memref<128x128xf32, #tpu.memory_space<vmem_shared>>
      %dma_start3A_71 = arith.constant 0 : i32
      %dma_start3A_72 = tpu.memref_slice %arg16[%add3A_15, %dma_start3A_71] : memref<10000x128xf32, #tpu.memory_space<vmem_shared>> -> memref<128x128xf32, #tpu.memory_space<vmem_shared>>
      %dma_start3A_73 = arith.constant 0 : i32
      %dma_start3A_74 = arith.constant 0 : i32
      %dma_start3A_75 = tpu.memref_slice %arg12[%dma_start3A_73, %dma_start3A_74] : memref<128x128xf32, #tpu.memory_space<vmem>> -> memref<128x128xf32, #tpu.memory_space<vmem>>
      tpu.enqueue_dma source(%dma_start3A_75 : memref<128x128xf32, #tpu.memory_space<vmem>>) target(%dma_start3A_72 : memref<128x128xf32, #tpu.memory_space<vmem_shared>>) target_semaphore(%run_scoped3A_66 : memref<!tpu.dma_semaphore, #tpu.memory_space<semaphore_mem>>)
      %dma_wait3A = arith.constant 0 : i32
      %dma_wait3A_76 = arith.constant 0 : i32
      %dma_wait3A_77 = tpu.memref_slice %arg12[%dma_wait3A, %dma_wait3A_76] : memref<128x128xf32, #tpu.memory_space<vmem>> -> memref<128x128xf32, #tpu.memory_space<vmem>>
      %dma_wait3A_78 = arith.constant 0 : i32
      %dma_wait3A_79 = tpu.memref_slice %arg16[%add3A_15, %dma_wait3A_78] : memref<10000x128xf32, #tpu.memory_space<vmem_shared>> -> memref<128x128xf32, #tpu.memory_space<vmem_shared>>
      %dma_wait3A_80 = arith.constant 0 : i32
      %dma_wait3A_81 = tpu.memref_slice %arg16[%add3A_15, %dma_wait3A_80] : memref<10000x128xf32, #tpu.memory_space<vmem_shared>> -> memref<128x128xf32, #tpu.memory_space<vmem_shared>>
      %dma_wait3A_82 = arith.constant 0 : i32
      %dma_wait3A_83 = arith.constant 0 : i32
      %dma_wait3A_84 = tpu.memref_slice %arg12[%dma_wait3A_82, %dma_wait3A_83] : memref<128x128xf32, #tpu.memory_space<vmem>> -> memref<128x128xf32, #tpu.memory_space<vmem>>
      tpu.wait_dma2 semaphore(%run_scoped3A_66 : memref<!tpu.dma_semaphore, #tpu.memory_space<semaphore_mem>>) src(%dma_wait3A_84 : memref<128x128xf32, #tpu.memory_space<vmem>>) dst(%dma_wait3A_81 : memref<128x128xf32, #tpu.memory_space<vmem_shared>>)
      tpu.yield
    }) : () -> ()
    %add3A_16 = arith.constant 128 : i32
    %add3A_17 = arith.addi %multiple_of3A, %add3A_16 : i32
    "tpu.region"() ({
      %run_scoped3A_66 = tpu.sem_alloc : memref<!tpu.dma_semaphore, #tpu.memory_space<semaphore_mem>>
      %dma_start3A = arith.constant 0 : i32
      %dma_start3A_67 = arith.constant 0 : i32
      %dma_start3A_68 = tpu.memref_slice %arg12[%dma_start3A, %dma_start3A_67] : memref<128x128xf32, #tpu.memory_space<vmem>> -> memref<128x128xf32, #tpu.memory_space<vmem>>
      %dma_start3A_69 = arith.constant 0 : i32
      %dma_start3A_70 = tpu.memref_slice %arg16[%add3A_17, %dma_start3A_69] : memref<10000x128xf32, #tpu.memory_space<vmem_shared>> -> memref<128x128xf32, #tpu.memory_space<vmem_shared>>
      %dma_start3A_71 = arith.constant 0 : i32
      %dma_start3A_72 = tpu.memref_slice %arg16[%add3A_17, %dma_start3A_71] : memref<10000x128xf32, #tpu.memory_space<vmem_shared>> -> memref<128x128xf32, #tpu.memory_space<vmem_shared>>
      %dma_start3A_73 = arith.constant 0 : i32
      %dma_start3A_74 = arith.constant 0 : i32
      %dma_start3A_75 = tpu.memref_slice %arg12[%dma_start3A_73, %dma_start3A_74] : memref<128x128xf32, #tpu.memory_space<vmem>> -> memref<128x128xf32, #tpu.memory_space<vmem>>
      tpu.enqueue_dma source(%dma_start3A_75 : memref<128x128xf32, #tpu.memory_space<vmem>>) target(%dma_start3A_72 : memref<128x128xf32, #tpu.memory_space<vmem_shared>>) target_semaphore(%run_scoped3A_66 : memref<!tpu.dma_semaphore, #tpu.memory_space<semaphore_mem>>)
      %dma_wait3A = arith.constant 0 : i32
      %dma_wait3A_76 = arith.constant 0 : i32
      %dma_wait3A_77 = tpu.memref_slice %arg12[%dma_wait3A, %dma_wait3A_76] : memref<128x128xf32, #tpu.memory_space<vmem>> -> memref<128x128xf32, #tpu.memory_space<vmem>>
      %dma_wait3A_78 = arith.constant 0 : i32
      %dma_wait3A_79 = tpu.memref_slice %arg16[%add3A_17, %dma_wait3A_78] : memref<10000x128xf32, #tpu.memory_space<vmem_shared>> -> memref<128x128xf32, #tpu.memory_space<vmem_shared>>
      %dma_wait3A_80 = arith.constant 0 : i32
      %dma_wait3A_81 = tpu.memref_slice %arg16[%add3A_17, %dma_wait3A_80] : memref<10000x128xf32, #tpu.memory_space<vmem_shared>> -> memref<128x128xf32, #tpu.memory_space<vmem_shared>>
      %dma_wait3A_82 = arith.constant 0 : i32
      %dma_wait3A_83 = arith.constant 0 : i32
      %dma_wait3A_84 = tpu.memref_slice %arg12[%dma_wait3A_82, %dma_wait3A_83] : memref<128x128xf32, #tpu.memory_space<vmem>> -> memref<128x128xf32, #tpu.memory_space<vmem>>
      tpu.wait_dma2 semaphore(%run_scoped3A_66 : memref<!tpu.dma_semaphore, #tpu.memory_space<semaphore_mem>>) src(%dma_wait3A_84 : memref<128x128xf32, #tpu.memory_space<vmem>>) dst(%dma_wait3A_81 : memref<128x128xf32, #tpu.memory_space<vmem_shared>>)
      tpu.yield
    }) : () -> ()
    %add3A_18 = arith.constant 256 : i32
    %add3A_19 = arith.addi %multiple_of3A, %add3A_18 : i32
    "tpu.region"() ({
      %run_scoped3A_66 = tpu.sem_alloc : memref<!tpu.dma_semaphore, #tpu.memory_space<semaphore_mem>>
      %dma_start3A = arith.constant 0 : i32
      %dma_start3A_67 = arith.constant 0 : i32
      %dma_start3A_68 = tpu.memref_slice %arg12[%dma_start3A, %dma_start3A_67] : memref<128x128xf32, #tpu.memory_space<vmem>> -> memref<128x128xf32, #tpu.memory_space<vmem>>
      %dma_start3A_69 = arith.constant 0 : i32
      %dma_start3A_70 = tpu.memref_slice %arg16[%add3A_19, %dma_start3A_69] : memref<10000x128xf32, #tpu.memory_space<vmem_shared>> -> memref<128x128xf32, #tpu.memory_space<vmem_shared>>
      %dma_start3A_71 = arith.constant 0 : i32
      %dma_start3A_72 = tpu.memref_slice %arg16[%add3A_19, %dma_start3A_71] : memref<10000x128xf32, #tpu.memory_space<vmem_shared>> -> memref<128x128xf32, #tpu.memory_space<vmem_shared>>
      %dma_start3A_73 = arith.constant 0 : i32
      %dma_start3A_74 = arith.constant 0 : i32
      %dma_start3A_75 = tpu.memref_slice %arg12[%dma_start3A_73, %dma_start3A_74] : memref<128x128xf32, #tpu.memory_space<vmem>> -> memref<128x128xf32, #tpu.memory_space<vmem>>
      tpu.enqueue_dma source(%dma_start3A_75 : memref<128x128xf32, #tpu.memory_space<vmem>>) target(%dma_start3A_72 : memref<128x128xf32, #tpu.memory_space<vmem_shared>>) target_semaphore(%run_scoped3A_66 : memref<!tpu.dma_semaphore, #tpu.memory_space<semaphore_mem>>)
      %dma_wait3A = arith.constant 0 : i32
      %dma_wait3A_76 = arith.constant 0 : i32
      %dma_wait3A_77 = tpu.memref_slice %arg12[%dma_wait3A, %dma_wait3A_76] : memref<128x128xf32, #tpu.memory_space<vmem>> -> memref<128x128xf32, #tpu.memory_space<vmem>>
      %dma_wait3A_78 = arith.constant 0 : i32
      %dma_wait3A_79 = tpu.memref_slice %arg16[%add3A_19, %dma_wait3A_78] : memref<10000x128xf32, #tpu.memory_space<vmem_shared>> -> memref<128x128xf32, #tpu.memory_space<vmem_shared>>
      %dma_wait3A_80 = arith.constant 0 : i32
      %dma_wait3A_81 = tpu.memref_slice %arg16[%add3A_19, %dma_wait3A_80] : memref<10000x128xf32, #tpu.memory_space<vmem_shared>> -> memref<128x128xf32, #tpu.memory_space<vmem_shared>>
      %dma_wait3A_82 = arith.constant 0 : i32
      %dma_wait3A_83 = arith.constant 0 : i32
      %dma_wait3A_84 = tpu.memref_slice %arg12[%dma_wait3A_82, %dma_wait3A_83] : memref<128x128xf32, #tpu.memory_space<vmem>> -> memref<128x128xf32, #tpu.memory_space<vmem>>
      tpu.wait_dma2 semaphore(%run_scoped3A_66 : memref<!tpu.dma_semaphore, #tpu.memory_space<semaphore_mem>>) src(%dma_wait3A_84 : memref<128x128xf32, #tpu.memory_space<vmem>>) dst(%dma_wait3A_81 : memref<128x128xf32, #tpu.memory_space<vmem_shared>>)
      tpu.yield
    }) : () -> ()
    %add3A_20 = arith.constant 384 : i32
    %add3A_21 = arith.addi %multiple_of3A, %add3A_20 : i32
    "tpu.region"() ({
      %run_scoped3A_66 = tpu.sem_alloc : memref<!tpu.dma_semaphore, #tpu.memory_space<semaphore_mem>>
      %dma_start3A = arith.constant 0 : i32
      %dma_start3A_67 = arith.constant 0 : i32
      %dma_start3A_68 = tpu.memref_slice %arg12[%dma_start3A, %dma_start3A_67] : memref<128x128xf32, #tpu.memory_space<vmem>> -> memref<128x128xf32, #tpu.memory_space<vmem>>
      %dma_start3A_69 = arith.constant 0 : i32
      %dma_start3A_70 = tpu.memref_slice %arg16[%add3A_21, %dma_start3A_69] : memref<10000x128xf32, #tpu.memory_space<vmem_shared>> -> memref<128x128xf32, #tpu.memory_space<vmem_shared>>
      %dma_start3A_71 = arith.constant 0 : i32
      %dma_start3A_72 = tpu.memref_slice %arg16[%add3A_21, %dma_start3A_71] : memref<10000x128xf32, #tpu.memory_space<vmem_shared>> -> memref<128x128xf32, #tpu.memory_space<vmem_shared>>
      %dma_start3A_73 = arith.constant 0 : i32
      %dma_start3A_74 = arith.constant 0 : i32
      %dma_start3A_75 = tpu.memref_slice %arg12[%dma_start3A_73, %dma_start3A_74] : memref<128x128xf32, #tpu.memory_space<vmem>> -> memref<128x128xf32, #tpu.memory_space<vmem>>
      tpu.enqueue_dma source(%dma_start3A_75 : memref<128x128xf32, #tpu.memory_space<vmem>>) target(%dma_start3A_72 : memref<128x128xf32, #tpu.memory_space<vmem_shared>>) target_semaphore(%run_scoped3A_66 : memref<!tpu.dma_semaphore, #tpu.memory_space<semaphore_mem>>)
      %dma_wait3A = arith.constant 0 : i32
      %dma_wait3A_76 = arith.constant 0 : i32
      %dma_wait3A_77 = tpu.memref_slice %arg12[%dma_wait3A, %dma_wait3A_76] : memref<128x128xf32, #tpu.memory_space<vmem>> -> memref<128x128xf32, #tpu.memory_space<vmem>>
      %dma_wait3A_78 = arith.constant 0 : i32
      %dma_wait3A_79 = tpu.memref_slice %arg16[%add3A_21, %dma_wait3A_78] : memref<10000x128xf32, #tpu.memory_space<vmem_shared>> -> memref<128x128xf32, #tpu.memory_space<vmem_shared>>
      %dma_wait3A_80 = arith.constant 0 : i32
      %dma_wait3A_81 = tpu.memref_slice %arg16[%add3A_21, %dma_wait3A_80] : memref<10000x128xf32, #tpu.memory_space<vmem_shared>> -> memref<128x128xf32, #tpu.memory_space<vmem_shared>>
      %dma_wait3A_82 = arith.constant 0 : i32
      %dma_wait3A_83 = arith.constant 0 : i32
      %dma_wait3A_84 = tpu.memref_slice %arg12[%dma_wait3A_82, %dma_wait3A_83] : memref<128x128xf32, #tpu.memory_space<vmem>> -> memref<128x128xf32, #tpu.memory_space<vmem>>
      tpu.wait_dma2 semaphore(%run_scoped3A_66 : memref<!tpu.dma_semaphore, #tpu.memory_space<semaphore_mem>>) src(%dma_wait3A_84 : memref<128x128xf32, #tpu.memory_space<vmem>>) dst(%dma_wait3A_81 : memref<128x128xf32, #tpu.memory_space<vmem_shared>>)
      tpu.yield
    }) : () -> ()
    %add3A_22 = arith.constant 512 : i32
    %add3A_23 = arith.addi %multiple_of3A, %add3A_22 : i32
    "tpu.region"() ({
      %run_scoped3A_66 = tpu.sem_alloc : memref<!tpu.dma_semaphore, #tpu.memory_space<semaphore_mem>>
      %dma_start3A = arith.constant 0 : i32
      %dma_start3A_67 = arith.constant 0 : i32
      %dma_start3A_68 = tpu.memref_slice %arg12[%dma_start3A, %dma_start3A_67] : memref<128x128xf32, #tpu.memory_space<vmem>> -> memref<112x128xf32, #tpu.memory_space<vmem>>
      %dma_start3A_69 = arith.constant 0 : i32
      %dma_start3A_70 = tpu.memref_slice %arg16[%add3A_23, %dma_start3A_69] : memref<10000x128xf32, #tpu.memory_space<vmem_shared>> -> memref<112x128xf32, #tpu.memory_space<vmem_shared>>
      %dma_start3A_71 = arith.constant 0 : i32
      %dma_start3A_72 = tpu.memref_slice %arg16[%add3A_23, %dma_start3A_71] : memref<10000x128xf32, #tpu.memory_space<vmem_shared>> -> memref<112x128xf32, #tpu.memory_space<vmem_shared>>
      %dma_start3A_73 = arith.constant 0 : i32
      %dma_start3A_74 = arith.constant 0 : i32
      %dma_start3A_75 = tpu.memref_slice %arg12[%dma_start3A_73, %dma_start3A_74] : memref<128x128xf32, #tpu.memory_space<vmem>> -> memref<112x128xf32, #tpu.memory_space<vmem>>
      tpu.enqueue_dma source(%dma_start3A_75 : memref<112x128xf32, #tpu.memory_space<vmem>>) target(%dma_start3A_72 : memref<112x128xf32, #tpu.memory_space<vmem_shared>>) target_semaphore(%run_scoped3A_66 : memref<!tpu.dma_semaphore, #tpu.memory_space<semaphore_mem>>)
      %dma_wait3A = arith.constant 0 : i32
      %dma_wait3A_76 = arith.constant 0 : i32
      %dma_wait3A_77 = tpu.memref_slice %arg12[%dma_wait3A, %dma_wait3A_76] : memref<128x128xf32, #tpu.memory_space<vmem>> -> memref<112x128xf32, #tpu.memory_space<vmem>>
      %dma_wait3A_78 = arith.constant 0 : i32
      %dma_wait3A_79 = tpu.memref_slice %arg16[%add3A_23, %dma_wait3A_78] : memref<10000x128xf32, #tpu.memory_space<vmem_shared>> -> memref<112x128xf32, #tpu.memory_space<vmem_shared>>
      %dma_wait3A_80 = arith.constant 0 : i32
      %dma_wait3A_81 = tpu.memref_slice %arg16[%add3A_23, %dma_wait3A_80] : memref<10000x128xf32, #tpu.memory_space<vmem_shared>> -> memref<112x128xf32, #tpu.memory_space<vmem_shared>>
      %dma_wait3A_82 = arith.constant 0 : i32
      %dma_wait3A_83 = arith.constant 0 : i32
      %dma_wait3A_84 = tpu.memref_slice %arg12[%dma_wait3A_82, %dma_wait3A_83] : memref<128x128xf32, #tpu.memory_space<vmem>> -> memref<112x128xf32, #tpu.memory_space<vmem>>
      tpu.wait_dma2 semaphore(%run_scoped3A_66 : memref<!tpu.dma_semaphore, #tpu.memory_space<semaphore_mem>>) src(%dma_wait3A_84 : memref<112x128xf32, #tpu.memory_space<vmem>>) dst(%dma_wait3A_81 : memref<112x128xf32, #tpu.memory_space<vmem_shared>>)
      tpu.yield
    }) : () -> ()
    %lt3A = arith.constant 2 : i32
    %lt3A_24 = arith.cmpi slt, %arg1, %lt3A : i32
    %convert_element_type3A = arith.extui %lt3A_24 : i1 to i32
    %cond3A = arith.constant 0 : i32
    %cond3A_25 = arith.cmpi ne, %convert_element_type3A, %cond3A : i32
    scf.if %cond3A_25 {
      %add3A_66 = arith.constant 624 : i32
      %add3A_67 = arith.addi %multiple_of3A, %add3A_66 : i32
      "tpu.region"() ({
        %run_scoped3A_68 = tpu.sem_alloc : memref<!tpu.dma_semaphore, #tpu.memory_space<semaphore_mem>>
        %dma_start3A = arith.constant 0 : i32
        %dma_start3A_69 = arith.constant 0 : i32
        %dma_start3A_70 = tpu.memref_slice %arg12[%dma_start3A, %dma_start3A_69] : memref<128x128xf32, #tpu.memory_space<vmem>> -> memref<8x128xf32, #tpu.memory_space<vmem>>
        %dma_start3A_71 = arith.constant 0 : i32
        %dma_start3A_72 = tpu.memref_slice %arg16[%add3A_67, %dma_start3A_71] : memref<10000x128xf32, #tpu.memory_space<vmem_shared>> -> memref<8x128xf32, #tpu.memory_space<vmem_shared>>
        %dma_start3A_73 = arith.constant 0 : i32
        %dma_start3A_74 = tpu.memref_slice %arg16[%add3A_67, %dma_start3A_73] : memref<10000x128xf32, #tpu.memory_space<vmem_shared>> -> memref<8x128xf32, #tpu.memory_space<vmem_shared>>
        %dma_start3A_75 = arith.constant 0 : i32
        %dma_start3A_76 = arith.constant 0 : i32
        %dma_start3A_77 = tpu.memref_slice %arg12[%dma_start3A_75, %dma_start3A_76] : memref<128x128xf32, #tpu.memory_space<vmem>> -> memref<8x128xf32, #tpu.memory_space<vmem>>
        tpu.enqueue_dma source(%dma_start3A_77 : memref<8x128xf32, #tpu.memory_space<vmem>>) target(%dma_start3A_74 : memref<8x128xf32, #tpu.memory_space<vmem_shared>>) target_semaphore(%run_scoped3A_68 : memref<!tpu.dma_semaphore, #tpu.memory_space<semaphore_mem>>)
        %dma_wait3A = arith.constant 0 : i32
        %dma_wait3A_78 = arith.constant 0 : i32
        %dma_wait3A_79 = tpu.memref_slice %arg12[%dma_wait3A, %dma_wait3A_78] : memref<128x128xf32, #tpu.memory_space<vmem>> -> memref<8x128xf32, #tpu.memory_space<vmem>>
        %dma_wait3A_80 = arith.constant 0 : i32
        %dma_wait3A_81 = tpu.memref_slice %arg16[%add3A_67, %dma_wait3A_80] : memref<10000x128xf32, #tpu.memory_space<vmem_shared>> -> memref<8x128xf32, #tpu.memory_space<vmem_shared>>
        %dma_wait3A_82 = arith.constant 0 : i32
        %dma_wait3A_83 = tpu.memref_slice %arg16[%add3A_67, %dma_wait3A_82] : memref<10000x128xf32, #tpu.memory_space<vmem_shared>> -> memref<8x128xf32, #tpu.memory_space<vmem_shared>>
        %dma_wait3A_84 = arith.constant 0 : i32
        %dma_wait3A_85 = arith.constant 0 : i32
        %dma_wait3A_86 = tpu.memref_slice %arg12[%dma_wait3A_84, %dma_wait3A_85] : memref<128x128xf32, #tpu.memory_space<vmem>> -> memref<8x128xf32, #tpu.memory_space<vmem>>
        tpu.wait_dma2 semaphore(%run_scoped3A_68 : memref<!tpu.dma_semaphore, #tpu.memory_space<semaphore_mem>>) src(%dma_wait3A_86 : memref<8x128xf32, #tpu.memory_space<vmem>>) dst(%dma_wait3A_83 : memref<8x128xf32, #tpu.memory_space<vmem_shared>>)
        tpu.yield
      }) : () -> ()
    } else {
    }
    %scan3A_26 = arith.constant 0 : i32
    %scan3A_27 = arith.constant 0 : i32
    %scan3A_28 = arith.constant 625 : i32
    %scan3A_29 = arith.addi %scan3A_27, %scan3A_28 : i32
    %scan3A_30 = arith.constant 1 : i32
    %scan3A_31 = scf.for %scan3A_66 = %scan3A_27 to %scan3A_29 step %scan3A_30 iter_args(%scan3A_67 = %scan3A_26) -> (i32)  : i32 {
      %mul3A_68 = arith.constant 16 : i32
      %mul3A_69 = arith.muli %scan3A_66, %mul3A_68 : i32
      %swap3A = arith.index_cast %mul3A_69 : i32 to index
      %swap3A_70 = tpu.vector_load %arg11[%swap3A] {strides = array<i32>} : memref<10000xf32, #tpu.memory_space<vmem>>, vector<16xf32>,
      tpu.vector_store %arg11[%swap3A], %broadcast_in_dim3A_1 {strides = array<i32>} : memref<10000xf32, #tpu.memory_space<vmem>>, vector<16xf32>,
      %scan3A_71 = arith.constant 0 : i32
      scf.yield %scan3A_71 : i32
    }
    %scan3A_32 = arith.constant 625 : i32
    "tpu.region"() ({
      %run_scoped3A_66 = tpu.sem_alloc : memref<!tpu.dma_semaphore, #tpu.memory_space<semaphore_mem>>
      tpu.enqueue_dma source(%arg3 : memref<10000xf32, #tpu.memory_space<hbm>>) target(%arg9 : memref<10000xf32, #tpu.memory_space<vmem>>) target_semaphore(%run_scoped3A_66 : memref<!tpu.dma_semaphore, #tpu.memory_space<semaphore_mem>>)
      tpu.wait_dma2 semaphore(%run_scoped3A_66 : memref<!tpu.dma_semaphore, #tpu.memory_space<semaphore_mem>>) src(%arg3 : memref<10000xf32, #tpu.memory_space<hbm>>) dst(%arg9 : memref<10000xf32, #tpu.memory_space<vmem>>)
      tpu.yield
    }) : () -> ()
    "tpu.region"() ({
      %run_scoped3A_66 = tpu.sem_alloc : memref<!tpu.dma_semaphore, #tpu.memory_space<semaphore_mem>>
      tpu.enqueue_dma source(%arg4 : memref<10000xf32, #tpu.memory_space<hbm>>) target(%arg10 : memref<10000xf32, #tpu.memory_space<vmem>>) target_semaphore(%run_scoped3A_66 : memref<!tpu.dma_semaphore, #tpu.memory_space<semaphore_mem>>)
      tpu.wait_dma2 semaphore(%run_scoped3A_66 : memref<!tpu.dma_semaphore, #tpu.memory_space<semaphore_mem>>) src(%arg4 : memref<10000xf32, #tpu.memory_space<hbm>>) dst(%arg10 : memref<10000xf32, #tpu.memory_space<vmem>>)
      tpu.yield
    }) : () -> ()
    %barrier3A = arith.constant 0 : index
    tpu.barrier barrier_id(%barrier3A)
    %iota3A = tpu.iota {dimensions = array<i32: 0>} : vector<16xi32>
    %scan3A_33 = arith.constant 0 : i32
    %scan3A_34 = arith.constant 0 : i32
    %scan3A_35 = arith.constant 79 : i32
    %scan3A_36 = arith.addi %scan3A_34, %scan3A_35 : i32
    %scan3A_37 = arith.constant 1 : i32
    %scan3A_38 = scf.for %scan3A_66 = %scan3A_34 to %scan3A_36 step %scan3A_37 iter_args(%scan3A_67 = %scan3A_33) -> (i32)  : i32 {
      %mul3A_68 = arith.constant 10000 : i32
      %mul3A_69 = arith.muli %add3A, %mul3A_68 : i32
      %mul3A_70 = arith.constant 128 : i32
      %mul3A_71 = arith.muli %scan3A_66, %mul3A_70 : i32
      %add3A_72 = arith.addi %mul3A_69, %mul3A_71 : i32
      "tpu.region"() ({
        %run_scoped3A_310 = tpu.sem_alloc : memref<!tpu.dma_semaphore, #tpu.memory_space<semaphore_mem>>
        %dma_start3A_311 = tpu.memref_slice %arg5[%add3A_72] : memref<320112xi32, #tpu.memory_space<hbm>> -> memref<128xi32, #tpu.memory_space<hbm>>
        %dma_start3A_312 = tpu.memref_slice %arg5[%add3A_72] : memref<320112xi32, #tpu.memory_space<hbm>> -> memref<128xi32, #tpu.memory_space<hbm>>
        tpu.enqueue_dma source(%dma_start3A_312 : memref<128xi32, #tpu.memory_space<hbm>>) target(%arg13 : memref<128xi32, #tpu.memory_space<vmem>>) target_semaphore(%run_scoped3A_310 : memref<!tpu.dma_semaphore, #tpu.memory_space<semaphore_mem>>)
        %dma_wait3A_313 = tpu.memref_slice %arg5[%add3A_72] : memref<320112xi32, #tpu.memory_space<hbm>> -> memref<128xi32, #tpu.memory_space<hbm>>
        %dma_wait3A_314 = tpu.memref_slice %arg5[%add3A_72] : memref<320112xi32, #tpu.memory_space<hbm>> -> memref<128xi32, #tpu.memory_space<hbm>>
        tpu.wait_dma2 semaphore(%run_scoped3A_310 : memref<!tpu.dma_semaphore, #tpu.memory_space<semaphore_mem>>) src(%dma_wait3A_314 : memref<128xi32, #tpu.memory_space<hbm>>) dst(%arg13 : memref<128xi32, #tpu.memory_space<vmem>>)
        tpu.yield
      }) : () -> ()
      "tpu.region"() ({
        %run_scoped3A_310 = tpu.sem_alloc : memref<!tpu.dma_semaphore, #tpu.memory_space<semaphore_mem>>
        %dma_start3A_311 = tpu.memref_slice %arg6[%add3A_72] : memref<320112xi32, #tpu.memory_space<hbm>> -> memref<128xi32, #tpu.memory_space<hbm>>
        %dma_start3A_312 = tpu.memref_slice %arg6[%add3A_72] : memref<320112xi32, #tpu.memory_space<hbm>> -> memref<128xi32, #tpu.memory_space<hbm>>
        tpu.enqueue_dma source(%dma_start3A_312 : memref<128xi32, #tpu.memory_space<hbm>>) target(%arg14 : memref<128xi32, #tpu.memory_space<vmem>>) target_semaphore(%run_scoped3A_310 : memref<!tpu.dma_semaphore, #tpu.memory_space<semaphore_mem>>)
        %dma_wait3A_313 = tpu.memref_slice %arg6[%add3A_72] : memref<320112xi32, #tpu.memory_space<hbm>> -> memref<128xi32, #tpu.memory_space<hbm>>
        %dma_wait3A_314 = tpu.memref_slice %arg6[%add3A_72] : memref<320112xi32, #tpu.memory_space<hbm>> -> memref<128xi32, #tpu.memory_space<hbm>>
        tpu.wait_dma2 semaphore(%run_scoped3A_310 : memref<!tpu.dma_semaphore, #tpu.memory_space<semaphore_mem>>) src(%dma_wait3A_314 : memref<128xi32, #tpu.memory_space<hbm>>) dst(%arg14 : memref<128xi32, #tpu.memory_space<vmem>>)
        tpu.yield
      }) : () -> ()
      %dma_start3A = arith.constant 0 : i32
      %dma_start3A_73 = arith.constant 0 : i32
      %dma_start3A_74 = tpu.memref_slice %arg2[%dma_start3A, %dma_start3A_73] : memref<10000x128xf32, #tpu.memory_space<hbm>> -> memref<10000x128xf32, #tpu.memory_space<hbm>>
      tpu.enqueue_indirect_dma source(%dma_start3A_74 : memref<10000x128xf32, #tpu.memory_space<hbm>>) target(%arg12 : memref<128x128xf32, #tpu.memory_space<vmem>>) offsets(%arg13 : memref<128xi32, #tpu.memory_space<vmem>>) semaphore(%arg17 : memref<!tpu.dma_semaphore, #tpu.memory_space<semaphore_mem>>)
      %get3A = arith.constant 0 : index
      %get3A_75 = tpu.vector_load %arg13[%get3A] {strides = array<i32>} : memref<128xi32, #tpu.memory_space<vmem>>, vector<16xi32>,
      %get3A_76 = arith.constant 0 : index
      %get3A_77 = tpu.vector_load %arg14[%get3A_76] {strides = array<i32>} : memref<128xi32, #tpu.memory_space<vmem>>, vector<16xi32>,
      %gather3A = tpu.vector_load_idx %arg9[%get3A_75] : memref<10000xf32, #tpu.memory_space<vmem>>[vector<16xi32>], vector<16xf32>,
      %gather3A_78 = tpu.vector_load_idx %arg10[%get3A_77] : memref<10000xf32, #tpu.memory_space<vmem>>[vector<16xi32>], vector<16xf32>,
      %add3A_79 = arith.addf %gather3A, %gather3A_78 : vector<16xf32>
      %gt3A = arith.constant 0.000000e+00 : f32
      %gt3A_80 = vector.broadcast %gt3A : f32 to vector<16xf32>
      %gt3A_81 = arith.cmpf ogt, %add3A_79, %gt3A_80 : vector<16xf32>
      %mul3A_82 = arith.constant 2.000000e-01 : f32
      %mul3A_83 = vector.broadcast %mul3A_82 : f32 to vector<16xf32>
      %mul3A_84 = arith.mulf %mul3A_83, %add3A_79 : vector<16xf32>
      %select_n3A = arith.select %gt3A_81, %add3A_79, %mul3A_84 : vector<16xi1>, vector<16xf32>
      %exp3A = math.exp %select_n3A : vector<16xf32>
      %mul3A_85 = arith.constant 128 : i32
      %mul3A_86 = arith.muli %scan3A_66, %mul3A_85 : i32
      %add3A_87 = arith.constant 0 : i32
      %add3A_88 = arith.addi %mul3A_86, %add3A_87 : i32
      %add3A_89 = vector.broadcast %add3A_88 : i32 to vector<16xi32>
      %add3A_90 = arith.addi %add3A_89, %iota3A : vector<16xi32>
      %lt3A_91 = arith.constant 10000 : i32
      %lt3A_92 = vector.broadcast %lt3A_91 : i32 to vector<16xi32>
      %lt3A_93 = arith.cmpi slt, %add3A_90, %lt3A_92 : vector<16xi32>
      %jit3A = arith.constant 0.000000e+00 : f32
      %broadcast_in_dim3A_94 = vector.broadcast %jit3A : f32 to vector<16xf32>
      %select_n3A_95 = arith.select %lt3A_93, %exp3A, %broadcast_in_dim3A_94 : vector<16xi1>, vector<16xf32>
      %swap3A = arith.constant 0 : index
      %swap3A_96 = tpu.vector_load %arg15[%swap3A] {strides = array<i32>} : memref<128xf32, #tpu.memory_space<vmem>>, vector<16xf32>,
      tpu.vector_store %arg15[%swap3A], %select_n3A_95 {strides = array<i32>} : memref<128xf32, #tpu.memory_space<vmem>>, vector<16xf32>,
      tpu.vector_store_idx %arg11[%get3A_77], %select_n3A_95 {add = true} : memref<10000xf32, #tpu.memory_space<vmem>>[vector<16xi32>], vector<16xf32>,
      %get3A_97 = arith.constant 16 : index
      %get3A_98 = tpu.vector_load %arg13[%get3A_97] {strides = array<i32>} : memref<128xi32, #tpu.memory_space<vmem>>, vector<16xi32>,
      %get3A_99 = arith.constant 16 : index
      %get3A_100 = tpu.vector_load %arg14[%get3A_99] {strides = array<i32>} : memref<128xi32, #tpu.memory_space<vmem>>, vector<16xi32>,
      %gather3A_101 = tpu.vector_load_idx %arg9[%get3A_98] : memref<10000xf32, #tpu.memory_space<vmem>>[vector<16xi32>], vector<16xf32>,
      %gather3A_102 = tpu.vector_load_idx %arg10[%get3A_100] : memref<10000xf32, #tpu.memory_space<vmem>>[vector<16xi32>], vector<16xf32>,
      %add3A_103 = arith.addf %gather3A_101, %gather3A_102 : vector<16xf32>
      %gt3A_104 = arith.constant 0.000000e+00 : f32
      %gt3A_105 = vector.broadcast %gt3A_104 : f32 to vector<16xf32>
      %gt3A_106 = arith.cmpf ogt, %add3A_103, %gt3A_105 : vector<16xf32>
      %mul3A_107 = arith.constant 2.000000e-01 : f32
      %mul3A_108 = vector.broadcast %mul3A_107 : f32 to vector<16xf32>
      %mul3A_109 = arith.mulf %mul3A_108, %add3A_103 : vector<16xf32>
      %select_n3A_110 = arith.select %gt3A_106, %add3A_103, %mul3A_109 : vector<16xi1>, vector<16xf32>
      %exp3A_111 = math.exp %select_n3A_110 : vector<16xf32>
      %mul3A_112 = arith.constant 128 : i32
      %mul3A_113 = arith.muli %scan3A_66, %mul3A_112 : i32
      %add3A_114 = arith.constant 16 : i32
      %add3A_115 = arith.addi %mul3A_113, %add3A_114 : i32
      %add3A_116 = vector.broadcast %add3A_115 : i32 to vector<16xi32>
      %add3A_117 = arith.addi %add3A_116, %iota3A : vector<16xi32>
      %lt3A_118 = arith.constant 10000 : i32
      %lt3A_119 = vector.broadcast %lt3A_118 : i32 to vector<16xi32>
      %lt3A_120 = arith.cmpi slt, %add3A_117, %lt3A_119 : vector<16xi32>
      %jit3A_121 = arith.constant 0.000000e+00 : f32
      %broadcast_in_dim3A_122 = vector.broadcast %jit3A_121 : f32 to vector<16xf32>
      %select_n3A_123 = arith.select %lt3A_120, %exp3A_111, %broadcast_in_dim3A_122 : vector<16xi1>, vector<16xf32>
      %swap3A_124 = arith.constant 16 : index
      %swap3A_125 = tpu.vector_load %arg15[%swap3A_124] {strides = array<i32>} : memref<128xf32, #tpu.memory_space<vmem>>, vector<16xf32>,
      tpu.vector_store %arg15[%swap3A_124], %select_n3A_123 {strides = array<i32>} : memref<128xf32, #tpu.memory_space<vmem>>, vector<16xf32>,
      tpu.vector_store_idx %arg11[%get3A_100], %select_n3A_123 {add = true} : memref<10000xf32, #tpu.memory_space<vmem>>[vector<16xi32>], vector<16xf32>,
      %get3A_126 = arith.constant 32 : index
      %get3A_127 = tpu.vector_load %arg13[%get3A_126] {strides = array<i32>} : memref<128xi32, #tpu.memory_space<vmem>>, vector<16xi32>,
      %get3A_128 = arith.constant 32 : index
      %get3A_129 = tpu.vector_load %arg14[%get3A_128] {strides = array<i32>} : memref<128xi32, #tpu.memory_space<vmem>>, vector<16xi32>,
      %gather3A_130 = tpu.vector_load_idx %arg9[%get3A_127] : memref<10000xf32, #tpu.memory_space<vmem>>[vector<16xi32>], vector<16xf32>,
      %gather3A_131 = tpu.vector_load_idx %arg10[%get3A_129] : memref<10000xf32, #tpu.memory_space<vmem>>[vector<16xi32>], vector<16xf32>,
      %add3A_132 = arith.addf %gather3A_130, %gather3A_131 : vector<16xf32>
      %gt3A_133 = arith.constant 0.000000e+00 : f32
      %gt3A_134 = vector.broadcast %gt3A_133 : f32 to vector<16xf32>
      %gt3A_135 = arith.cmpf ogt, %add3A_132, %gt3A_134 : vector<16xf32>
      %mul3A_136 = arith.constant 2.000000e-01 : f32
      %mul3A_137 = vector.broadcast %mul3A_136 : f32 to vector<16xf32>
      %mul3A_138 = arith.mulf %mul3A_137, %add3A_132 : vector<16xf32>
      %select_n3A_139 = arith.select %gt3A_135, %add3A_132, %mul3A_138 : vector<16xi1>, vector<16xf32>
      %exp3A_140 = math.exp %select_n3A_139 : vector<16xf32>
      %mul3A_141 = arith.constant 128 : i32
      %mul3A_142 = arith.muli %scan3A_66, %mul3A_141 : i32
      %add3A_143 = arith.constant 32 : i32
      %add3A_144 = arith.addi %mul3A_142, %add3A_143 : i32
      %add3A_145 = vector.broadcast %add3A_144 : i32 to vector<16xi32>
      %add3A_146 = arith.addi %add3A_145, %iota3A : vector<16xi32>
      %lt3A_147 = arith.constant 10000 : i32
      %lt3A_148 = vector.broadcast %lt3A_147 : i32 to vector<16xi32>
      %lt3A_149 = arith.cmpi slt, %add3A_146, %lt3A_148 : vector<16xi32>
      %jit3A_150 = arith.constant 0.000000e+00 : f32
      %broadcast_in_dim3A_151 = vector.broadcast %jit3A_150 : f32 to vector<16xf32>
      %select_n3A_152 = arith.select %lt3A_149, %exp3A_140, %broadcast_in_dim3A_151 : vector<16xi1>, vector<16xf32>
      %swap3A_153 = arith.constant 32 : index
      %swap3A_154 = tpu.vector_load %arg15[%swap3A_153] {strides = array<i32>} : memref<128xf32, #tpu.memory_space<vmem>>, vector<16xf32>,
      tpu.vector_store %arg15[%swap3A_153], %select_n3A_152 {strides = array<i32>} : memref<128xf32, #tpu.memory_space<vmem>>, vector<16xf32>,
      tpu.vector_store_idx %arg11[%get3A_129], %select_n3A_152 {add = true} : memref<10000xf32, #tpu.memory_space<vmem>>[vector<16xi32>], vector<16xf32>,
      %get3A_155 = arith.constant 48 : index
      %get3A_156 = tpu.vector_load %arg13[%get3A_155] {strides = array<i32>} : memref<128xi32, #tpu.memory_space<vmem>>, vector<16xi32>,
      %get3A_157 = arith.constant 48 : index
      %get3A_158 = tpu.vector_load %arg14[%get3A_157] {strides = array<i32>} : memref<128xi32, #tpu.memory_space<vmem>>, vector<16xi32>,
      %gather3A_159 = tpu.vector_load_idx %arg9[%get3A_156] : memref<10000xf32, #tpu.memory_space<vmem>>[vector<16xi32>], vector<16xf32>,
      %gather3A_160 = tpu.vector_load_idx %arg10[%get3A_158] : memref<10000xf32, #tpu.memory_space<vmem>>[vector<16xi32>], vector<16xf32>,
      %add3A_161 = arith.addf %gather3A_159, %gather3A_160 : vector<16xf32>
      %gt3A_162 = arith.constant 0.000000e+00 : f32
      %gt3A_163 = vector.broadcast %gt3A_162 : f32 to vector<16xf32>
      %gt3A_164 = arith.cmpf ogt, %add3A_161, %gt3A_163 : vector<16xf32>
      %mul3A_165 = arith.constant 2.000000e-01 : f32
      %mul3A_166 = vector.broadcast %mul3A_165 : f32 to vector<16xf32>
      %mul3A_167 = arith.mulf %mul3A_166, %add3A_161 : vector<16xf32>
      %select_n3A_168 = arith.select %gt3A_164, %add3A_161, %mul3A_167 : vector<16xi1>, vector<16xf32>
      %exp3A_169 = math.exp %select_n3A_168 : vector<16xf32>
      %mul3A_170 = arith.constant 128 : i32
      %mul3A_171 = arith.muli %scan3A_66, %mul3A_170 : i32
      %add3A_172 = arith.constant 48 : i32
      %add3A_173 = arith.addi %mul3A_171, %add3A_172 : i32
      %add3A_174 = vector.broadcast %add3A_173 : i32 to vector<16xi32>
      %add3A_175 = arith.addi %add3A_174, %iota3A : vector<16xi32>
      %lt3A_176 = arith.constant 10000 : i32
      %lt3A_177 = vector.broadcast %lt3A_176 : i32 to vector<16xi32>
      %lt3A_178 = arith.cmpi slt, %add3A_175, %lt3A_177 : vector<16xi32>
      %jit3A_179 = arith.constant 0.000000e+00 : f32
      %broadcast_in_dim3A_180 = vector.broadcast %jit3A_179 : f32 to vector<16xf32>
      %select_n3A_181 = arith.select %lt3A_178, %exp3A_169, %broadcast_in_dim3A_180 : vector<16xi1>, vector<16xf32>
      %swap3A_182 = arith.constant 48 : index
      %swap3A_183 = tpu.vector_load %arg15[%swap3A_182] {strides = array<i32>} : memref<128xf32, #tpu.memory_space<vmem>>, vector<16xf32>,
      tpu.vector_store %arg15[%swap3A_182], %select_n3A_181 {strides = array<i32>} : memref<128xf32, #tpu.memory_space<vmem>>, vector<16xf32>,
      tpu.vector_store_idx %arg11[%get3A_158], %select_n3A_181 {add = true} : memref<10000xf32, #tpu.memory_space<vmem>>[vector<16xi32>], vector<16xf32>,
      %get3A_184 = arith.constant 64 : index
      %get3A_185 = tpu.vector_load %arg13[%get3A_184] {strides = array<i32>} : memref<128xi32, #tpu.memory_space<vmem>>, vector<16xi32>,
      %get3A_186 = arith.constant 64 : index
      %get3A_187 = tpu.vector_load %arg14[%get3A_186] {strides = array<i32>} : memref<128xi32, #tpu.memory_space<vmem>>, vector<16xi32>,
      %gather3A_188 = tpu.vector_load_idx %arg9[%get3A_185] : memref<10000xf32, #tpu.memory_space<vmem>>[vector<16xi32>], vector<16xf32>,
      %gather3A_189 = tpu.vector_load_idx %arg10[%get3A_187] : memref<10000xf32, #tpu.memory_space<vmem>>[vector<16xi32>], vector<16xf32>,
      %add3A_190 = arith.addf %gather3A_188, %gather3A_189 : vector<16xf32>
      %gt3A_191 = arith.constant 0.000000e+00 : f32
      %gt3A_192 = vector.broadcast %gt3A_191 : f32 to vector<16xf32>
      %gt3A_193 = arith.cmpf ogt, %add3A_190, %gt3A_192 : vector<16xf32>
      %mul3A_194 = arith.constant 2.000000e-01 : f32
      %mul3A_195 = vector.broadcast %mul3A_194 : f32 to vector<16xf32>
      %mul3A_196 = arith.mulf %mul3A_195, %add3A_190 : vector<16xf32>
      %select_n3A_197 = arith.select %gt3A_193, %add3A_190, %mul3A_196 : vector<16xi1>, vector<16xf32>
      %exp3A_198 = math.exp %select_n3A_197 : vector<16xf32>
      %mul3A_199 = arith.constant 128 : i32
      %mul3A_200 = arith.muli %scan3A_66, %mul3A_199 : i32
      %add3A_201 = arith.constant 64 : i32
      %add3A_202 = arith.addi %mul3A_200, %add3A_201 : i32
      %add3A_203 = vector.broadcast %add3A_202 : i32 to vector<16xi32>
      %add3A_204 = arith.addi %add3A_203, %iota3A : vector<16xi32>
      %lt3A_205 = arith.constant 10000 : i32
      %lt3A_206 = vector.broadcast %lt3A_205 : i32 to vector<16xi32>
      %lt3A_207 = arith.cmpi slt, %add3A_204, %lt3A_206 : vector<16xi32>
      %jit3A_208 = arith.constant 0.000000e+00 : f32
      %broadcast_in_dim3A_209 = vector.broadcast %jit3A_208 : f32 to vector<16xf32>
      %select_n3A_210 = arith.select %lt3A_207, %exp3A_198, %broadcast_in_dim3A_209 : vector<16xi1>, vector<16xf32>
      %swap3A_211 = arith.constant 64 : index
      %swap3A_212 = tpu.vector_load %arg15[%swap3A_211] {strides = array<i32>} : memref<128xf32, #tpu.memory_space<vmem>>, vector<16xf32>,
      tpu.vector_store %arg15[%swap3A_211], %select_n3A_210 {strides = array<i32>} : memref<128xf32, #tpu.memory_space<vmem>>, vector<16xf32>,
      tpu.vector_store_idx %arg11[%get3A_187], %select_n3A_210 {add = true} : memref<10000xf32, #tpu.memory_space<vmem>>[vector<16xi32>], vector<16xf32>,
      %get3A_213 = arith.constant 80 : index
      %get3A_214 = tpu.vector_load %arg13[%get3A_213] {strides = array<i32>} : memref<128xi32, #tpu.memory_space<vmem>>, vector<16xi32>,
      %get3A_215 = arith.constant 80 : index
      %get3A_216 = tpu.vector_load %arg14[%get3A_215] {strides = array<i32>} : memref<128xi32, #tpu.memory_space<vmem>>, vector<16xi32>,
      %gather3A_217 = tpu.vector_load_idx %arg9[%get3A_214] : memref<10000xf32, #tpu.memory_space<vmem>>[vector<16xi32>], vector<16xf32>,
      %gather3A_218 = tpu.vector_load_idx %arg10[%get3A_216] : memref<10000xf32, #tpu.memory_space<vmem>>[vector<16xi32>], vector<16xf32>,
      %add3A_219 = arith.addf %gather3A_217, %gather3A_218 : vector<16xf32>
      %gt3A_220 = arith.constant 0.000000e+00 : f32
      %gt3A_221 = vector.broadcast %gt3A_220 : f32 to vector<16xf32>
      %gt3A_222 = arith.cmpf ogt, %add3A_219, %gt3A_221 : vector<16xf32>
      %mul3A_223 = arith.constant 2.000000e-01 : f32
      %mul3A_224 = vector.broadcast %mul3A_223 : f32 to vector<16xf32>
      %mul3A_225 = arith.mulf %mul3A_224, %add3A_219 : vector<16xf32>
      %select_n3A_226 = arith.select %gt3A_222, %add3A_219, %mul3A_225 : vector<16xi1>, vector<16xf32>
      %exp3A_227 = math.exp %select_n3A_226 : vector<16xf32>
      %mul3A_228 = arith.constant 128 : i32
      %mul3A_229 = arith.muli %scan3A_66, %mul3A_228 : i32
      %add3A_230 = arith.constant 80 : i32
      %add3A_231 = arith.addi %mul3A_229, %add3A_230 : i32
      %add3A_232 = vector.broadcast %add3A_231 : i32 to vector<16xi32>
      %add3A_233 = arith.addi %add3A_232, %iota3A : vector<16xi32>
      %lt3A_234 = arith.constant 10000 : i32
      %lt3A_235 = vector.broadcast %lt3A_234 : i32 to vector<16xi32>
      %lt3A_236 = arith.cmpi slt, %add3A_233, %lt3A_235 : vector<16xi32>
      %jit3A_237 = arith.constant 0.000000e+00 : f32
      %broadcast_in_dim3A_238 = vector.broadcast %jit3A_237 : f32 to vector<16xf32>
      %select_n3A_239 = arith.select %lt3A_236, %exp3A_227, %broadcast_in_dim3A_238 : vector<16xi1>, vector<16xf32>
      %swap3A_240 = arith.constant 80 : index
      %swap3A_241 = tpu.vector_load %arg15[%swap3A_240] {strides = array<i32>} : memref<128xf32, #tpu.memory_space<vmem>>, vector<16xf32>,
      tpu.vector_store %arg15[%swap3A_240], %select_n3A_239 {strides = array<i32>} : memref<128xf32, #tpu.memory_space<vmem>>, vector<16xf32>,
      tpu.vector_store_idx %arg11[%get3A_216], %select_n3A_239 {add = true} : memref<10000xf32, #tpu.memory_space<vmem>>[vector<16xi32>], vector<16xf32>,
      %get3A_242 = arith.constant 96 : index
      %get3A_243 = tpu.vector_load %arg13[%get3A_242] {strides = array<i32>} : memref<128xi32, #tpu.memory_space<vmem>>, vector<16xi32>,
      %get3A_244 = arith.constant 96 : index
      %get3A_245 = tpu.vector_load %arg14[%get3A_244] {strides = array<i32>} : memref<128xi32, #tpu.memory_space<vmem>>, vector<16xi32>,
      %gather3A_246 = tpu.vector_load_idx %arg9[%get3A_243] : memref<10000xf32, #tpu.memory_space<vmem>>[vector<16xi32>], vector<16xf32>,
      %gather3A_247 = tpu.vector_load_idx %arg10[%get3A_245] : memref<10000xf32, #tpu.memory_space<vmem>>[vector<16xi32>], vector<16xf32>,
      %add3A_248 = arith.addf %gather3A_246, %gather3A_247 : vector<16xf32>
      %gt3A_249 = arith.constant 0.000000e+00 : f32
      %gt3A_250 = vector.broadcast %gt3A_249 : f32 to vector<16xf32>
      %gt3A_251 = arith.cmpf ogt, %add3A_248, %gt3A_250 : vector<16xf32>
      %mul3A_252 = arith.constant 2.000000e-01 : f32
      %mul3A_253 = vector.broadcast %mul3A_252 : f32 to vector<16xf32>
      %mul3A_254 = arith.mulf %mul3A_253, %add3A_248 : vector<16xf32>
      %select_n3A_255 = arith.select %gt3A_251, %add3A_248, %mul3A_254 : vector<16xi1>, vector<16xf32>
      %exp3A_256 = math.exp %select_n3A_255 : vector<16xf32>
      %mul3A_257 = arith.constant 128 : i32
      %mul3A_258 = arith.muli %scan3A_66, %mul3A_257 : i32
      %add3A_259 = arith.constant 96 : i32
      %add3A_260 = arith.addi %mul3A_258, %add3A_259 : i32
      %add3A_261 = vector.broadcast %add3A_260 : i32 to vector<16xi32>
      %add3A_262 = arith.addi %add3A_261, %iota3A : vector<16xi32>
      %lt3A_263 = arith.constant 10000 : i32
      %lt3A_264 = vector.broadcast %lt3A_263 : i32 to vector<16xi32>
      %lt3A_265 = arith.cmpi slt, %add3A_262, %lt3A_264 : vector<16xi32>
      %jit3A_266 = arith.constant 0.000000e+00 : f32
      %broadcast_in_dim3A_267 = vector.broadcast %jit3A_266 : f32 to vector<16xf32>
      %select_n3A_268 = arith.select %lt3A_265, %exp3A_256, %broadcast_in_dim3A_267 : vector<16xi1>, vector<16xf32>
      %swap3A_269 = arith.constant 96 : index
      %swap3A_270 = tpu.vector_load %arg15[%swap3A_269] {strides = array<i32>} : memref<128xf32, #tpu.memory_space<vmem>>, vector<16xf32>,
      tpu.vector_store %arg15[%swap3A_269], %select_n3A_268 {strides = array<i32>} : memref<128xf32, #tpu.memory_space<vmem>>, vector<16xf32>,
      tpu.vector_store_idx %arg11[%get3A_245], %select_n3A_268 {add = true} : memref<10000xf32, #tpu.memory_space<vmem>>[vector<16xi32>], vector<16xf32>,
      %get3A_271 = arith.constant 112 : index
      %get3A_272 = tpu.vector_load %arg13[%get3A_271] {strides = array<i32>} : memref<128xi32, #tpu.memory_space<vmem>>, vector<16xi32>,
      %get3A_273 = arith.constant 112 : index
      %get3A_274 = tpu.vector_load %arg14[%get3A_273] {strides = array<i32>} : memref<128xi32, #tpu.memory_space<vmem>>, vector<16xi32>,
      %gather3A_275 = tpu.vector_load_idx %arg9[%get3A_272] : memref<10000xf32, #tpu.memory_space<vmem>>[vector<16xi32>], vector<16xf32>,
      %gather3A_276 = tpu.vector_load_idx %arg10[%get3A_274] : memref<10000xf32, #tpu.memory_space<vmem>>[vector<16xi32>], vector<16xf32>,
      %add3A_277 = arith.addf %gather3A_275, %gather3A_276 : vector<16xf32>
      %gt3A_278 = arith.constant 0.000000e+00 : f32
      %gt3A_279 = vector.broadcast %gt3A_278 : f32 to vector<16xf32>
      %gt3A_280 = arith.cmpf ogt, %add3A_277, %gt3A_279 : vector<16xf32>
      %mul3A_281 = arith.constant 2.000000e-01 : f32
      %mul3A_282 = vector.broadcast %mul3A_281 : f32 to vector<16xf32>
      %mul3A_283 = arith.mulf %mul3A_282, %add3A_277 : vector<16xf32>
      %select_n3A_284 = arith.select %gt3A_280, %add3A_277, %mul3A_283 : vector<16xi1>, vector<16xf32>
      %exp3A_285 = math.exp %select_n3A_284 : vector<16xf32>
      %mul3A_286 = arith.constant 128 : i32
      %mul3A_287 = arith.muli %scan3A_66, %mul3A_286 : i32
      %add3A_288 = arith.constant 112 : i32
      %add3A_289 = arith.addi %mul3A_287, %add3A_288 : i32
      %add3A_290 = vector.broadcast %add3A_289 : i32 to vector<16xi32>
      %add3A_291 = arith.addi %add3A_290, %iota3A : vector<16xi32>
      %lt3A_292 = arith.constant 10000 : i32
      %lt3A_293 = vector.broadcast %lt3A_292 : i32 to vector<16xi32>
      %lt3A_294 = arith.cmpi slt, %add3A_291, %lt3A_293 : vector<16xi32>
      %jit3A_295 = arith.constant 0.000000e+00 : f32
      %broadcast_in_dim3A_296 = vector.broadcast %jit3A_295 : f32 to vector<16xf32>
      %select_n3A_297 = arith.select %lt3A_294, %exp3A_285, %broadcast_in_dim3A_296 : vector<16xi1>, vector<16xf32>
      %swap3A_298 = arith.constant 112 : index
      %swap3A_299 = tpu.vector_load %arg15[%swap3A_298] {strides = array<i32>} : memref<128xf32, #tpu.memory_space<vmem>>, vector<16xf32>,
      tpu.vector_store %arg15[%swap3A_298], %select_n3A_297 {strides = array<i32>} : memref<128xf32, #tpu.memory_space<vmem>>, vector<16xf32>,
      tpu.vector_store_idx %arg11[%get3A_274], %select_n3A_297 {add = true} : memref<10000xf32, #tpu.memory_space<vmem>>[vector<16xi32>], vector<16xf32>,
      %dma_wait3A = arith.constant 0 : i32
      %dma_wait3A_300 = arith.constant 0 : i32
      %dma_wait3A_301 = tpu.memref_slice %arg2[%dma_wait3A, %dma_wait3A_300] : memref<10000x128xf32, #tpu.memory_space<hbm>> -> memref<10000x128xf32, #tpu.memory_space<hbm>>
      tpu.wait_indirect_dma semaphore(%arg17 : memref<!tpu.dma_semaphore, #tpu.memory_space<semaphore_mem>>) src(%dma_wait3A_301 : memref<10000x128xf32, #tpu.memory_space<hbm>>) dst(%arg12 : memref<128x128xf32, #tpu.memory_space<vmem>>)
      %scan3A_302 = arith.constant 0 : i32
      %scan3A_303 = arith.constant 0 : i32
      %scan3A_304 = arith.constant 128 : i32
      %scan3A_305 = arith.addi %scan3A_303, %scan3A_304 : i32
      %scan3A_306 = arith.constant 1 : i32
      %scan3A_307 = scf.for %scan3A_310 = %scan3A_303 to %scan3A_305 step %scan3A_306 iter_args(%scan3A_311 = %scan3A_302) -> (i32)  : i32 {
        %broadcast_in_dim3A_312 = vector.broadcast %scan3A_310 : i32 to vector<16xi32>
        %gather3A_313 = tpu.vector_load_idx %arg15[%broadcast_in_dim3A_312] : memref<128xf32, #tpu.memory_space<vmem>>[vector<16xi32>], vector<16xf32>,
        %get3A_314 = arith.index_cast %scan3A_310 : i32 to index
        %get3A_315 = arith.constant 0 : index
        %get3A_316 = tpu.vector_load %arg12[%get3A_314, %get3A_315] {strides = array<i32>} : memref<128x128xf32, #tpu.memory_space<vmem>>, vector<16xf32>,
        %mul3A_317 = arith.mulf %get3A_316, %gather3A_313 : vector<16xf32>
        %swap3A_318 = arith.index_cast %scan3A_310 : i32 to index
        %swap3A_319 = arith.constant 0 : index
        %swap3A_320 = tpu.vector_load %arg12[%swap3A_318, %swap3A_319] {strides = array<i32>} : memref<128x128xf32, #tpu.memory_space<vmem>>, vector<16xf32>,
        tpu.vector_store %arg12[%swap3A_318, %swap3A_319], %mul3A_317 {strides = array<i32>} : memref<128x128xf32, #tpu.memory_space<vmem>>, vector<16xf32>,
        %get3A_321 = arith.index_cast %scan3A_310 : i32 to index
        %get3A_322 = arith.constant 16 : index
        %get3A_323 = tpu.vector_load %arg12[%get3A_321, %get3A_322] {strides = array<i32>} : memref<128x128xf32, #tpu.memory_space<vmem>>, vector<16xf32>,
        %mul3A_324 = arith.mulf %get3A_323, %gather3A_313 : vector<16xf32>
        %swap3A_325 = arith.index_cast %scan3A_310 : i32 to index
        %swap3A_326 = arith.constant 16 : index
        %swap3A_327 = tpu.vector_load %arg12[%swap3A_325, %swap3A_326] {strides = array<i32>} : memref<128x128xf32, #tpu.memory_space<vmem>>, vector<16xf32>,
        tpu.vector_store %arg12[%swap3A_325, %swap3A_326], %mul3A_324 {strides = array<i32>} : memref<128x128xf32, #tpu.memory_space<vmem>>, vector<16xf32>,
        %get3A_328 = arith.index_cast %scan3A_310 : i32 to index
        %get3A_329 = arith.constant 32 : index
        %get3A_330 = tpu.vector_load %arg12[%get3A_328, %get3A_329] {strides = array<i32>} : memref<128x128xf32, #tpu.memory_space<vmem>>, vector<16xf32>,
        %mul3A_331 = arith.mulf %get3A_330, %gather3A_313 : vector<16xf32>
        %swap3A_332 = arith.index_cast %scan3A_310 : i32 to index
        %swap3A_333 = arith.constant 32 : index
        %swap3A_334 = tpu.vector_load %arg12[%swap3A_332, %swap3A_333] {strides = array<i32>} : memref<128x128xf32, #tpu.memory_space<vmem>>, vector<16xf32>,
        tpu.vector_store %arg12[%swap3A_332, %swap3A_333], %mul3A_331 {strides = array<i32>} : memref<128x128xf32, #tpu.memory_space<vmem>>, vector<16xf32>,
        %get3A_335 = arith.index_cast %scan3A_310 : i32 to index
        %get3A_336 = arith.constant 48 : index
        %get3A_337 = tpu.vector_load %arg12[%get3A_335, %get3A_336] {strides = array<i32>} : memref<128x128xf32, #tpu.memory_space<vmem>>, vector<16xf32>,
        %mul3A_338 = arith.mulf %get3A_337, %gather3A_313 : vector<16xf32>
        %swap3A_339 = arith.index_cast %scan3A_310 : i32 to index
        %swap3A_340 = arith.constant 48 : index
        %swap3A_341 = tpu.vector_load %arg12[%swap3A_339, %swap3A_340] {strides = array<i32>} : memref<128x128xf32, #tpu.memory_space<vmem>>, vector<16xf32>,
        tpu.vector_store %arg12[%swap3A_339, %swap3A_340], %mul3A_338 {strides = array<i32>} : memref<128x128xf32, #tpu.memory_space<vmem>>, vector<16xf32>,
        %get3A_342 = arith.index_cast %scan3A_310 : i32 to index
        %get3A_343 = arith.constant 64 : index
        %get3A_344 = tpu.vector_load %arg12[%get3A_342, %get3A_343] {strides = array<i32>} : memref<128x128xf32, #tpu.memory_space<vmem>>, vector<16xf32>,
        %mul3A_345 = arith.mulf %get3A_344, %gather3A_313 : vector<16xf32>
        %swap3A_346 = arith.index_cast %scan3A_310 : i32 to index
        %swap3A_347 = arith.constant 64 : index
        %swap3A_348 = tpu.vector_load %arg12[%swap3A_346, %swap3A_347] {strides = array<i32>} : memref<128x128xf32, #tpu.memory_space<vmem>>, vector<16xf32>,
        tpu.vector_store %arg12[%swap3A_346, %swap3A_347], %mul3A_345 {strides = array<i32>} : memref<128x128xf32, #tpu.memory_space<vmem>>, vector<16xf32>,
        %get3A_349 = arith.index_cast %scan3A_310 : i32 to index
        %get3A_350 = arith.constant 80 : index
        %get3A_351 = tpu.vector_load %arg12[%get3A_349, %get3A_350] {strides = array<i32>} : memref<128x128xf32, #tpu.memory_space<vmem>>, vector<16xf32>,
        %mul3A_352 = arith.mulf %get3A_351, %gather3A_313 : vector<16xf32>
        %swap3A_353 = arith.index_cast %scan3A_310 : i32 to index
        %swap3A_354 = arith.constant 80 : index
        %swap3A_355 = tpu.vector_load %arg12[%swap3A_353, %swap3A_354] {strides = array<i32>} : memref<128x128xf32, #tpu.memory_space<vmem>>, vector<16xf32>,
        tpu.vector_store %arg12[%swap3A_353, %swap3A_354], %mul3A_352 {strides = array<i32>} : memref<128x128xf32, #tpu.memory_space<vmem>>, vector<16xf32>,
        %get3A_356 = arith.index_cast %scan3A_310 : i32 to index
        %get3A_357 = arith.constant 96 : index
        %get3A_358 = tpu.vector_load %arg12[%get3A_356, %get3A_357] {strides = array<i32>} : memref<128x128xf32, #tpu.memory_space<vmem>>, vector<16xf32>,
        %mul3A_359 = arith.mulf %get3A_358, %gather3A_313 : vector<16xf32>
        %swap3A_360 = arith.index_cast %scan3A_310 : i32 to index
        %swap3A_361 = arith.constant 96 : index
        %swap3A_362 = tpu.vector_load %arg12[%swap3A_360, %swap3A_361] {strides = array<i32>} : memref<128x128xf32, #tpu.memory_space<vmem>>, vector<16xf32>,
        tpu.vector_store %arg12[%swap3A_360, %swap3A_361], %mul3A_359 {strides = array<i32>} : memref<128x128xf32, #tpu.memory_space<vmem>>, vector<16xf32>,
        %get3A_363 = arith.index_cast %scan3A_310 : i32 to index
        %get3A_364 = arith.constant 112 : index
        %get3A_365 = tpu.vector_load %arg12[%get3A_363, %get3A_364] {strides = array<i32>} : memref<128x128xf32, #tpu.memory_space<vmem>>, vector<16xf32>,
        %mul3A_366 = arith.mulf %get3A_365, %gather3A_313 : vector<16xf32>
        %swap3A_367 = arith.index_cast %scan3A_310 : i32 to index
        %swap3A_368 = arith.constant 112 : index
        %swap3A_369 = tpu.vector_load %arg12[%swap3A_367, %swap3A_368] {strides = array<i32>} : memref<128x128xf32, #tpu.memory_space<vmem>>, vector<16xf32>,
        tpu.vector_store %arg12[%swap3A_367, %swap3A_368], %mul3A_366 {strides = array<i32>} : memref<128x128xf32, #tpu.memory_space<vmem>>, vector<16xf32>,
        %scan3A_370 = arith.constant 0 : i32
        scf.yield %scan3A_370 : i32
      }
      %scan3A_308 = arith.constant 128 : i32
      "tpu.region"() ({
        %run_scoped3A_310 = tpu.sem_alloc : memref<!tpu.dma_semaphore, #tpu.memory_space<semaphore_mem>>
        %dma_start3A_311 = arith.constant 0 : i32
        %dma_start3A_312 = arith.constant 0 : i32
        %dma_start3A_313 = tpu.memref_slice %arg16[%dma_start3A_311, %dma_start3A_312] : memref<10000x128xf32, #tpu.memory_space<vmem_shared>> -> memref<10000x128xf32, #tpu.memory_space<vmem_shared>>
        tpu.enqueue_indirect_dma source(%arg12 : memref<128x128xf32, #tpu.memory_space<vmem>>) target(%dma_start3A_313 : memref<10000x128xf32, #tpu.memory_space<vmem_shared>>) offsets(%arg14 : memref<128xi32, #tpu.memory_space<vmem>>) semaphore(%run_scoped3A_310 : memref<!tpu.dma_semaphore, #tpu.memory_space<semaphore_mem>>) {add = true}
        %dma_wait3A_314 = arith.constant 0 : i32
        %dma_wait3A_315 = arith.constant 0 : i32
        %dma_wait3A_316 = tpu.memref_slice %arg16[%dma_wait3A_314, %dma_wait3A_315] : memref<10000x128xf32, #tpu.memory_space<vmem_shared>> -> memref<10000x128xf32, #tpu.memory_space<vmem_shared>>
        tpu.wait_indirect_dma semaphore(%run_scoped3A_310 : memref<!tpu.dma_semaphore, #tpu.memory_space<semaphore_mem>>) src(%arg12 : memref<128x128xf32, #tpu.memory_space<vmem>>) dst(%dma_wait3A_316 : memref<10000x128xf32, #tpu.memory_space<vmem_shared>>)
        tpu.yield
      }) : () -> ()
      %scan3A_309 = arith.constant 0 : i32
      scf.yield %scan3A_309 : i32
    }
    %scan3A_39 = arith.constant 79 : i32
    %barrier3A_40 = arith.constant 0 : index
    tpu.barrier barrier_id(%barrier3A_40)
    %add3A_41 = arith.constant 0 : i32
    %add3A_42 = arith.addi %multiple_of3A, %add3A_41 : i32
    %add3A_43 = arith.constant 0 : i32
    %add3A_44 = arith.addi %multiple_of3A, %add3A_43 : i32
    "tpu.region"() ({
      %run_scoped3A_66 = tpu.sem_alloc : memref<!tpu.dma_semaphore, #tpu.memory_space<semaphore_mem>>
      %dma_start3A = arith.constant 0 : i32
      %dma_start3A_67 = tpu.memref_slice %arg7[%arg0, %add3A_44, %dma_start3A] : memref<2x10000x128xf32, #tpu.memory_space<hbm>> -> memref<1x128x128xf32, #tpu.memory_space<hbm>>
      %dma_start3A_68 = tpu.memref_squeeze %dma_start3A_67 : memref<1x128x128xf32, #tpu.memory_space<hbm>> -> memref<128x128xf32, #tpu.memory_space<hbm>>
      %dma_start3A_69 = arith.constant 0 : i32
      %dma_start3A_70 = tpu.memref_slice %arg16[%add3A_42, %dma_start3A_69] : memref<10000x128xf32, #tpu.memory_space<vmem_shared>> -> memref<128x128xf32, #tpu.memory_space<vmem_shared>>
      tpu.enqueue_dma source(%dma_start3A_70 : memref<128x128xf32, #tpu.memory_space<vmem_shared>>) target(%dma_start3A_68 : memref<128x128xf32, #tpu.memory_space<hbm>>) target_semaphore(%run_scoped3A_66 : memref<!tpu.dma_semaphore, #tpu.memory_space<semaphore_mem>>)
      %dma_wait3A = arith.constant 0 : i32
      %dma_wait3A_71 = tpu.memref_slice %arg7[%arg0, %add3A_44, %dma_wait3A] : memref<2x10000x128xf32, #tpu.memory_space<hbm>> -> memref<1x128x128xf32, #tpu.memory_space<hbm>>
      %dma_wait3A_72 = tpu.memref_squeeze %dma_wait3A_71 : memref<1x128x128xf32, #tpu.memory_space<hbm>> -> memref<128x128xf32, #tpu.memory_space<hbm>>
      %dma_wait3A_73 = arith.constant 0 : i32
      %dma_wait3A_74 = tpu.memref_slice %arg16[%add3A_42, %dma_wait3A_73] : memref<10000x128xf32, #tpu.memory_space<vmem_shared>> -> memref<128x128xf32, #tpu.memory_space<vmem_shared>>
      tpu.wait_dma2 semaphore(%run_scoped3A_66 : memref<!tpu.dma_semaphore, #tpu.memory_space<semaphore_mem>>) src(%dma_wait3A_74 : memref<128x128xf32, #tpu.memory_space<vmem_shared>>) dst(%dma_wait3A_72 : memref<128x128xf32, #tpu.memory_space<hbm>>)
      tpu.yield
    }) : () -> ()
    %add3A_45 = arith.constant 128 : i32
    %add3A_46 = arith.addi %multiple_of3A, %add3A_45 : i32
    %add3A_47 = arith.constant 128 : i32
    %add3A_48 = arith.addi %multiple_of3A, %add3A_47 : i32
    "tpu.region"() ({
      %run_scoped3A_66 = tpu.sem_alloc : memref<!tpu.dma_semaphore, #tpu.memory_space<semaphore_mem>>
      %dma_start3A = arith.constant 0 : i32
      %dma_start3A_67 = tpu.memref_slice %arg7[%arg0, %add3A_48, %dma_start3A] : memref<2x10000x128xf32, #tpu.memory_space<hbm>> -> memref<1x128x128xf32, #tpu.memory_space<hbm>>
      %dma_start3A_68 = tpu.memref_squeeze %dma_start3A_67 : memref<1x128x128xf32, #tpu.memory_space<hbm>> -> memref<128x128xf32, #tpu.memory_space<hbm>>
      %dma_start3A_69 = arith.constant 0 : i32
      %dma_start3A_70 = tpu.memref_slice %arg16[%add3A_46, %dma_start3A_69] : memref<10000x128xf32, #tpu.memory_space<vmem_shared>> -> memref<128x128xf32, #tpu.memory_space<vmem_shared>>
      tpu.enqueue_dma source(%dma_start3A_70 : memref<128x128xf32, #tpu.memory_space<vmem_shared>>) target(%dma_start3A_68 : memref<128x128xf32, #tpu.memory_space<hbm>>) target_semaphore(%run_scoped3A_66 : memref<!tpu.dma_semaphore, #tpu.memory_space<semaphore_mem>>)
      %dma_wait3A = arith.constant 0 : i32
      %dma_wait3A_71 = tpu.memref_slice %arg7[%arg0, %add3A_48, %dma_wait3A] : memref<2x10000x128xf32, #tpu.memory_space<hbm>> -> memref<1x128x128xf32, #tpu.memory_space<hbm>>
      %dma_wait3A_72 = tpu.memref_squeeze %dma_wait3A_71 : memref<1x128x128xf32, #tpu.memory_space<hbm>> -> memref<128x128xf32, #tpu.memory_space<hbm>>
      %dma_wait3A_73 = arith.constant 0 : i32
      %dma_wait3A_74 = tpu.memref_slice %arg16[%add3A_46, %dma_wait3A_73] : memref<10000x128xf32, #tpu.memory_space<vmem_shared>> -> memref<128x128xf32, #tpu.memory_space<vmem_shared>>
      tpu.wait_dma2 semaphore(%run_scoped3A_66 : memref<!tpu.dma_semaphore, #tpu.memory_space<semaphore_mem>>) src(%dma_wait3A_74 : memref<128x128xf32, #tpu.memory_space<vmem_shared>>) dst(%dma_wait3A_72 : memref<128x128xf32, #tpu.memory_space<hbm>>)
      tpu.yield
    }) : () -> ()
    %add3A_49 = arith.constant 256 : i32
    %add3A_50 = arith.addi %multiple_of3A, %add3A_49 : i32
    %add3A_51 = arith.constant 256 : i32
    %add3A_52 = arith.addi %multiple_of3A, %add3A_51 : i32
    "tpu.region"() ({
      %run_scoped3A_66 = tpu.sem_alloc : memref<!tpu.dma_semaphore, #tpu.memory_space<semaphore_mem>>
      %dma_start3A = arith.constant 0 : i32
      %dma_start3A_67 = tpu.memref_slice %arg7[%arg0, %add3A_52, %dma_start3A] : memref<2x10000x128xf32, #tpu.memory_space<hbm>> -> memref<1x128x128xf32, #tpu.memory_space<hbm>>
      %dma_start3A_68 = tpu.memref_squeeze %dma_start3A_67 : memref<1x128x128xf32, #tpu.memory_space<hbm>> -> memref<128x128xf32, #tpu.memory_space<hbm>>
      %dma_start3A_69 = arith.constant 0 : i32
      %dma_start3A_70 = tpu.memref_slice %arg16[%add3A_50, %dma_start3A_69] : memref<10000x128xf32, #tpu.memory_space<vmem_shared>> -> memref<128x128xf32, #tpu.memory_space<vmem_shared>>
      tpu.enqueue_dma source(%dma_start3A_70 : memref<128x128xf32, #tpu.memory_space<vmem_shared>>) target(%dma_start3A_68 : memref<128x128xf32, #tpu.memory_space<hbm>>) target_semaphore(%run_scoped3A_66 : memref<!tpu.dma_semaphore, #tpu.memory_space<semaphore_mem>>)
      %dma_wait3A = arith.constant 0 : i32
      %dma_wait3A_71 = tpu.memref_slice %arg7[%arg0, %add3A_52, %dma_wait3A] : memref<2x10000x128xf32, #tpu.memory_space<hbm>> -> memref<1x128x128xf32, #tpu.memory_space<hbm>>
      %dma_wait3A_72 = tpu.memref_squeeze %dma_wait3A_71 : memref<1x128x128xf32, #tpu.memory_space<hbm>> -> memref<128x128xf32, #tpu.memory_space<hbm>>
      %dma_wait3A_73 = arith.constant 0 : i32
      %dma_wait3A_74 = tpu.memref_slice %arg16[%add3A_50, %dma_wait3A_73] : memref<10000x128xf32, #tpu.memory_space<vmem_shared>> -> memref<128x128xf32, #tpu.memory_space<vmem_shared>>
      tpu.wait_dma2 semaphore(%run_scoped3A_66 : memref<!tpu.dma_semaphore, #tpu.memory_space<semaphore_mem>>) src(%dma_wait3A_74 : memref<128x128xf32, #tpu.memory_space<vmem_shared>>) dst(%dma_wait3A_72 : memref<128x128xf32, #tpu.memory_space<hbm>>)
      tpu.yield
    }) : () -> ()
    %add3A_53 = arith.constant 384 : i32
    %add3A_54 = arith.addi %multiple_of3A, %add3A_53 : i32
    %add3A_55 = arith.constant 384 : i32
    %add3A_56 = arith.addi %multiple_of3A, %add3A_55 : i32
    "tpu.region"() ({
      %run_scoped3A_66 = tpu.sem_alloc : memref<!tpu.dma_semaphore, #tpu.memory_space<semaphore_mem>>
      %dma_start3A = arith.constant 0 : i32
      %dma_start3A_67 = tpu.memref_slice %arg7[%arg0, %add3A_56, %dma_start3A] : memref<2x10000x128xf32, #tpu.memory_space<hbm>> -> memref<1x128x128xf32, #tpu.memory_space<hbm>>
      %dma_start3A_68 = tpu.memref_squeeze %dma_start3A_67 : memref<1x128x128xf32, #tpu.memory_space<hbm>> -> memref<128x128xf32, #tpu.memory_space<hbm>>
      %dma_start3A_69 = arith.constant 0 : i32
      %dma_start3A_70 = tpu.memref_slice %arg16[%add3A_54, %dma_start3A_69] : memref<10000x128xf32, #tpu.memory_space<vmem_shared>> -> memref<128x128xf32, #tpu.memory_space<vmem_shared>>
      tpu.enqueue_dma source(%dma_start3A_70 : memref<128x128xf32, #tpu.memory_space<vmem_shared>>) target(%dma_start3A_68 : memref<128x128xf32, #tpu.memory_space<hbm>>) target_semaphore(%run_scoped3A_66 : memref<!tpu.dma_semaphore, #tpu.memory_space<semaphore_mem>>)
      %dma_wait3A = arith.constant 0 : i32
      %dma_wait3A_71 = tpu.memref_slice %arg7[%arg0, %add3A_56, %dma_wait3A] : memref<2x10000x128xf32, #tpu.memory_space<hbm>> -> memref<1x128x128xf32, #tpu.memory_space<hbm>>
      %dma_wait3A_72 = tpu.memref_squeeze %dma_wait3A_71 : memref<1x128x128xf32, #tpu.memory_space<hbm>> -> memref<128x128xf32, #tpu.memory_space<hbm>>
      %dma_wait3A_73 = arith.constant 0 : i32
      %dma_wait3A_74 = tpu.memref_slice %arg16[%add3A_54, %dma_wait3A_73] : memref<10000x128xf32, #tpu.memory_space<vmem_shared>> -> memref<128x128xf32, #tpu.memory_space<vmem_shared>>
      tpu.wait_dma2 semaphore(%run_scoped3A_66 : memref<!tpu.dma_semaphore, #tpu.memory_space<semaphore_mem>>) src(%dma_wait3A_74 : memref<128x128xf32, #tpu.memory_space<vmem_shared>>) dst(%dma_wait3A_72 : memref<128x128xf32, #tpu.memory_space<hbm>>)
      tpu.yield
    }) : () -> ()
    %add3A_57 = arith.constant 512 : i32
    %add3A_58 = arith.addi %multiple_of3A, %add3A_57 : i32
    %add3A_59 = arith.constant 512 : i32
    %add3A_60 = arith.addi %multiple_of3A, %add3A_59 : i32
    "tpu.region"() ({
      %run_scoped3A_66 = tpu.sem_alloc : memref<!tpu.dma_semaphore, #tpu.memory_space<semaphore_mem>>
      %dma_start3A = arith.constant 0 : i32
      %dma_start3A_67 = tpu.memref_slice %arg7[%arg0, %add3A_60, %dma_start3A] : memref<2x10000x128xf32, #tpu.memory_space<hbm>> -> memref<1x112x128xf32, #tpu.memory_space<hbm>>
      %dma_start3A_68 = tpu.memref_squeeze %dma_start3A_67 : memref<1x112x128xf32, #tpu.memory_space<hbm>> -> memref<112x128xf32, #tpu.memory_space<hbm>>
      %dma_start3A_69 = arith.constant 0 : i32
      %dma_start3A_70 = tpu.memref_slice %arg16[%add3A_58, %dma_start3A_69] : memref<10000x128xf32, #tpu.memory_space<vmem_shared>> -> memref<112x128xf32, #tpu.memory_space<vmem_shared>>
      tpu.enqueue_dma source(%dma_start3A_70 : memref<112x128xf32, #tpu.memory_space<vmem_shared>>) target(%dma_start3A_68 : memref<112x128xf32, #tpu.memory_space<hbm>>) target_semaphore(%run_scoped3A_66 : memref<!tpu.dma_semaphore, #tpu.memory_space<semaphore_mem>>)
      %dma_wait3A = arith.constant 0 : i32
      %dma_wait3A_71 = tpu.memref_slice %arg7[%arg0, %add3A_60, %dma_wait3A] : memref<2x10000x128xf32, #tpu.memory_space<hbm>> -> memref<1x112x128xf32, #tpu.memory_space<hbm>>
      %dma_wait3A_72 = tpu.memref_squeeze %dma_wait3A_71 : memref<1x112x128xf32, #tpu.memory_space<hbm>> -> memref<112x128xf32, #tpu.memory_space<hbm>>
      %dma_wait3A_73 = arith.constant 0 : i32
      %dma_wait3A_74 = tpu.memref_slice %arg16[%add3A_58, %dma_wait3A_73] : memref<10000x128xf32, #tpu.memory_space<vmem_shared>> -> memref<112x128xf32, #tpu.memory_space<vmem_shared>>
      tpu.wait_dma2 semaphore(%run_scoped3A_66 : memref<!tpu.dma_semaphore, #tpu.memory_space<semaphore_mem>>) src(%dma_wait3A_74 : memref<112x128xf32, #tpu.memory_space<vmem_shared>>) dst(%dma_wait3A_72 : memref<112x128xf32, #tpu.memory_space<hbm>>)
      tpu.yield
    }) : () -> ()
    %lt3A_61 = arith.constant 2 : i32
    %lt3A_62 = arith.cmpi slt, %arg1, %lt3A_61 : i32
    %convert_element_type3A_63 = arith.extui %lt3A_62 : i1 to i32
    %cond3A_64 = arith.constant 0 : i32
    %cond3A_65 = arith.cmpi ne, %convert_element_type3A_63, %cond3A_64 : i32
    scf.if %cond3A_65 {
      %add3A_66 = arith.constant 624 : i32
      %add3A_67 = arith.addi %multiple_of3A, %add3A_66 : i32
      %add3A_68 = arith.constant 624 : i32
      %add3A_69 = arith.addi %multiple_of3A, %add3A_68 : i32
      "tpu.region"() ({
        %run_scoped3A_70 = tpu.sem_alloc : memref<!tpu.dma_semaphore, #tpu.memory_space<semaphore_mem>>
        %dma_start3A = arith.constant 0 : i32
        %dma_start3A_71 = tpu.memref_slice %arg7[%arg0, %add3A_69, %dma_start3A] : memref<2x10000x128xf32, #tpu.memory_space<hbm>> -> memref<1x8x128xf32, #tpu.memory_space<hbm>>
        %dma_start3A_72 = tpu.memref_squeeze %dma_start3A_71 : memref<1x8x128xf32, #tpu.memory_space<hbm>> -> memref<8x128xf32, #tpu.memory_space<hbm>>
        %dma_start3A_73 = arith.constant 0 : i32
        %dma_start3A_74 = tpu.memref_slice %arg16[%add3A_67, %dma_start3A_73] : memref<10000x128xf32, #tpu.memory_space<vmem_shared>> -> memref<8x128xf32, #tpu.memory_space<vmem_shared>>
        tpu.enqueue_dma source(%dma_start3A_74 : memref<8x128xf32, #tpu.memory_space<vmem_shared>>) target(%dma_start3A_72 : memref<8x128xf32, #tpu.memory_space<hbm>>) target_semaphore(%run_scoped3A_70 : memref<!tpu.dma_semaphore, #tpu.memory_space<semaphore_mem>>)
        %dma_wait3A = arith.constant 0 : i32
        %dma_wait3A_75 = tpu.memref_slice %arg7[%arg0, %add3A_69, %dma_wait3A] : memref<2x10000x128xf32, #tpu.memory_space<hbm>> -> memref<1x8x128xf32, #tpu.memory_space<hbm>>
        %dma_wait3A_76 = tpu.memref_squeeze %dma_wait3A_75 : memref<1x8x128xf32, #tpu.memory_space<hbm>> -> memref<8x128xf32, #tpu.memory_space<hbm>>
        %dma_wait3A_77 = arith.constant 0 : i32
        %dma_wait3A_78 = tpu.memref_slice %arg16[%add3A_67, %dma_wait3A_77] : memref<10000x128xf32, #tpu.memory_space<vmem_shared>> -> memref<8x128xf32, #tpu.memory_space<vmem_shared>>
        tpu.wait_dma2 semaphore(%run_scoped3A_70 : memref<!tpu.dma_semaphore, #tpu.memory_space<semaphore_mem>>) src(%dma_wait3A_78 : memref<8x128xf32, #tpu.memory_space<vmem_shared>>) dst(%dma_wait3A_76 : memref<8x128xf32, #tpu.memory_space<hbm>>)
        tpu.yield
      }) : () -> ()
    } else {
    }
    %run_scoped3A = arith.constant 0 : i32
    "tpu.region"() ({
      %run_scoped3A_66 = tpu.sem_alloc : memref<!tpu.dma_semaphore, #tpu.memory_space<semaphore_mem>>
      %dma_start3A = arith.constant 0 : i32
      %dma_start3A_67 = tpu.memref_slice %arg8[%add3A, %run_scoped3A, %dma_start3A] : memref<32x1x10000xf32, #tpu.memory_space<hbm>> -> memref<1x1x10000xf32, #tpu.memory_space<hbm>>
      %dma_start3A_68 = tpu.memref_squeeze %dma_start3A_67 : memref<1x1x10000xf32, #tpu.memory_space<hbm>> -> memref<10000xf32, #tpu.memory_space<hbm>>
      %dma_start3A_69 = arith.constant 0 : i32
      %dma_start3A_70 = tpu.memref_slice %arg8[%add3A, %run_scoped3A, %dma_start3A_69] : memref<32x1x10000xf32, #tpu.memory_space<hbm>> -> memref<1x1x10000xf32, #tpu.memory_space<hbm>>
      %dma_start3A_71 = tpu.memref_squeeze %dma_start3A_70 : memref<1x1x10000xf32, #tpu.memory_space<hbm>> -> memref<10000xf32, #tpu.memory_space<hbm>>
      tpu.enqueue_dma source(%arg11 : memref<10000xf32, #tpu.memory_space<vmem>>) target(%dma_start3A_71 : memref<10000xf32, #tpu.memory_space<hbm>>) target_semaphore(%run_scoped3A_66 : memref<!tpu.dma_semaphore, #tpu.memory_space<semaphore_mem>>)
      %dma_wait3A = arith.constant 0 : i32
      %dma_wait3A_72 = tpu.memref_slice %arg8[%add3A, %run_scoped3A, %dma_wait3A] : memref<32x1x10000xf32, #tpu.memory_space<hbm>> -> memref<1x1x10000xf32, #tpu.memory_space<hbm>>
      %dma_wait3A_73 = tpu.memref_squeeze %dma_wait3A_72 : memref<1x1x10000xf32, #tpu.memory_space<hbm>> -> memref<10000xf32, #tpu.memory_space<hbm>>
      %dma_wait3A_74 = arith.constant 0 : i32
      %dma_wait3A_75 = tpu.memref_slice %arg8[%add3A, %run_scoped3A, %dma_wait3A_74] : memref<32x1x10000xf32, #tpu.memory_space<hbm>> -> memref<1x1x10000xf32, #tpu.memory_space<hbm>>
      %dma_wait3A_76 = tpu.memref_squeeze %dma_wait3A_75 : memref<1x1x10000xf32, #tpu.memory_space<hbm>> -> memref<10000xf32, #tpu.memory_space<hbm>>
      tpu.wait_dma2 semaphore(%run_scoped3A_66 : memref<!tpu.dma_semaphore, #tpu.memory_space<semaphore_mem>>) src(%arg11 : memref<10000xf32, #tpu.memory_space<vmem>>) dst(%dma_wait3A_76 : memref<10000xf32, #tpu.memory_space<hbm>>)
      tpu.yield
    }) : () -> ()
    return
  }
}

#map = affine_map<(d0, d1) -> (0, 0)>
#map1 = affine_map<(d0, d1) -> (0)>
#map2 = affine_map<(d0, d1) -> (0, 0, 0)>
module attributes {stable_mosaic.version = 14 : i64} {
  func.func @k(%arg0: i32, %arg1: i32, %arg2: memref<10000x128xf32, #tpu.memory_space<hbm>>, %arg3: memref<10000xf32, #tpu.memory_space<hbm>>, %arg4: memref<10000xf32, #tpu.memory_space<hbm>>, %arg5: memref<320112xi32, #tpu.memory_space<hbm>>, %arg6: memref<320112xi32, #tpu.memory_space<hbm>>, %arg7: memref<2x10000x128xf32, #tpu.memory_space<hbm>>, %arg8: memref<32x1x10000xf32, #tpu.memory_space<hbm>>, %arg9: memref<10000xf32, #tpu.memory_space<vmem>>, %arg10: memref<10000xf32, #tpu.memory_space<vmem>>, %arg11: memref<10000xf32, #tpu.memory_space<vmem>>, %arg12: memref<128x128xf32, #tpu.memory_space<vmem>>, %arg13: memref<128xi32, #tpu.memory_space<vmem>>, %arg14: memref<128xi32, #tpu.memory_space<vmem>>, %arg15: memref<128xf32, #tpu.memory_space<vmem>>, %arg16: memref<10000x128xf32, #tpu.memory_space<vmem_shared>>, %arg17: memref<!tpu.dma_semaphore, #tpu.memory_space<semaphore_mem>>) attributes {dimension_semantics = [#tpu.dimension_semantics<core_parallel>, #tpu.dimension_semantics<subcore_parallel>], iteration_bounds = array<i64: 2, 16>, scalar_prefetch = 0 : i64, scratch_operands = 9 : i64, tpu.core_type = #tpu.core_type<sc_vector_subcore>, window_params = [{transform_indices = #map}, {transform_indices = #map1}, {transform_indices = #map1}, {transform_indices = #map1}, {transform_indices = #map1}, {transform_indices = #map2}, {transform_indices = #map2}]} {
    %mul3A = arith.constant 2 : i32
    %mul3A_0 = arith.muli %arg1, %mul3A : i32
    %add3A = arith.addi %mul3A_0, %arg0 : i32
    %broadcast_in_dim3A = arith.constant 0.000000e+00 : f32
    %broadcast_in_dim3A_1 = vector.broadcast %broadcast_in_dim3A : f32 to vector<16xf32>
    %scan3A = arith.constant 0 : i32
    %scan3A_2 = arith.constant 0 : i32
    %scan3A_3 = arith.constant 128 : i32
    %scan3A_4 = arith.addi %scan3A_2, %scan3A_3 : i32
    %scan3A_5 = arith.constant 1 : i32
    %scan3A_6 = scf.for %scan3A_66 = %scan3A_2 to %scan3A_4 step %scan3A_5 iter_args(%scan3A_67 = %scan3A) -> (i32)  : i32 {
      %swap3A = arith.index_cast %scan3A_66 : i32 to index
      %swap3A_68 = arith.constant 0 : index
      %swap3A_69 = tpu.vector_load %arg12[%swap3A, %swap3A_68] {strides = array<i32>} : memref<128x128xf32, #tpu.memory_space<vmem>>, vector<16xf32>,
      tpu.vector_store %arg12[%swap3A, %swap3A_68], %broadcast_in_dim3A_1 {strides = array<i32>} : memref<128x128xf32, #tpu.memory_space<vmem>>, vector<16xf32>,
      %swap3A_70 = arith.index_cast %scan3A_66 : i32 to index
      %swap3A_71 = arith.constant 16 : index
      %swap3A_72 = tpu.vector_load %arg12[%swap3A_70, %swap3A_71] {strides = array<i32>} : memref<128x128xf32, #tpu.memory_space<vmem>>, vector<16xf32>,
      tpu.vector_store %arg12[%swap3A_70, %swap3A_71], %broadcast_in_dim3A_1 {strides = array<i32>} : memref<128x128xf32, #tpu.memory_space<vmem>>, vector<16xf32>,
      %swap3A_73 = arith.index_cast %scan3A_66 : i32 to index
      %swap3A_74 = arith.constant 32 : index
      %swap3A_75 = tpu.vector_load %arg12[%swap3A_73, %swap3A_74] {strides = array<i32>} : memref<128x128xf32, #tpu.memory_space<vmem>>, vector<16xf32>,
      tpu.vector_store %arg12[%swap3A_73, %swap3A_74], %broadcast_in_dim3A_1 {strides = array<i32>} : memref<128x128xf32, #tpu.memory_space<vmem>>, vector<16xf32>,
      %swap3A_76 = arith.index_cast %scan3A_66 : i32 to index
      %swap3A_77 = arith.constant 48 : index
      %swap3A_78 = tpu.vector_load %arg12[%swap3A_76, %swap3A_77] {strides = array<i32>} : memref<128x128xf32, #tpu.memory_space<vmem>>, vector<16xf32>,
      tpu.vector_store %arg12[%swap3A_76, %swap3A_77], %broadcast_in_dim3A_1 {strides = array<i32>} : memref<128x128xf32, #tpu.memory_space<vmem>>, vector<16xf32>,
      %swap3A_79 = arith.index_cast %scan3A_66 : i32 to index
      %swap3A_80 = arith.constant 64 : index
      %swap3A_81 = tpu.vector_load %arg12[%swap3A_79, %swap3A_80] {strides = array<i32>} : memref<128x128xf32, #tpu.memory_space<vmem>>, vector<16xf32>,
      tpu.vector_store %arg12[%swap3A_79, %swap3A_80], %broadcast_in_dim3A_1 {strides = array<i32>} : memref<128x128xf32, #tpu.memory_space<vmem>>, vector<16xf32>,
      %swap3A_82 = arith.index_cast %scan3A_66 : i32 to index
      %swap3A_83 = arith.constant 80 : index
      %swap3A_84 = tpu.vector_load %arg12[%swap3A_82, %swap3A_83] {strides = array<i32>} : memref<128x128xf32, #tpu.memory_space<vmem>>, vector<16xf32>,
      tpu.vector_store %arg12[%swap3A_82, %swap3A_83], %broadcast_in_dim3A_1 {strides = array<i32>} : memref<128x128xf32, #tpu.memory_space<vmem>>, vector<16xf32>,
      %swap3A_85 = arith.index_cast %scan3A_66 : i32 to index
      %swap3A_86 = arith.constant 96 : index
      %swap3A_87 = tpu.vector_load %arg12[%swap3A_85, %swap3A_86] {strides = array<i32>} : memref<128x128xf32, #tpu.memory_space<vmem>>, vector<16xf32>,
      tpu.vector_store %arg12[%swap3A_85, %swap3A_86], %broadcast_in_dim3A_1 {strides = array<i32>} : memref<128x128xf32, #tpu.memory_space<vmem>>, vector<16xf32>,
      %swap3A_88 = arith.index_cast %scan3A_66 : i32 to index
      %swap3A_89 = arith.constant 112 : index
      %swap3A_90 = tpu.vector_load %arg12[%swap3A_88, %swap3A_89] {strides = array<i32>} : memref<128x128xf32, #tpu.memory_space<vmem>>, vector<16xf32>,
      tpu.vector_store %arg12[%swap3A_88, %swap3A_89], %broadcast_in_dim3A_1 {strides = array<i32>} : memref<128x128xf32, #tpu.memory_space<vmem>>, vector<16xf32>,
      %scan3A_91 = arith.constant 0 : i32
      scf.yield %scan3A_91 : i32
    }
    %scan3A_7 = arith.constant 128 : i32
    %mul3A_8 = arith.constant 624 : i32
    %mul3A_9 = arith.muli %arg1, %mul3A_8 : i32
    %min3A = arith.constant 2 : i32
    %min3A_10 = arith.minsi %arg1, %min3A : i32
    %mul3A_11 = arith.constant 8 : i32
    %mul3A_12 = arith.muli %min3A_10, %mul3A_11 : i32
    %add3A_13 = arith.addi %mul3A_9, %mul3A_12 : i32
    %multiple_of3A = tpu.assume_multiple %add3A_13, 8 : i32
    %add3A_14 = arith.constant 0 : i32
    %add3A_15 = arith.addi %multiple_of3A, %add3A_14 : i32
    "tpu.region"() ({
      %run_scoped3A_66 = tpu.sem_alloc : memref<!tpu.dma_semaphore, #tpu.memory_space<semaphore_mem>>
      %dma_start3A = arith.constant 0 : i32
      %dma_start3A_67 = arith.constant 0 : i32
      %dma_start3A_68 = tpu.memref_slice %arg12[%dma_start3A, %dma_start3A_67] : memref<128x128xf32, #tpu.memory_space<vmem>> -> memref<128x128xf32, #tpu.memory_space<vmem>>
      %dma_start3A_69 = arith.constant 0 : i32
      %dma_start3A_70 = tpu.memref_slice %arg16[%add3A_15, %dma_start3A_69] : memref<10000x128xf32, #tpu.memory_space<vmem_shared>> -> memref<128x128xf32, #tpu.memory_space<vmem_shared>>
      %dma_start3A_71 = arith.constant 0 : i32
      %dma_start3A_72 = tpu.memref_slice %arg16[%add3A_15, %dma_start3A_71] : memref<10000x128xf32, #tpu.memory_space<vmem_shared>> -> memref<128x128xf32, #tpu.memory_space<vmem_shared>>
      %dma_start3A_73 = arith.constant 0 : i32
      %dma_start3A_74 = arith.constant 0 : i32
      %dma_start3A_75 = tpu.memref_slice %arg12[%dma_start3A_73, %dma_start3A_74] : memref<128x128xf32, #tpu.memory_space<vmem>> -> memref<128x128xf32, #tpu.memory_space<vmem>>
      tpu.enqueue_dma source(%dma_start3A_75 : memref<128x128xf32, #tpu.memory_space<vmem>>) target(%dma_start3A_72 : memref<128x128xf32, #tpu.memory_space<vmem_shared>>) target_semaphore(%run_scoped3A_66 : memref<!tpu.dma_semaphore, #tpu.memory_space<semaphore_mem>>)
      %dma_wait3A = arith.constant 0 : i32
      %dma_wait3A_76 = arith.constant 0 : i32
      %dma_wait3A_77 = tpu.memref_slice %arg12[%dma_wait3A, %dma_wait3A_76] : memref<128x128xf32, #tpu.memory_space<vmem>> -> memref<128x128xf32, #tpu.memory_space<vmem>>
      %dma_wait3A_78 = arith.constant 0 : i32
      %dma_wait3A_79 = tpu.memref_slice %arg16[%add3A_15, %dma_wait3A_78] : memref<10000x128xf32, #tpu.memory_space<vmem_shared>> -> memref<128x128xf32, #tpu.memory_space<vmem_shared>>
      %dma_wait3A_80 = arith.constant 0 : i32
      %dma_wait3A_81 = tpu.memref_slice %arg16[%add3A_15, %dma_wait3A_80] : memref<10000x128xf32, #tpu.memory_space<vmem_shared>> -> memref<128x128xf32, #tpu.memory_space<vmem_shared>>
      %dma_wait3A_82 = arith.constant 0 : i32
      %dma_wait3A_83 = arith.constant 0 : i32
      %dma_wait3A_84 = tpu.memref_slice %arg12[%dma_wait3A_82, %dma_wait3A_83] : memref<128x128xf32, #tpu.memory_space<vmem>> -> memref<128x128xf32, #tpu.memory_space<vmem>>
      tpu.wait_dma2 semaphore(%run_scoped3A_66 : memref<!tpu.dma_semaphore, #tpu.memory_space<semaphore_mem>>) src(%dma_wait3A_84 : memref<128x128xf32, #tpu.memory_space<vmem>>) dst(%dma_wait3A_81 : memref<128x128xf32, #tpu.memory_space<vmem_shared>>)
      tpu.yield
    }) : () -> ()
    %add3A_16 = arith.constant 128 : i32
    %add3A_17 = arith.addi %multiple_of3A, %add3A_16 : i32
    "tpu.region"() ({
      %run_scoped3A_66 = tpu.sem_alloc : memref<!tpu.dma_semaphore, #tpu.memory_space<semaphore_mem>>
      %dma_start3A = arith.constant 0 : i32
      %dma_start3A_67 = arith.constant 0 : i32
      %dma_start3A_68 = tpu.memref_slice %arg12[%dma_start3A, %dma_start3A_67] : memref<128x128xf32, #tpu.memory_space<vmem>> -> memref<128x128xf32, #tpu.memory_space<vmem>>
      %dma_start3A_69 = arith.constant 0 : i32
      %dma_start3A_70 = tpu.memref_slice %arg16[%add3A_17, %dma_start3A_69] : memref<10000x128xf32, #tpu.memory_space<vmem_shared>> -> memref<128x128xf32, #tpu.memory_space<vmem_shared>>
      %dma_start3A_71 = arith.constant 0 : i32
      %dma_start3A_72 = tpu.memref_slice %arg16[%add3A_17, %dma_start3A_71] : memref<10000x128xf32, #tpu.memory_space<vmem_shared>> -> memref<128x128xf32, #tpu.memory_space<vmem_shared>>
      %dma_start3A_73 = arith.constant 0 : i32
      %dma_start3A_74 = arith.constant 0 : i32
      %dma_start3A_75 = tpu.memref_slice %arg12[%dma_start3A_73, %dma_start3A_74] : memref<128x128xf32, #tpu.memory_space<vmem>> -> memref<128x128xf32, #tpu.memory_space<vmem>>
      tpu.enqueue_dma source(%dma_start3A_75 : memref<128x128xf32, #tpu.memory_space<vmem>>) target(%dma_start3A_72 : memref<128x128xf32, #tpu.memory_space<vmem_shared>>) target_semaphore(%run_scoped3A_66 : memref<!tpu.dma_semaphore, #tpu.memory_space<semaphore_mem>>)
      %dma_wait3A = arith.constant 0 : i32
      %dma_wait3A_76 = arith.constant 0 : i32
      %dma_wait3A_77 = tpu.memref_slice %arg12[%dma_wait3A, %dma_wait3A_76] : memref<128x128xf32, #tpu.memory_space<vmem>> -> memref<128x128xf32, #tpu.memory_space<vmem>>
      %dma_wait3A_78 = arith.constant 0 : i32
      %dma_wait3A_79 = tpu.memref_slice %arg16[%add3A_17, %dma_wait3A_78] : memref<10000x128xf32, #tpu.memory_space<vmem_shared>> -> memref<128x128xf32, #tpu.memory_space<vmem_shared>>
      %dma_wait3A_80 = arith.constant 0 : i32
      %dma_wait3A_81 = tpu.memref_slice %arg16[%add3A_17, %dma_wait3A_80] : memref<10000x128xf32, #tpu.memory_space<vmem_shared>> -> memref<128x128xf32, #tpu.memory_space<vmem_shared>>
      %dma_wait3A_82 = arith.constant 0 : i32
      %dma_wait3A_83 = arith.constant 0 : i32
      %dma_wait3A_84 = tpu.memref_slice %arg12[%dma_wait3A_82, %dma_wait3A_83] : memref<128x128xf32, #tpu.memory_space<vmem>> -> memref<128x128xf32, #tpu.memory_space<vmem>>
      tpu.wait_dma2 semaphore(%run_scoped3A_66 : memref<!tpu.dma_semaphore, #tpu.memory_space<semaphore_mem>>) src(%dma_wait3A_84 : memref<128x128xf32, #tpu.memory_space<vmem>>) dst(%dma_wait3A_81 : memref<128x128xf32, #tpu.memory_space<vmem_shared>>)
      tpu.yield
    }) : () -> ()
    %add3A_18 = arith.constant 256 : i32
    %add3A_19 = arith.addi %multiple_of3A, %add3A_18 : i32
    "tpu.region"() ({
      %run_scoped3A_66 = tpu.sem_alloc : memref<!tpu.dma_semaphore, #tpu.memory_space<semaphore_mem>>
      %dma_start3A = arith.constant 0 : i32
      %dma_start3A_67 = arith.constant 0 : i32
      %dma_start3A_68 = tpu.memref_slice %arg12[%dma_start3A, %dma_start3A_67] : memref<128x128xf32, #tpu.memory_space<vmem>> -> memref<128x128xf32, #tpu.memory_space<vmem>>
      %dma_start3A_69 = arith.constant 0 : i32
      %dma_start3A_70 = tpu.memref_slice %arg16[%add3A_19, %dma_start3A_69] : memref<10000x128xf32, #tpu.memory_space<vmem_shared>> -> memref<128x128xf32, #tpu.memory_space<vmem_shared>>
      %dma_start3A_71 = arith.constant 0 : i32
      %dma_start3A_72 = tpu.memref_slice %arg16[%add3A_19, %dma_start3A_71] : memref<10000x128xf32, #tpu.memory_space<vmem_shared>> -> memref<128x128xf32, #tpu.memory_space<vmem_shared>>
      %dma_start3A_73 = arith.constant 0 : i32
      %dma_start3A_74 = arith.constant 0 : i32
      %dma_start3A_75 = tpu.memref_slice %arg12[%dma_start3A_73, %dma_start3A_74] : memref<128x128xf32, #tpu.memory_space<vmem>> -> memref<128x128xf32, #tpu.memory_space<vmem>>
      tpu.enqueue_dma source(%dma_start3A_75 : memref<128x128xf32, #tpu.memory_space<vmem>>) target(%dma_start3A_72 : memref<128x128xf32, #tpu.memory_space<vmem_shared>>) target_semaphore(%run_scoped3A_66 : memref<!tpu.dma_semaphore, #tpu.memory_space<semaphore_mem>>)
      %dma_wait3A = arith.constant 0 : i32
      %dma_wait3A_76 = arith.constant 0 : i32
      %dma_wait3A_77 = tpu.memref_slice %arg12[%dma_wait3A, %dma_wait3A_76] : memref<128x128xf32, #tpu.memory_space<vmem>> -> memref<128x128xf32, #tpu.memory_space<vmem>>
      %dma_wait3A_78 = arith.constant 0 : i32
      %dma_wait3A_79 = tpu.memref_slice %arg16[%add3A_19, %dma_wait3A_78] : memref<10000x128xf32, #tpu.memory_space<vmem_shared>> -> memref<128x128xf32, #tpu.memory_space<vmem_shared>>
      %dma_wait3A_80 = arith.constant 0 : i32
      %dma_wait3A_81 = tpu.memref_slice %arg16[%add3A_19, %dma_wait3A_80] : memref<10000x128xf32, #tpu.memory_space<vmem_shared>> -> memref<128x128xf32, #tpu.memory_space<vmem_shared>>
      %dma_wait3A_82 = arith.constant 0 : i32
      %dma_wait3A_83 = arith.constant 0 : i32
      %dma_wait3A_84 = tpu.memref_slice %arg12[%dma_wait3A_82, %dma_wait3A_83] : memref<128x128xf32, #tpu.memory_space<vmem>> -> memref<128x128xf32, #tpu.memory_space<vmem>>
      tpu.wait_dma2 semaphore(%run_scoped3A_66 : memref<!tpu.dma_semaphore, #tpu.memory_space<semaphore_mem>>) src(%dma_wait3A_84 : memref<128x128xf32, #tpu.memory_space<vmem>>) dst(%dma_wait3A_81 : memref<128x128xf32, #tpu.memory_space<vmem_shared>>)
      tpu.yield
    }) : () -> ()
    %add3A_20 = arith.constant 384 : i32
    %add3A_21 = arith.addi %multiple_of3A, %add3A_20 : i32
    "tpu.region"() ({
      %run_scoped3A_66 = tpu.sem_alloc : memref<!tpu.dma_semaphore, #tpu.memory_space<semaphore_mem>>
      %dma_start3A = arith.constant 0 : i32
      %dma_start3A_67 = arith.constant 0 : i32
      %dma_start3A_68 = tpu.memref_slice %arg12[%dma_start3A, %dma_start3A_67] : memref<128x128xf32, #tpu.memory_space<vmem>> -> memref<128x128xf32, #tpu.memory_space<vmem>>
      %dma_start3A_69 = arith.constant 0 : i32
      %dma_start3A_70 = tpu.memref_slice %arg16[%add3A_21, %dma_start3A_69] : memref<10000x128xf32, #tpu.memory_space<vmem_shared>> -> memref<128x128xf32, #tpu.memory_space<vmem_shared>>
      %dma_start3A_71 = arith.constant 0 : i32
      %dma_start3A_72 = tpu.memref_slice %arg16[%add3A_21, %dma_start3A_71] : memref<10000x128xf32, #tpu.memory_space<vmem_shared>> -> memref<128x128xf32, #tpu.memory_space<vmem_shared>>
      %dma_start3A_73 = arith.constant 0 : i32
      %dma_start3A_74 = arith.constant 0 : i32
      %dma_start3A_75 = tpu.memref_slice %arg12[%dma_start3A_73, %dma_start3A_74] : memref<128x128xf32, #tpu.memory_space<vmem>> -> memref<128x128xf32, #tpu.memory_space<vmem>>
      tpu.enqueue_dma source(%dma_start3A_75 : memref<128x128xf32, #tpu.memory_space<vmem>>) target(%dma_start3A_72 : memref<128x128xf32, #tpu.memory_space<vmem_shared>>) target_semaphore(%run_scoped3A_66 : memref<!tpu.dma_semaphore, #tpu.memory_space<semaphore_mem>>)
      %dma_wait3A = arith.constant 0 : i32
      %dma_wait3A_76 = arith.constant 0 : i32
      %dma_wait3A_77 = tpu.memref_slice %arg12[%dma_wait3A, %dma_wait3A_76] : memref<128x128xf32, #tpu.memory_space<vmem>> -> memref<128x128xf32, #tpu.memory_space<vmem>>
      %dma_wait3A_78 = arith.constant 0 : i32
      %dma_wait3A_79 = tpu.memref_slice %arg16[%add3A_21, %dma_wait3A_78] : memref<10000x128xf32, #tpu.memory_space<vmem_shared>> -> memref<128x128xf32, #tpu.memory_space<vmem_shared>>
      %dma_wait3A_80 = arith.constant 0 : i32
      %dma_wait3A_81 = tpu.memref_slice %arg16[%add3A_21, %dma_wait3A_80] : memref<10000x128xf32, #tpu.memory_space<vmem_shared>> -> memref<128x128xf32, #tpu.memory_space<vmem_shared>>
      %dma_wait3A_82 = arith.constant 0 : i32
      %dma_wait3A_83 = arith.constant 0 : i32
      %dma_wait3A_84 = tpu.memref_slice %arg12[%dma_wait3A_82, %dma_wait3A_83] : memref<128x128xf32, #tpu.memory_space<vmem>> -> memref<128x128xf32, #tpu.memory_space<vmem>>
      tpu.wait_dma2 semaphore(%run_scoped3A_66 : memref<!tpu.dma_semaphore, #tpu.memory_space<semaphore_mem>>) src(%dma_wait3A_84 : memref<128x128xf32, #tpu.memory_space<vmem>>) dst(%dma_wait3A_81 : memref<128x128xf32, #tpu.memory_space<vmem_shared>>)
      tpu.yield
    }) : () -> ()
    %add3A_22 = arith.constant 512 : i32
    %add3A_23 = arith.addi %multiple_of3A, %add3A_22 : i32
    "tpu.region"() ({
      %run_scoped3A_66 = tpu.sem_alloc : memref<!tpu.dma_semaphore, #tpu.memory_space<semaphore_mem>>
      %dma_start3A = arith.constant 0 : i32
      %dma_start3A_67 = arith.constant 0 : i32
      %dma_start3A_68 = tpu.memref_slice %arg12[%dma_start3A, %dma_start3A_67] : memref<128x128xf32, #tpu.memory_space<vmem>> -> memref<112x128xf32, #tpu.memory_space<vmem>>
      %dma_start3A_69 = arith.constant 0 : i32
      %dma_start3A_70 = tpu.memref_slice %arg16[%add3A_23, %dma_start3A_69] : memref<10000x128xf32, #tpu.memory_space<vmem_shared>> -> memref<112x128xf32, #tpu.memory_space<vmem_shared>>
      %dma_start3A_71 = arith.constant 0 : i32
      %dma_start3A_72 = tpu.memref_slice %arg16[%add3A_23, %dma_start3A_71] : memref<10000x128xf32, #tpu.memory_space<vmem_shared>> -> memref<112x128xf32, #tpu.memory_space<vmem_shared>>
      %dma_start3A_73 = arith.constant 0 : i32
      %dma_start3A_74 = arith.constant 0 : i32
      %dma_start3A_75 = tpu.memref_slice %arg12[%dma_start3A_73, %dma_start3A_74] : memref<128x128xf32, #tpu.memory_space<vmem>> -> memref<112x128xf32, #tpu.memory_space<vmem>>
      tpu.enqueue_dma source(%dma_start3A_75 : memref<112x128xf32, #tpu.memory_space<vmem>>) target(%dma_start3A_72 : memref<112x128xf32, #tpu.memory_space<vmem_shared>>) target_semaphore(%run_scoped3A_66 : memref<!tpu.dma_semaphore, #tpu.memory_space<semaphore_mem>>)
      %dma_wait3A = arith.constant 0 : i32
      %dma_wait3A_76 = arith.constant 0 : i32
      %dma_wait3A_77 = tpu.memref_slice %arg12[%dma_wait3A, %dma_wait3A_76] : memref<128x128xf32, #tpu.memory_space<vmem>> -> memref<112x128xf32, #tpu.memory_space<vmem>>
      %dma_wait3A_78 = arith.constant 0 : i32
      %dma_wait3A_79 = tpu.memref_slice %arg16[%add3A_23, %dma_wait3A_78] : memref<10000x128xf32, #tpu.memory_space<vmem_shared>> -> memref<112x128xf32, #tpu.memory_space<vmem_shared>>
      %dma_wait3A_80 = arith.constant 0 : i32
      %dma_wait3A_81 = tpu.memref_slice %arg16[%add3A_23, %dma_wait3A_80] : memref<10000x128xf32, #tpu.memory_space<vmem_shared>> -> memref<112x128xf32, #tpu.memory_space<vmem_shared>>
      %dma_wait3A_82 = arith.constant 0 : i32
      %dma_wait3A_83 = arith.constant 0 : i32
      %dma_wait3A_84 = tpu.memref_slice %arg12[%dma_wait3A_82, %dma_wait3A_83] : memref<128x128xf32, #tpu.memory_space<vmem>> -> memref<112x128xf32, #tpu.memory_space<vmem>>
      tpu.wait_dma2 semaphore(%run_scoped3A_66 : memref<!tpu.dma_semaphore, #tpu.memory_space<semaphore_mem>>) src(%dma_wait3A_84 : memref<112x128xf32, #tpu.memory_space<vmem>>) dst(%dma_wait3A_81 : memref<112x128xf32, #tpu.memory_space<vmem_shared>>)
      tpu.yield
    }) : () -> ()
    %lt3A = arith.constant 2 : i32
    %lt3A_24 = arith.cmpi slt, %arg1, %lt3A : i32
    %convert_element_type3A = arith.extui %lt3A_24 : i1 to i32
    %cond3A = arith.constant 0 : i32
    %cond3A_25 = arith.cmpi ne, %convert_element_type3A, %cond3A : i32
    scf.if %cond3A_25 {
      %add3A_66 = arith.constant 624 : i32
      %add3A_67 = arith.addi %multiple_of3A, %add3A_66 : i32
      "tpu.region"() ({
        %run_scoped3A_68 = tpu.sem_alloc : memref<!tpu.dma_semaphore, #tpu.memory_space<semaphore_mem>>
        %dma_start3A = arith.constant 0 : i32
        %dma_start3A_69 = arith.constant 0 : i32
        %dma_start3A_70 = tpu.memref_slice %arg12[%dma_start3A, %dma_start3A_69] : memref<128x128xf32, #tpu.memory_space<vmem>> -> memref<8x128xf32, #tpu.memory_space<vmem>>
        %dma_start3A_71 = arith.constant 0 : i32
        %dma_start3A_72 = tpu.memref_slice %arg16[%add3A_67, %dma_start3A_71] : memref<10000x128xf32, #tpu.memory_space<vmem_shared>> -> memref<8x128xf32, #tpu.memory_space<vmem_shared>>
        %dma_start3A_73 = arith.constant 0 : i32
        %dma_start3A_74 = tpu.memref_slice %arg16[%add3A_67, %dma_start3A_73] : memref<10000x128xf32, #tpu.memory_space<vmem_shared>> -> memref<8x128xf32, #tpu.memory_space<vmem_shared>>
        %dma_start3A_75 = arith.constant 0 : i32
        %dma_start3A_76 = arith.constant 0 : i32
        %dma_start3A_77 = tpu.memref_slice %arg12[%dma_start3A_75, %dma_start3A_76] : memref<128x128xf32, #tpu.memory_space<vmem>> -> memref<8x128xf32, #tpu.memory_space<vmem>>
        tpu.enqueue_dma source(%dma_start3A_77 : memref<8x128xf32, #tpu.memory_space<vmem>>) target(%dma_start3A_74 : memref<8x128xf32, #tpu.memory_space<vmem_shared>>) target_semaphore(%run_scoped3A_68 : memref<!tpu.dma_semaphore, #tpu.memory_space<semaphore_mem>>)
        %dma_wait3A = arith.constant 0 : i32
        %dma_wait3A_78 = arith.constant 0 : i32
        %dma_wait3A_79 = tpu.memref_slice %arg12[%dma_wait3A, %dma_wait3A_78] : memref<128x128xf32, #tpu.memory_space<vmem>> -> memref<8x128xf32, #tpu.memory_space<vmem>>
        %dma_wait3A_80 = arith.constant 0 : i32
        %dma_wait3A_81 = tpu.memref_slice %arg16[%add3A_67, %dma_wait3A_80] : memref<10000x128xf32, #tpu.memory_space<vmem_shared>> -> memref<8x128xf32, #tpu.memory_space<vmem_shared>>
        %dma_wait3A_82 = arith.constant 0 : i32
        %dma_wait3A_83 = tpu.memref_slice %arg16[%add3A_67, %dma_wait3A_82] : memref<10000x128xf32, #tpu.memory_space<vmem_shared>> -> memref<8x128xf32, #tpu.memory_space<vmem_shared>>
        %dma_wait3A_84 = arith.constant 0 : i32
        %dma_wait3A_85 = arith.constant 0 : i32
        %dma_wait3A_86 = tpu.memref_slice %arg12[%dma_wait3A_84, %dma_wait3A_85] : memref<128x128xf32, #tpu.memory_space<vmem>> -> memref<8x128xf32, #tpu.memory_space<vmem>>
        tpu.wait_dma2 semaphore(%run_scoped3A_68 : memref<!tpu.dma_semaphore, #tpu.memory_space<semaphore_mem>>) src(%dma_wait3A_86 : memref<8x128xf32, #tpu.memory_space<vmem>>) dst(%dma_wait3A_83 : memref<8x128xf32, #tpu.memory_space<vmem_shared>>)
        tpu.yield
      }) : () -> ()
    } else {
    }
    %scan3A_26 = arith.constant 0 : i32
    %scan3A_27 = arith.constant 0 : i32
    %scan3A_28 = arith.constant 625 : i32
    %scan3A_29 = arith.addi %scan3A_27, %scan3A_28 : i32
    %scan3A_30 = arith.constant 1 : i32
    %scan3A_31 = scf.for %scan3A_66 = %scan3A_27 to %scan3A_29 step %scan3A_30 iter_args(%scan3A_67 = %scan3A_26) -> (i32)  : i32 {
      %mul3A_68 = arith.constant 16 : i32
      %mul3A_69 = arith.muli %scan3A_66, %mul3A_68 : i32
      %swap3A = arith.index_cast %mul3A_69 : i32 to index
      %swap3A_70 = tpu.vector_load %arg11[%swap3A] {strides = array<i32>} : memref<10000xf32, #tpu.memory_space<vmem>>, vector<16xf32>,
      tpu.vector_store %arg11[%swap3A], %broadcast_in_dim3A_1 {strides = array<i32>} : memref<10000xf32, #tpu.memory_space<vmem>>, vector<16xf32>,
      %scan3A_71 = arith.constant 0 : i32
      scf.yield %scan3A_71 : i32
    }
    %scan3A_32 = arith.constant 625 : i32
    "tpu.region"() ({
      %run_scoped3A_66 = tpu.sem_alloc : memref<!tpu.dma_semaphore, #tpu.memory_space<semaphore_mem>>
      tpu.enqueue_dma source(%arg3 : memref<10000xf32, #tpu.memory_space<hbm>>) target(%arg9 : memref<10000xf32, #tpu.memory_space<vmem>>) target_semaphore(%run_scoped3A_66 : memref<!tpu.dma_semaphore, #tpu.memory_space<semaphore_mem>>)
      tpu.wait_dma2 semaphore(%run_scoped3A_66 : memref<!tpu.dma_semaphore, #tpu.memory_space<semaphore_mem>>) src(%arg3 : memref<10000xf32, #tpu.memory_space<hbm>>) dst(%arg9 : memref<10000xf32, #tpu.memory_space<vmem>>)
      tpu.yield
    }) : () -> ()
    "tpu.region"() ({
      %run_scoped3A_66 = tpu.sem_alloc : memref<!tpu.dma_semaphore, #tpu.memory_space<semaphore_mem>>
      tpu.enqueue_dma source(%arg4 : memref<10000xf32, #tpu.memory_space<hbm>>) target(%arg10 : memref<10000xf32, #tpu.memory_space<vmem>>) target_semaphore(%run_scoped3A_66 : memref<!tpu.dma_semaphore, #tpu.memory_space<semaphore_mem>>)
      tpu.wait_dma2 semaphore(%run_scoped3A_66 : memref<!tpu.dma_semaphore, #tpu.memory_space<semaphore_mem>>) src(%arg4 : memref<10000xf32, #tpu.memory_space<hbm>>) dst(%arg10 : memref<10000xf32, #tpu.memory_space<vmem>>)
      tpu.yield
    }) : () -> ()
    %barrier3A = arith.constant 0 : index
    tpu.barrier barrier_id(%barrier3A)
    %iota3A = tpu.iota {dimensions = array<i32: 0>} : vector<16xi32>
    %scan3A_33 = arith.constant 0 : i32
    %scan3A_34 = arith.constant 0 : i32
    %scan3A_35 = arith.constant 79 : i32
    %scan3A_36 = arith.addi %scan3A_34, %scan3A_35 : i32
    %scan3A_37 = arith.constant 1 : i32
    %scan3A_38 = scf.for %scan3A_66 = %scan3A_34 to %scan3A_36 step %scan3A_37 iter_args(%scan3A_67 = %scan3A_33) -> (i32)  : i32 {
      %mul3A_68 = arith.constant 10000 : i32
      %mul3A_69 = arith.muli %add3A, %mul3A_68 : i32
      %mul3A_70 = arith.constant 128 : i32
      %mul3A_71 = arith.muli %scan3A_66, %mul3A_70 : i32
      %add3A_72 = arith.addi %mul3A_69, %mul3A_71 : i32
      "tpu.region"() ({
        %run_scoped3A_310 = tpu.sem_alloc : memref<!tpu.dma_semaphore, #tpu.memory_space<semaphore_mem>>
        %dma_start3A_311 = tpu.memref_slice %arg5[%add3A_72] : memref<320112xi32, #tpu.memory_space<hbm>> -> memref<128xi32, #tpu.memory_space<hbm>>
        %dma_start3A_312 = tpu.memref_slice %arg5[%add3A_72] : memref<320112xi32, #tpu.memory_space<hbm>> -> memref<128xi32, #tpu.memory_space<hbm>>
        tpu.enqueue_dma source(%dma_start3A_312 : memref<128xi32, #tpu.memory_space<hbm>>) target(%arg13 : memref<128xi32, #tpu.memory_space<vmem>>) target_semaphore(%run_scoped3A_310 : memref<!tpu.dma_semaphore, #tpu.memory_space<semaphore_mem>>)
        %dma_wait3A_313 = tpu.memref_slice %arg5[%add3A_72] : memref<320112xi32, #tpu.memory_space<hbm>> -> memref<128xi32, #tpu.memory_space<hbm>>
        %dma_wait3A_314 = tpu.memref_slice %arg5[%add3A_72] : memref<320112xi32, #tpu.memory_space<hbm>> -> memref<128xi32, #tpu.memory_space<hbm>>
        tpu.wait_dma2 semaphore(%run_scoped3A_310 : memref<!tpu.dma_semaphore, #tpu.memory_space<semaphore_mem>>) src(%dma_wait3A_314 : memref<128xi32, #tpu.memory_space<hbm>>) dst(%arg13 : memref<128xi32, #tpu.memory_space<vmem>>)
        tpu.yield
      }) : () -> ()
      "tpu.region"() ({
        %run_scoped3A_310 = tpu.sem_alloc : memref<!tpu.dma_semaphore, #tpu.memory_space<semaphore_mem>>
        %dma_start3A_311 = tpu.memref_slice %arg6[%add3A_72] : memref<320112xi32, #tpu.memory_space<hbm>> -> memref<128xi32, #tpu.memory_space<hbm>>
        %dma_start3A_312 = tpu.memref_slice %arg6[%add3A_72] : memref<320112xi32, #tpu.memory_space<hbm>> -> memref<128xi32, #tpu.memory_space<hbm>>
        tpu.enqueue_dma source(%dma_start3A_312 : memref<128xi32, #tpu.memory_space<hbm>>) target(%arg14 : memref<128xi32, #tpu.memory_space<vmem>>) target_semaphore(%run_scoped3A_310 : memref<!tpu.dma_semaphore, #tpu.memory_space<semaphore_mem>>)
        %dma_wait3A_313 = tpu.memref_slice %arg6[%add3A_72] : memref<320112xi32, #tpu.memory_space<hbm>> -> memref<128xi32, #tpu.memory_space<hbm>>
        %dma_wait3A_314 = tpu.memref_slice %arg6[%add3A_72] : memref<320112xi32, #tpu.memory_space<hbm>> -> memref<128xi32, #tpu.memory_space<hbm>>
        tpu.wait_dma2 semaphore(%run_scoped3A_310 : memref<!tpu.dma_semaphore, #tpu.memory_space<semaphore_mem>>) src(%dma_wait3A_314 : memref<128xi32, #tpu.memory_space<hbm>>) dst(%arg14 : memref<128xi32, #tpu.memory_space<vmem>>)
        tpu.yield
      }) : () -> ()
      %dma_start3A = arith.constant 0 : i32
      %dma_start3A_73 = arith.constant 0 : i32
      %dma_start3A_74 = tpu.memref_slice %arg2[%dma_start3A, %dma_start3A_73] : memref<10000x128xf32, #tpu.memory_space<hbm>> -> memref<10000x128xf32, #tpu.memory_space<hbm>>
      tpu.enqueue_indirect_dma source(%dma_start3A_74 : memref<10000x128xf32, #tpu.memory_space<hbm>>) target(%arg12 : memref<128x128xf32, #tpu.memory_space<vmem>>) offsets(%arg13 : memref<128xi32, #tpu.memory_space<vmem>>) semaphore(%arg17 : memref<!tpu.dma_semaphore, #tpu.memory_space<semaphore_mem>>)
      %get3A = arith.constant 0 : index
      %get3A_75 = tpu.vector_load %arg13[%get3A] {strides = array<i32>} : memref<128xi32, #tpu.memory_space<vmem>>, vector<16xi32>,
      %get3A_76 = arith.constant 0 : index
      %get3A_77 = tpu.vector_load %arg14[%get3A_76] {strides = array<i32>} : memref<128xi32, #tpu.memory_space<vmem>>, vector<16xi32>,
      %gather3A = tpu.vector_load_idx %arg9[%get3A_75] : memref<10000xf32, #tpu.memory_space<vmem>>[vector<16xi32>], vector<16xf32>,
      %gather3A_78 = tpu.vector_load_idx %arg10[%get3A_77] : memref<10000xf32, #tpu.memory_space<vmem>>[vector<16xi32>], vector<16xf32>,
      %add3A_79 = arith.addf %gather3A, %gather3A_78 : vector<16xf32>
      %gt3A = arith.constant 0.000000e+00 : f32
      %gt3A_80 = vector.broadcast %gt3A : f32 to vector<16xf32>
      %gt3A_81 = arith.cmpf ogt, %add3A_79, %gt3A_80 : vector<16xf32>
      %mul3A_82 = arith.constant 2.000000e-01 : f32
      %mul3A_83 = vector.broadcast %mul3A_82 : f32 to vector<16xf32>
      %mul3A_84 = arith.mulf %mul3A_83, %add3A_79 : vector<16xf32>
      %select_n3A = arith.select %gt3A_81, %add3A_79, %mul3A_84 : vector<16xi1>, vector<16xf32>
      %exp3A = math.exp %select_n3A : vector<16xf32>
      %mul3A_85 = arith.constant 128 : i32
      %mul3A_86 = arith.muli %scan3A_66, %mul3A_85 : i32
      %add3A_87 = arith.constant 0 : i32
      %add3A_88 = arith.addi %mul3A_86, %add3A_87 : i32
      %add3A_89 = vector.broadcast %add3A_88 : i32 to vector<16xi32>
      %add3A_90 = arith.addi %add3A_89, %iota3A : vector<16xi32>
      %lt3A_91 = arith.constant 10000 : i32
      %lt3A_92 = vector.broadcast %lt3A_91 : i32 to vector<16xi32>
      %lt3A_93 = arith.cmpi slt, %add3A_90, %lt3A_92 : vector<16xi32>
      %jit3A = arith.constant 0.000000e+00 : f32
      %broadcast_in_dim3A_94 = vector.broadcast %jit3A : f32 to vector<16xf32>
      %select_n3A_95 = arith.select %lt3A_93, %exp3A, %broadcast_in_dim3A_94 : vector<16xi1>, vector<16xf32>
      %swap3A = arith.constant 0 : index
      %swap3A_96 = tpu.vector_load %arg15[%swap3A] {strides = array<i32>} : memref<128xf32, #tpu.memory_space<vmem>>, vector<16xf32>,
      tpu.vector_store %arg15[%swap3A], %select_n3A_95 {strides = array<i32>} : memref<128xf32, #tpu.memory_space<vmem>>, vector<16xf32>,
      tpu.vector_store_idx %arg11[%get3A_77], %select_n3A_95 {add = true} : memref<10000xf32, #tpu.memory_space<vmem>>[vector<16xi32>], vector<16xf32>,
      %get3A_97 = arith.constant 16 : index
      %get3A_98 = tpu.vector_load %arg13[%get3A_97] {strides = array<i32>} : memref<128xi32, #tpu.memory_space<vmem>>, vector<16xi32>,
      %get3A_99 = arith.constant 16 : index
      %get3A_100 = tpu.vector_load %arg14[%get3A_99] {strides = array<i32>} : memref<128xi32, #tpu.memory_space<vmem>>, vector<16xi32>,
      %gather3A_101 = tpu.vector_load_idx %arg9[%get3A_98] : memref<10000xf32, #tpu.memory_space<vmem>>[vector<16xi32>], vector<16xf32>,
      %gather3A_102 = tpu.vector_load_idx %arg10[%get3A_100] : memref<10000xf32, #tpu.memory_space<vmem>>[vector<16xi32>], vector<16xf32>,
      %add3A_103 = arith.addf %gather3A_101, %gather3A_102 : vector<16xf32>
      %gt3A_104 = arith.constant 0.000000e+00 : f32
      %gt3A_105 = vector.broadcast %gt3A_104 : f32 to vector<16xf32>
      %gt3A_106 = arith.cmpf ogt, %add3A_103, %gt3A_105 : vector<16xf32>
      %mul3A_107 = arith.constant 2.000000e-01 : f32
      %mul3A_108 = vector.broadcast %mul3A_107 : f32 to vector<16xf32>
      %mul3A_109 = arith.mulf %mul3A_108, %add3A_103 : vector<16xf32>
      %select_n3A_110 = arith.select %gt3A_106, %add3A_103, %mul3A_109 : vector<16xi1>, vector<16xf32>
      %exp3A_111 = math.exp %select_n3A_110 : vector<16xf32>
      %mul3A_112 = arith.constant 128 : i32
      %mul3A_113 = arith.muli %scan3A_66, %mul3A_112 : i32
      %add3A_114 = arith.constant 16 : i32
      %add3A_115 = arith.addi %mul3A_113, %add3A_114 : i32
      %add3A_116 = vector.broadcast %add3A_115 : i32 to vector<16xi32>
      %add3A_117 = arith.addi %add3A_116, %iota3A : vector<16xi32>
      %lt3A_118 = arith.constant 10000 : i32
      %lt3A_119 = vector.broadcast %lt3A_118 : i32 to vector<16xi32>
      %lt3A_120 = arith.cmpi slt, %add3A_117, %lt3A_119 : vector<16xi32>
      %jit3A_121 = arith.constant 0.000000e+00 : f32
      %broadcast_in_dim3A_122 = vector.broadcast %jit3A_121 : f32 to vector<16xf32>
      %select_n3A_123 = arith.select %lt3A_120, %exp3A_111, %broadcast_in_dim3A_122 : vector<16xi1>, vector<16xf32>
      %swap3A_124 = arith.constant 16 : index
      %swap3A_125 = tpu.vector_load %arg15[%swap3A_124] {strides = array<i32>} : memref<128xf32, #tpu.memory_space<vmem>>, vector<16xf32>,
      tpu.vector_store %arg15[%swap3A_124], %select_n3A_123 {strides = array<i32>} : memref<128xf32, #tpu.memory_space<vmem>>, vector<16xf32>,
      tpu.vector_store_idx %arg11[%get3A_100], %select_n3A_123 {add = true} : memref<10000xf32, #tpu.memory_space<vmem>>[vector<16xi32>], vector<16xf32>,
      %get3A_126 = arith.constant 32 : index
      %get3A_127 = tpu.vector_load %arg13[%get3A_126] {strides = array<i32>} : memref<128xi32, #tpu.memory_space<vmem>>, vector<16xi32>,
      %get3A_128 = arith.constant 32 : index
      %get3A_129 = tpu.vector_load %arg14[%get3A_128] {strides = array<i32>} : memref<128xi32, #tpu.memory_space<vmem>>, vector<16xi32>,
      %gather3A_130 = tpu.vector_load_idx %arg9[%get3A_127] : memref<10000xf32, #tpu.memory_space<vmem>>[vector<16xi32>], vector<16xf32>,
      %gather3A_131 = tpu.vector_load_idx %arg10[%get3A_129] : memref<10000xf32, #tpu.memory_space<vmem>>[vector<16xi32>], vector<16xf32>,
      %add3A_132 = arith.addf %gather3A_130, %gather3A_131 : vector<16xf32>
      %gt3A_133 = arith.constant 0.000000e+00 : f32
      %gt3A_134 = vector.broadcast %gt3A_133 : f32 to vector<16xf32>
      %gt3A_135 = arith.cmpf ogt, %add3A_132, %gt3A_134 : vector<16xf32>
      %mul3A_136 = arith.constant 2.000000e-01 : f32
      %mul3A_137 = vector.broadcast %mul3A_136 : f32 to vector<16xf32>
      %mul3A_138 = arith.mulf %mul3A_137, %add3A_132 : vector<16xf32>
      %select_n3A_139 = arith.select %gt3A_135, %add3A_132, %mul3A_138 : vector<16xi1>, vector<16xf32>
      %exp3A_140 = math.exp %select_n3A_139 : vector<16xf32>
      %mul3A_141 = arith.constant 128 : i32
      %mul3A_142 = arith.muli %scan3A_66, %mul3A_141 : i32
      %add3A_143 = arith.constant 32 : i32
      %add3A_144 = arith.addi %mul3A_142, %add3A_143 : i32
      %add3A_145 = vector.broadcast %add3A_144 : i32 to vector<16xi32>
      %add3A_146 = arith.addi %add3A_145, %iota3A : vector<16xi32>
      %lt3A_147 = arith.constant 10000 : i32
      %lt3A_148 = vector.broadcast %lt3A_147 : i32 to vector<16xi32>
      %lt3A_149 = arith.cmpi slt, %add3A_146, %lt3A_148 : vector<16xi32>
      %jit3A_150 = arith.constant 0.000000e+00 : f32
      %broadcast_in_dim3A_151 = vector.broadcast %jit3A_150 : f32 to vector<16xf32>
      %select_n3A_152 = arith.select %lt3A_149, %exp3A_140, %broadcast_in_dim3A_151 : vector<16xi1>, vector<16xf32>
      %swap3A_153 = arith.constant 32 : index
      %swap3A_154 = tpu.vector_load %arg15[%swap3A_153] {strides = array<i32>} : memref<128xf32, #tpu.memory_space<vmem>>, vector<16xf32>,
      tpu.vector_store %arg15[%swap3A_153], %select_n3A_152 {strides = array<i32>} : memref<128xf32, #tpu.memory_space<vmem>>, vector<16xf32>,
      tpu.vector_store_idx %arg11[%get3A_129], %select_n3A_152 {add = true} : memref<10000xf32, #tpu.memory_space<vmem>>[vector<16xi32>], vector<16xf32>,
      %get3A_155 = arith.constant 48 : index
      %get3A_156 = tpu.vector_load %arg13[%get3A_155] {strides = array<i32>} : memref<128xi32, #tpu.memory_space<vmem>>, vector<16xi32>,
      %get3A_157 = arith.constant 48 : index
      %get3A_158 = tpu.vector_load %arg14[%get3A_157] {strides = array<i32>} : memref<128xi32, #tpu.memory_space<vmem>>, vector<16xi32>,
      %gather3A_159 = tpu.vector_load_idx %arg9[%get3A_156] : memref<10000xf32, #tpu.memory_space<vmem>>[vector<16xi32>], vector<16xf32>,
      %gather3A_160 = tpu.vector_load_idx %arg10[%get3A_158] : memref<10000xf32, #tpu.memory_space<vmem>>[vector<16xi32>], vector<16xf32>,
      %add3A_161 = arith.addf %gather3A_159, %gather3A_160 : vector<16xf32>
      %gt3A_162 = arith.constant 0.000000e+00 : f32
      %gt3A_163 = vector.broadcast %gt3A_162 : f32 to vector<16xf32>
      %gt3A_164 = arith.cmpf ogt, %add3A_161, %gt3A_163 : vector<16xf32>
      %mul3A_165 = arith.constant 2.000000e-01 : f32
      %mul3A_166 = vector.broadcast %mul3A_165 : f32 to vector<16xf32>
      %mul3A_167 = arith.mulf %mul3A_166, %add3A_161 : vector<16xf32>
      %select_n3A_168 = arith.select %gt3A_164, %add3A_161, %mul3A_167 : vector<16xi1>, vector<16xf32>
      %exp3A_169 = math.exp %select_n3A_168 : vector<16xf32>
      %mul3A_170 = arith.constant 128 : i32
      %mul3A_171 = arith.muli %scan3A_66, %mul3A_170 : i32
      %add3A_172 = arith.constant 48 : i32
      %add3A_173 = arith.addi %mul3A_171, %add3A_172 : i32
      %add3A_174 = vector.broadcast %add3A_173 : i32 to vector<16xi32>
      %add3A_175 = arith.addi %add3A_174, %iota3A : vector<16xi32>
      %lt3A_176 = arith.constant 10000 : i32
      %lt3A_177 = vector.broadcast %lt3A_176 : i32 to vector<16xi32>
      %lt3A_178 = arith.cmpi slt, %add3A_175, %lt3A_177 : vector<16xi32>
      %jit3A_179 = arith.constant 0.000000e+00 : f32
      %broadcast_in_dim3A_180 = vector.broadcast %jit3A_179 : f32 to vector<16xf32>
      %select_n3A_181 = arith.select %lt3A_178, %exp3A_169, %broadcast_in_dim3A_180 : vector<16xi1>, vector<16xf32>
      %swap3A_182 = arith.constant 48 : index
      %swap3A_183 = tpu.vector_load %arg15[%swap3A_182] {strides = array<i32>} : memref<128xf32, #tpu.memory_space<vmem>>, vector<16xf32>,
      tpu.vector_store %arg15[%swap3A_182], %select_n3A_181 {strides = array<i32>} : memref<128xf32, #tpu.memory_space<vmem>>, vector<16xf32>,
      tpu.vector_store_idx %arg11[%get3A_158], %select_n3A_181 {add = true} : memref<10000xf32, #tpu.memory_space<vmem>>[vector<16xi32>], vector<16xf32>,
      %get3A_184 = arith.constant 64 : index
      %get3A_185 = tpu.vector_load %arg13[%get3A_184] {strides = array<i32>} : memref<128xi32, #tpu.memory_space<vmem>>, vector<16xi32>,
      %get3A_186 = arith.constant 64 : index
      %get3A_187 = tpu.vector_load %arg14[%get3A_186] {strides = array<i32>} : memref<128xi32, #tpu.memory_space<vmem>>, vector<16xi32>,
      %gather3A_188 = tpu.vector_load_idx %arg9[%get3A_185] : memref<10000xf32, #tpu.memory_space<vmem>>[vector<16xi32>], vector<16xf32>,
      %gather3A_189 = tpu.vector_load_idx %arg10[%get3A_187] : memref<10000xf32, #tpu.memory_space<vmem>>[vector<16xi32>], vector<16xf32>,
      %add3A_190 = arith.addf %gather3A_188, %gather3A_189 : vector<16xf32>
      %gt3A_191 = arith.constant 0.000000e+00 : f32
      %gt3A_192 = vector.broadcast %gt3A_191 : f32 to vector<16xf32>
      %gt3A_193 = arith.cmpf ogt, %add3A_190, %gt3A_192 : vector<16xf32>
      %mul3A_194 = arith.constant 2.000000e-01 : f32
      %mul3A_195 = vector.broadcast %mul3A_194 : f32 to vector<16xf32>
      %mul3A_196 = arith.mulf %mul3A_195, %add3A_190 : vector<16xf32>
      %select_n3A_197 = arith.select %gt3A_193, %add3A_190, %mul3A_196 : vector<16xi1>, vector<16xf32>
      %exp3A_198 = math.exp %select_n3A_197 : vector<16xf32>
      %mul3A_199 = arith.constant 128 : i32
      %mul3A_200 = arith.muli %scan3A_66, %mul3A_199 : i32
      %add3A_201 = arith.constant 64 : i32
      %add3A_202 = arith.addi %mul3A_200, %add3A_201 : i32
      %add3A_203 = vector.broadcast %add3A_202 : i32 to vector<16xi32>
      %add3A_204 = arith.addi %add3A_203, %iota3A : vector<16xi32>
      %lt3A_205 = arith.constant 10000 : i32
      %lt3A_206 = vector.broadcast %lt3A_205 : i32 to vector<16xi32>
      %lt3A_207 = arith.cmpi slt, %add3A_204, %lt3A_206 : vector<16xi32>
      %jit3A_208 = arith.constant 0.000000e+00 : f32
      %broadcast_in_dim3A_209 = vector.broadcast %jit3A_208 : f32 to vector<16xf32>
      %select_n3A_210 = arith.select %lt3A_207, %exp3A_198, %broadcast_in_dim3A_209 : vector<16xi1>, vector<16xf32>
      %swap3A_211 = arith.constant 64 : index
      %swap3A_212 = tpu.vector_load %arg15[%swap3A_211] {strides = array<i32>} : memref<128xf32, #tpu.memory_space<vmem>>, vector<16xf32>,
      tpu.vector_store %arg15[%swap3A_211], %select_n3A_210 {strides = array<i32>} : memref<128xf32, #tpu.memory_space<vmem>>, vector<16xf32>,
      tpu.vector_store_idx %arg11[%get3A_187], %select_n3A_210 {add = true} : memref<10000xf32, #tpu.memory_space<vmem>>[vector<16xi32>], vector<16xf32>,
      %get3A_213 = arith.constant 80 : index
      %get3A_214 = tpu.vector_load %arg13[%get3A_213] {strides = array<i32>} : memref<128xi32, #tpu.memory_space<vmem>>, vector<16xi32>,
      %get3A_215 = arith.constant 80 : index
      %get3A_216 = tpu.vector_load %arg14[%get3A_215] {strides = array<i32>} : memref<128xi32, #tpu.memory_space<vmem>>, vector<16xi32>,
      %gather3A_217 = tpu.vector_load_idx %arg9[%get3A_214] : memref<10000xf32, #tpu.memory_space<vmem>>[vector<16xi32>], vector<16xf32>,
      %gather3A_218 = tpu.vector_load_idx %arg10[%get3A_216] : memref<10000xf32, #tpu.memory_space<vmem>>[vector<16xi32>], vector<16xf32>,
      %add3A_219 = arith.addf %gather3A_217, %gather3A_218 : vector<16xf32>
      %gt3A_220 = arith.constant 0.000000e+00 : f32
      %gt3A_221 = vector.broadcast %gt3A_220 : f32 to vector<16xf32>
      %gt3A_222 = arith.cmpf ogt, %add3A_219, %gt3A_221 : vector<16xf32>
      %mul3A_223 = arith.constant 2.000000e-01 : f32
      %mul3A_224 = vector.broadcast %mul3A_223 : f32 to vector<16xf32>
      %mul3A_225 = arith.mulf %mul3A_224, %add3A_219 : vector<16xf32>
      %select_n3A_226 = arith.select %gt3A_222, %add3A_219, %mul3A_225 : vector<16xi1>, vector<16xf32>
      %exp3A_227 = math.exp %select_n3A_226 : vector<16xf32>
      %mul3A_228 = arith.constant 128 : i32
      %mul3A_229 = arith.muli %scan3A_66, %mul3A_228 : i32
      %add3A_230 = arith.constant 80 : i32
      %add3A_231 = arith.addi %mul3A_229, %add3A_230 : i32
      %add3A_232 = vector.broadcast %add3A_231 : i32 to vector<16xi32>
      %add3A_233 = arith.addi %add3A_232, %iota3A : vector<16xi32>
      %lt3A_234 = arith.constant 10000 : i32
      %lt3A_235 = vector.broadcast %lt3A_234 : i32 to vector<16xi32>
      %lt3A_236 = arith.cmpi slt, %add3A_233, %lt3A_235 : vector<16xi32>
      %jit3A_237 = arith.constant 0.000000e+00 : f32
      %broadcast_in_dim3A_238 = vector.broadcast %jit3A_237 : f32 to vector<16xf32>
      %select_n3A_239 = arith.select %lt3A_236, %exp3A_227, %broadcast_in_dim3A_238 : vector<16xi1>, vector<16xf32>
      %swap3A_240 = arith.constant 80 : index
      %swap3A_241 = tpu.vector_load %arg15[%swap3A_240] {strides = array<i32>} : memref<128xf32, #tpu.memory_space<vmem>>, vector<16xf32>,
      tpu.vector_store %arg15[%swap3A_240], %select_n3A_239 {strides = array<i32>} : memref<128xf32, #tpu.memory_space<vmem>>, vector<16xf32>,
      tpu.vector_store_idx %arg11[%get3A_216], %select_n3A_239 {add = true} : memref<10000xf32, #tpu.memory_space<vmem>>[vector<16xi32>], vector<16xf32>,
      %get3A_242 = arith.constant 96 : index
      %get3A_243 = tpu.vector_load %arg13[%get3A_242] {strides = array<i32>} : memref<128xi32, #tpu.memory_space<vmem>>, vector<16xi32>,
      %get3A_244 = arith.constant 96 : index
      %get3A_245 = tpu.vector_load %arg14[%get3A_244] {strides = array<i32>} : memref<128xi32, #tpu.memory_space<vmem>>, vector<16xi32>,
      %gather3A_246 = tpu.vector_load_idx %arg9[%get3A_243] : memref<10000xf32, #tpu.memory_space<vmem>>[vector<16xi32>], vector<16xf32>,
      %gather3A_247 = tpu.vector_load_idx %arg10[%get3A_245] : memref<10000xf32, #tpu.memory_space<vmem>>[vector<16xi32>], vector<16xf32>,
      %add3A_248 = arith.addf %gather3A_246, %gather3A_247 : vector<16xf32>
      %gt3A_249 = arith.constant 0.000000e+00 : f32
      %gt3A_250 = vector.broadcast %gt3A_249 : f32 to vector<16xf32>
      %gt3A_251 = arith.cmpf ogt, %add3A_248, %gt3A_250 : vector<16xf32>
      %mul3A_252 = arith.constant 2.000000e-01 : f32
      %mul3A_253 = vector.broadcast %mul3A_252 : f32 to vector<16xf32>
      %mul3A_254 = arith.mulf %mul3A_253, %add3A_248 : vector<16xf32>
      %select_n3A_255 = arith.select %gt3A_251, %add3A_248, %mul3A_254 : vector<16xi1>, vector<16xf32>
      %exp3A_256 = math.exp %select_n3A_255 : vector<16xf32>
      %mul3A_257 = arith.constant 128 : i32
      %mul3A_258 = arith.muli %scan3A_66, %mul3A_257 : i32
      %add3A_259 = arith.constant 96 : i32
      %add3A_260 = arith.addi %mul3A_258, %add3A_259 : i32
      %add3A_261 = vector.broadcast %add3A_260 : i32 to vector<16xi32>
      %add3A_262 = arith.addi %add3A_261, %iota3A : vector<16xi32>
      %lt3A_263 = arith.constant 10000 : i32
      %lt3A_264 = vector.broadcast %lt3A_263 : i32 to vector<16xi32>
      %lt3A_265 = arith.cmpi slt, %add3A_262, %lt3A_264 : vector<16xi32>
      %jit3A_266 = arith.constant 0.000000e+00 : f32
      %broadcast_in_dim3A_267 = vector.broadcast %jit3A_266 : f32 to vector<16xf32>
      %select_n3A_268 = arith.select %lt3A_265, %exp3A_256, %broadcast_in_dim3A_267 : vector<16xi1>, vector<16xf32>
      %swap3A_269 = arith.constant 96 : index
      %swap3A_270 = tpu.vector_load %arg15[%swap3A_269] {strides = array<i32>} : memref<128xf32, #tpu.memory_space<vmem>>, vector<16xf32>,
      tpu.vector_store %arg15[%swap3A_269], %select_n3A_268 {strides = array<i32>} : memref<128xf32, #tpu.memory_space<vmem>>, vector<16xf32>,
      tpu.vector_store_idx %arg11[%get3A_245], %select_n3A_268 {add = true} : memref<10000xf32, #tpu.memory_space<vmem>>[vector<16xi32>], vector<16xf32>,
      %get3A_271 = arith.constant 112 : index
      %get3A_272 = tpu.vector_load %arg13[%get3A_271] {strides = array<i32>} : memref<128xi32, #tpu.memory_space<vmem>>, vector<16xi32>,
      %get3A_273 = arith.constant 112 : index
      %get3A_274 = tpu.vector_load %arg14[%get3A_273] {strides = array<i32>} : memref<128xi32, #tpu.memory_space<vmem>>, vector<16xi32>,
      %gather3A_275 = tpu.vector_load_idx %arg9[%get3A_272] : memref<10000xf32, #tpu.memory_space<vmem>>[vector<16xi32>], vector<16xf32>,
      %gather3A_276 = tpu.vector_load_idx %arg10[%get3A_274] : memref<10000xf32, #tpu.memory_space<vmem>>[vector<16xi32>], vector<16xf32>,
      %add3A_277 = arith.addf %gather3A_275, %gather3A_276 : vector<16xf32>
      %gt3A_278 = arith.constant 0.000000e+00 : f32
      %gt3A_279 = vector.broadcast %gt3A_278 : f32 to vector<16xf32>
      %gt3A_280 = arith.cmpf ogt, %add3A_277, %gt3A_279 : vector<16xf32>
      %mul3A_281 = arith.constant 2.000000e-01 : f32
      %mul3A_282 = vector.broadcast %mul3A_281 : f32 to vector<16xf32>
      %mul3A_283 = arith.mulf %mul3A_282, %add3A_277 : vector<16xf32>
      %select_n3A_284 = arith.select %gt3A_280, %add3A_277, %mul3A_283 : vector<16xi1>, vector<16xf32>
      %exp3A_285 = math.exp %select_n3A_284 : vector<16xf32>
      %mul3A_286 = arith.constant 128 : i32
      %mul3A_287 = arith.muli %scan3A_66, %mul3A_286 : i32
      %add3A_288 = arith.constant 112 : i32
      %add3A_289 = arith.addi %mul3A_287, %add3A_288 : i32
      %add3A_290 = vector.broadcast %add3A_289 : i32 to vector<16xi32>
      %add3A_291 = arith.addi %add3A_290, %iota3A : vector<16xi32>
      %lt3A_292 = arith.constant 10000 : i32
      %lt3A_293 = vector.broadcast %lt3A_292 : i32 to vector<16xi32>
      %lt3A_294 = arith.cmpi slt, %add3A_291, %lt3A_293 : vector<16xi32>
      %jit3A_295 = arith.constant 0.000000e+00 : f32
      %broadcast_in_dim3A_296 = vector.broadcast %jit3A_295 : f32 to vector<16xf32>
      %select_n3A_297 = arith.select %lt3A_294, %exp3A_285, %broadcast_in_dim3A_296 : vector<16xi1>, vector<16xf32>
      %swap3A_298 = arith.constant 112 : index
      %swap3A_299 = tpu.vector_load %arg15[%swap3A_298] {strides = array<i32>} : memref<128xf32, #tpu.memory_space<vmem>>, vector<16xf32>,
      tpu.vector_store %arg15[%swap3A_298], %select_n3A_297 {strides = array<i32>} : memref<128xf32, #tpu.memory_space<vmem>>, vector<16xf32>,
      tpu.vector_store_idx %arg11[%get3A_274], %select_n3A_297 {add = true} : memref<10000xf32, #tpu.memory_space<vmem>>[vector<16xi32>], vector<16xf32>,
      %dma_wait3A = arith.constant 0 : i32
      %dma_wait3A_300 = arith.constant 0 : i32
      %dma_wait3A_301 = tpu.memref_slice %arg2[%dma_wait3A, %dma_wait3A_300] : memref<10000x128xf32, #tpu.memory_space<hbm>> -> memref<10000x128xf32, #tpu.memory_space<hbm>>
      tpu.wait_indirect_dma semaphore(%arg17 : memref<!tpu.dma_semaphore, #tpu.memory_space<semaphore_mem>>) src(%dma_wait3A_301 : memref<10000x128xf32, #tpu.memory_space<hbm>>) dst(%arg12 : memref<128x128xf32, #tpu.memory_space<vmem>>)
      %scan3A_302 = arith.constant 0 : i32
      %scan3A_303 = arith.constant 0 : i32
      %scan3A_304 = arith.constant 128 : i32
      %scan3A_305 = arith.addi %scan3A_303, %scan3A_304 : i32
      %scan3A_306 = arith.constant 1 : i32
      %scan3A_307 = scf.for %scan3A_310 = %scan3A_303 to %scan3A_305 step %scan3A_306 iter_args(%scan3A_311 = %scan3A_302) -> (i32)  : i32 {
        %broadcast_in_dim3A_312 = vector.broadcast %scan3A_310 : i32 to vector<16xi32>
        %gather3A_313 = tpu.vector_load_idx %arg15[%broadcast_in_dim3A_312] : memref<128xf32, #tpu.memory_space<vmem>>[vector<16xi32>], vector<16xf32>,
        %get3A_314 = arith.index_cast %scan3A_310 : i32 to index
        %get3A_315 = arith.constant 0 : index
        %get3A_316 = tpu.vector_load %arg12[%get3A_314, %get3A_315] {strides = array<i32>} : memref<128x128xf32, #tpu.memory_space<vmem>>, vector<16xf32>,
        %mul3A_317 = arith.mulf %get3A_316, %gather3A_313 : vector<16xf32>
        %swap3A_318 = arith.index_cast %scan3A_310 : i32 to index
        %swap3A_319 = arith.constant 0 : index
        %swap3A_320 = tpu.vector_load %arg12[%swap3A_318, %swap3A_319] {strides = array<i32>} : memref<128x128xf32, #tpu.memory_space<vmem>>, vector<16xf32>,
        tpu.vector_store %arg12[%swap3A_318, %swap3A_319], %mul3A_317 {strides = array<i32>} : memref<128x128xf32, #tpu.memory_space<vmem>>, vector<16xf32>,
        %get3A_321 = arith.index_cast %scan3A_310 : i32 to index
        %get3A_322 = arith.constant 16 : index
        %get3A_323 = tpu.vector_load %arg12[%get3A_321, %get3A_322] {strides = array<i32>} : memref<128x128xf32, #tpu.memory_space<vmem>>, vector<16xf32>,
        %mul3A_324 = arith.mulf %get3A_323, %gather3A_313 : vector<16xf32>
        %swap3A_325 = arith.index_cast %scan3A_310 : i32 to index
        %swap3A_326 = arith.constant 16 : index
        %swap3A_327 = tpu.vector_load %arg12[%swap3A_325, %swap3A_326] {strides = array<i32>} : memref<128x128xf32, #tpu.memory_space<vmem>>, vector<16xf32>,
        tpu.vector_store %arg12[%swap3A_325, %swap3A_326], %mul3A_324 {strides = array<i32>} : memref<128x128xf32, #tpu.memory_space<vmem>>, vector<16xf32>,
        %get3A_328 = arith.index_cast %scan3A_310 : i32 to index
        %get3A_329 = arith.constant 32 : index
        %get3A_330 = tpu.vector_load %arg12[%get3A_328, %get3A_329] {strides = array<i32>} : memref<128x128xf32, #tpu.memory_space<vmem>>, vector<16xf32>,
        %mul3A_331 = arith.mulf %get3A_330, %gather3A_313 : vector<16xf32>
        %swap3A_332 = arith.index_cast %scan3A_310 : i32 to index
        %swap3A_333 = arith.constant 32 : index
        %swap3A_334 = tpu.vector_load %arg12[%swap3A_332, %swap3A_333] {strides = array<i32>} : memref<128x128xf32, #tpu.memory_space<vmem>>, vector<16xf32>,
        tpu.vector_store %arg12[%swap3A_332, %swap3A_333], %mul3A_331 {strides = array<i32>} : memref<128x128xf32, #tpu.memory_space<vmem>>, vector<16xf32>,
        %get3A_335 = arith.index_cast %scan3A_310 : i32 to index
        %get3A_336 = arith.constant 48 : index
        %get3A_337 = tpu.vector_load %arg12[%get3A_335, %get3A_336] {strides = array<i32>} : memref<128x128xf32, #tpu.memory_space<vmem>>, vector<16xf32>,
        %mul3A_338 = arith.mulf %get3A_337, %gather3A_313 : vector<16xf32>
        %swap3A_339 = arith.index_cast %scan3A_310 : i32 to index
        %swap3A_340 = arith.constant 48 : index
        %swap3A_341 = tpu.vector_load %arg12[%swap3A_339, %swap3A_340] {strides = array<i32>} : memref<128x128xf32, #tpu.memory_space<vmem>>, vector<16xf32>,
        tpu.vector_store %arg12[%swap3A_339, %swap3A_340], %mul3A_338 {strides = array<i32>} : memref<128x128xf32, #tpu.memory_space<vmem>>, vector<16xf32>,
        %get3A_342 = arith.index_cast %scan3A_310 : i32 to index
        %get3A_343 = arith.constant 64 : index
        %get3A_344 = tpu.vector_load %arg12[%get3A_342, %get3A_343] {strides = array<i32>} : memref<128x128xf32, #tpu.memory_space<vmem>>, vector<16xf32>,
        %mul3A_345 = arith.mulf %get3A_344, %gather3A_313 : vector<16xf32>
        %swap3A_346 = arith.index_cast %scan3A_310 : i32 to index
        %swap3A_347 = arith.constant 64 : index
        %swap3A_348 = tpu.vector_load %arg12[%swap3A_346, %swap3A_347] {strides = array<i32>} : memref<128x128xf32, #tpu.memory_space<vmem>>, vector<16xf32>,
        tpu.vector_store %arg12[%swap3A_346, %swap3A_347], %mul3A_345 {strides = array<i32>} : memref<128x128xf32, #tpu.memory_space<vmem>>, vector<16xf32>,
        %get3A_349 = arith.index_cast %scan3A_310 : i32 to index
        %get3A_350 = arith.constant 80 : index
        %get3A_351 = tpu.vector_load %arg12[%get3A_349, %get3A_350] {strides = array<i32>} : memref<128x128xf32, #tpu.memory_space<vmem>>, vector<16xf32>,
        %mul3A_352 = arith.mulf %get3A_351, %gather3A_313 : vector<16xf32>
        %swap3A_353 = arith.index_cast %scan3A_310 : i32 to index
        %swap3A_354 = arith.constant 80 : index
        %swap3A_355 = tpu.vector_load %arg12[%swap3A_353, %swap3A_354] {strides = array<i32>} : memref<128x128xf32, #tpu.memory_space<vmem>>, vector<16xf32>,
        tpu.vector_store %arg12[%swap3A_353, %swap3A_354], %mul3A_352 {strides = array<i32>} : memref<128x128xf32, #tpu.memory_space<vmem>>, vector<16xf32>,
        %get3A_356 = arith.index_cast %scan3A_310 : i32 to index
        %get3A_357 = arith.constant 96 : index
        %get3A_358 = tpu.vector_load %arg12[%get3A_356, %get3A_357] {strides = array<i32>} : memref<128x128xf32, #tpu.memory_space<vmem>>, vector<16xf32>,
        %mul3A_359 = arith.mulf %get3A_358, %gather3A_313 : vector<16xf32>
        %swap3A_360 = arith.index_cast %scan3A_310 : i32 to index
        %swap3A_361 = arith.constant 96 : index
        %swap3A_362 = tpu.vector_load %arg12[%swap3A_360, %swap3A_361] {strides = array<i32>} : memref<128x128xf32, #tpu.memory_space<vmem>>, vector<16xf32>,
        tpu.vector_store %arg12[%swap3A_360, %swap3A_361], %mul3A_359 {strides = array<i32>} : memref<128x128xf32, #tpu.memory_space<vmem>>, vector<16xf32>,
        %get3A_363 = arith.index_cast %scan3A_310 : i32 to index
        %get3A_364 = arith.constant 112 : index
        %get3A_365 = tpu.vector_load %arg12[%get3A_363, %get3A_364] {strides = array<i32>} : memref<128x128xf32, #tpu.memory_space<vmem>>, vector<16xf32>,
        %mul3A_366 = arith.mulf %get3A_365, %gather3A_313 : vector<16xf32>
        %swap3A_367 = arith.index_cast %scan3A_310 : i32 to index
        %swap3A_368 = arith.constant 112 : index
        %swap3A_369 = tpu.vector_load %arg12[%swap3A_367, %swap3A_368] {strides = array<i32>} : memref<128x128xf32, #tpu.memory_space<vmem>>, vector<16xf32>,
        tpu.vector_store %arg12[%swap3A_367, %swap3A_368], %mul3A_366 {strides = array<i32>} : memref<128x128xf32, #tpu.memory_space<vmem>>, vector<16xf32>,
        %scan3A_370 = arith.constant 0 : i32
        scf.yield %scan3A_370 : i32
      }
      %scan3A_308 = arith.constant 128 : i32
      "tpu.region"() ({
        %run_scoped3A_310 = tpu.sem_alloc : memref<!tpu.dma_semaphore, #tpu.memory_space<semaphore_mem>>
        %dma_start3A_311 = arith.constant 0 : i32
        %dma_start3A_312 = arith.constant 0 : i32
        %dma_start3A_313 = tpu.memref_slice %arg16[%dma_start3A_311, %dma_start3A_312] : memref<10000x128xf32, #tpu.memory_space<vmem_shared>> -> memref<10000x128xf32, #tpu.memory_space<vmem_shared>>
        tpu.enqueue_indirect_dma source(%arg12 : memref<128x128xf32, #tpu.memory_space<vmem>>) target(%dma_start3A_313 : memref<10000x128xf32, #tpu.memory_space<vmem_shared>>) offsets(%arg14 : memref<128xi32, #tpu.memory_space<vmem>>) semaphore(%run_scoped3A_310 : memref<!tpu.dma_semaphore, #tpu.memory_space<semaphore_mem>>) {add = true}
        %dma_wait3A_314 = arith.constant 0 : i32
        %dma_wait3A_315 = arith.constant 0 : i32
        %dma_wait3A_316 = tpu.memref_slice %arg16[%dma_wait3A_314, %dma_wait3A_315] : memref<10000x128xf32, #tpu.memory_space<vmem_shared>> -> memref<10000x128xf32, #tpu.memory_space<vmem_shared>>
        tpu.wait_indirect_dma semaphore(%run_scoped3A_310 : memref<!tpu.dma_semaphore, #tpu.memory_space<semaphore_mem>>) src(%arg12 : memref<128x128xf32, #tpu.memory_space<vmem>>) dst(%dma_wait3A_316 : memref<10000x128xf32, #tpu.memory_space<vmem_shared>>)
        tpu.yield
      }) : () -> ()
      %scan3A_309 = arith.constant 0 : i32
      scf.yield %scan3A_309 : i32
    }
    %scan3A_39 = arith.constant 79 : i32
    %barrier3A_40 = arith.constant 0 : index
    tpu.barrier barrier_id(%barrier3A_40)
    %add3A_41 = arith.constant 0 : i32
    %add3A_42 = arith.addi %multiple_of3A, %add3A_41 : i32
    %add3A_43 = arith.constant 0 : i32
    %add3A_44 = arith.addi %multiple_of3A, %add3A_43 : i32
    "tpu.region"() ({
      %run_scoped3A_66 = tpu.sem_alloc : memref<!tpu.dma_semaphore, #tpu.memory_space<semaphore_mem>>
      %dma_start3A = arith.constant 0 : i32
      %dma_start3A_67 = tpu.memref_slice %arg7[%arg0, %add3A_44, %dma_start3A] : memref<2x10000x128xf32, #tpu.memory_space<hbm>> -> memref<1x128x128xf32, #tpu.memory_space<hbm>>
      %dma_start3A_68 = tpu.memref_squeeze %dma_start3A_67 : memref<1x128x128xf32, #tpu.memory_space<hbm>> -> memref<128x128xf32, #tpu.memory_space<hbm>>
      %dma_start3A_69 = arith.constant 0 : i32
      %dma_start3A_70 = tpu.memref_slice %arg16[%add3A_42, %dma_start3A_69] : memref<10000x128xf32, #tpu.memory_space<vmem_shared>> -> memref<128x128xf32, #tpu.memory_space<vmem_shared>>
      tpu.enqueue_dma source(%dma_start3A_70 : memref<128x128xf32, #tpu.memory_space<vmem_shared>>) target(%dma_start3A_68 : memref<128x128xf32, #tpu.memory_space<hbm>>) target_semaphore(%run_scoped3A_66 : memref<!tpu.dma_semaphore, #tpu.memory_space<semaphore_mem>>)
      %dma_wait3A = arith.constant 0 : i32
      %dma_wait3A_71 = tpu.memref_slice %arg7[%arg0, %add3A_44, %dma_wait3A] : memref<2x10000x128xf32, #tpu.memory_space<hbm>> -> memref<1x128x128xf32, #tpu.memory_space<hbm>>
      %dma_wait3A_72 = tpu.memref_squeeze %dma_wait3A_71 : memref<1x128x128xf32, #tpu.memory_space<hbm>> -> memref<128x128xf32, #tpu.memory_space<hbm>>
      %dma_wait3A_73 = arith.constant 0 : i32
      %dma_wait3A_74 = tpu.memref_slice %arg16[%add3A_42, %dma_wait3A_73] : memref<10000x128xf32, #tpu.memory_space<vmem_shared>> -> memref<128x128xf32, #tpu.memory_space<vmem_shared>>
      tpu.wait_dma2 semaphore(%run_scoped3A_66 : memref<!tpu.dma_semaphore, #tpu.memory_space<semaphore_mem>>) src(%dma_wait3A_74 : memref<128x128xf32, #tpu.memory_space<vmem_shared>>) dst(%dma_wait3A_72 : memref<128x128xf32, #tpu.memory_space<hbm>>)
      tpu.yield
    }) : () -> ()
    %add3A_45 = arith.constant 128 : i32
    %add3A_46 = arith.addi %multiple_of3A, %add3A_45 : i32
    %add3A_47 = arith.constant 128 : i32
    %add3A_48 = arith.addi %multiple_of3A, %add3A_47 : i32
    "tpu.region"() ({
      %run_scoped3A_66 = tpu.sem_alloc : memref<!tpu.dma_semaphore, #tpu.memory_space<semaphore_mem>>
      %dma_start3A = arith.constant 0 : i32
      %dma_start3A_67 = tpu.memref_slice %arg7[%arg0, %add3A_48, %dma_start3A] : memref<2x10000x128xf32, #tpu.memory_space<hbm>> -> memref<1x128x128xf32, #tpu.memory_space<hbm>>
      %dma_start3A_68 = tpu.memref_squeeze %dma_start3A_67 : memref<1x128x128xf32, #tpu.memory_space<hbm>> -> memref<128x128xf32, #tpu.memory_space<hbm>>
      %dma_start3A_69 = arith.constant 0 : i32
      %dma_start3A_70 = tpu.memref_slice %arg16[%add3A_46, %dma_start3A_69] : memref<10000x128xf32, #tpu.memory_space<vmem_shared>> -> memref<128x128xf32, #tpu.memory_space<vmem_shared>>
      tpu.enqueue_dma source(%dma_start3A_70 : memref<128x128xf32, #tpu.memory_space<vmem_shared>>) target(%dma_start3A_68 : memref<128x128xf32, #tpu.memory_space<hbm>>) target_semaphore(%run_scoped3A_66 : memref<!tpu.dma_semaphore, #tpu.memory_space<semaphore_mem>>)
      %dma_wait3A = arith.constant 0 : i32
      %dma_wait3A_71 = tpu.memref_slice %arg7[%arg0, %add3A_48, %dma_wait3A] : memref<2x10000x128xf32, #tpu.memory_space<hbm>> -> memref<1x128x128xf32, #tpu.memory_space<hbm>>
      %dma_wait3A_72 = tpu.memref_squeeze %dma_wait3A_71 : memref<1x128x128xf32, #tpu.memory_space<hbm>> -> memref<128x128xf32, #tpu.memory_space<hbm>>
      %dma_wait3A_73 = arith.constant 0 : i32
      %dma_wait3A_74 = tpu.memref_slice %arg16[%add3A_46, %dma_wait3A_73] : memref<10000x128xf32, #tpu.memory_space<vmem_shared>> -> memref<128x128xf32, #tpu.memory_space<vmem_shared>>
      tpu.wait_dma2 semaphore(%run_scoped3A_66 : memref<!tpu.dma_semaphore, #tpu.memory_space<semaphore_mem>>) src(%dma_wait3A_74 : memref<128x128xf32, #tpu.memory_space<vmem_shared>>) dst(%dma_wait3A_72 : memref<128x128xf32, #tpu.memory_space<hbm>>)
      tpu.yield
    }) : () -> ()
    %add3A_49 = arith.constant 256 : i32
    %add3A_50 = arith.addi %multiple_of3A, %add3A_49 : i32
    %add3A_51 = arith.constant 256 : i32
    %add3A_52 = arith.addi %multiple_of3A, %add3A_51 : i32
    "tpu.region"() ({
      %run_scoped3A_66 = tpu.sem_alloc : memref<!tpu.dma_semaphore, #tpu.memory_space<semaphore_mem>>
      %dma_start3A = arith.constant 0 : i32
      %dma_start3A_67 = tpu.memref_slice %arg7[%arg0, %add3A_52, %dma_start3A] : memref<2x10000x128xf32, #tpu.memory_space<hbm>> -> memref<1x128x128xf32, #tpu.memory_space<hbm>>
      %dma_start3A_68 = tpu.memref_squeeze %dma_start3A_67 : memref<1x128x128xf32, #tpu.memory_space<hbm>> -> memref<128x128xf32, #tpu.memory_space<hbm>>
      %dma_start3A_69 = arith.constant 0 : i32
      %dma_start3A_70 = tpu.memref_slice %arg16[%add3A_50, %dma_start3A_69] : memref<10000x128xf32, #tpu.memory_space<vmem_shared>> -> memref<128x128xf32, #tpu.memory_space<vmem_shared>>
      tpu.enqueue_dma source(%dma_start3A_70 : memref<128x128xf32, #tpu.memory_space<vmem_shared>>) target(%dma_start3A_68 : memref<128x128xf32, #tpu.memory_space<hbm>>) target_semaphore(%run_scoped3A_66 : memref<!tpu.dma_semaphore, #tpu.memory_space<semaphore_mem>>)
      %dma_wait3A = arith.constant 0 : i32
      %dma_wait3A_71 = tpu.memref_slice %arg7[%arg0, %add3A_52, %dma_wait3A] : memref<2x10000x128xf32, #tpu.memory_space<hbm>> -> memref<1x128x128xf32, #tpu.memory_space<hbm>>
      %dma_wait3A_72 = tpu.memref_squeeze %dma_wait3A_71 : memref<1x128x128xf32, #tpu.memory_space<hbm>> -> memref<128x128xf32, #tpu.memory_space<hbm>>
      %dma_wait3A_73 = arith.constant 0 : i32
      %dma_wait3A_74 = tpu.memref_slice %arg16[%add3A_50, %dma_wait3A_73] : memref<10000x128xf32, #tpu.memory_space<vmem_shared>> -> memref<128x128xf32, #tpu.memory_space<vmem_shared>>
      tpu.wait_dma2 semaphore(%run_scoped3A_66 : memref<!tpu.dma_semaphore, #tpu.memory_space<semaphore_mem>>) src(%dma_wait3A_74 : memref<128x128xf32, #tpu.memory_space<vmem_shared>>) dst(%dma_wait3A_72 : memref<128x128xf32, #tpu.memory_space<hbm>>)
      tpu.yield
    }) : () -> ()
    %add3A_53 = arith.constant 384 : i32
    %add3A_54 = arith.addi %multiple_of3A, %add3A_53 : i32
    %add3A_55 = arith.constant 384 : i32
    %add3A_56 = arith.addi %multiple_of3A, %add3A_55 : i32
    "tpu.region"() ({
      %run_scoped3A_66 = tpu.sem_alloc : memref<!tpu.dma_semaphore, #tpu.memory_space<semaphore_mem>>
      %dma_start3A = arith.constant 0 : i32
      %dma_start3A_67 = tpu.memref_slice %arg7[%arg0, %add3A_56, %dma_start3A] : memref<2x10000x128xf32, #tpu.memory_space<hbm>> -> memref<1x128x128xf32, #tpu.memory_space<hbm>>
      %dma_start3A_68 = tpu.memref_squeeze %dma_start3A_67 : memref<1x128x128xf32, #tpu.memory_space<hbm>> -> memref<128x128xf32, #tpu.memory_space<hbm>>
      %dma_start3A_69 = arith.constant 0 : i32
      %dma_start3A_70 = tpu.memref_slice %arg16[%add3A_54, %dma_start3A_69] : memref<10000x128xf32, #tpu.memory_space<vmem_shared>> -> memref<128x128xf32, #tpu.memory_space<vmem_shared>>
      tpu.enqueue_dma source(%dma_start3A_70 : memref<128x128xf32, #tpu.memory_space<vmem_shared>>) target(%dma_start3A_68 : memref<128x128xf32, #tpu.memory_space<hbm>>) target_semaphore(%run_scoped3A_66 : memref<!tpu.dma_semaphore, #tpu.memory_space<semaphore_mem>>)
      %dma_wait3A = arith.constant 0 : i32
      %dma_wait3A_71 = tpu.memref_slice %arg7[%arg0, %add3A_56, %dma_wait3A] : memref<2x10000x128xf32, #tpu.memory_space<hbm>> -> memref<1x128x128xf32, #tpu.memory_space<hbm>>
      %dma_wait3A_72 = tpu.memref_squeeze %dma_wait3A_71 : memref<1x128x128xf32, #tpu.memory_space<hbm>> -> memref<128x128xf32, #tpu.memory_space<hbm>>
      %dma_wait3A_73 = arith.constant 0 : i32
      %dma_wait3A_74 = tpu.memref_slice %arg16[%add3A_54, %dma_wait3A_73] : memref<10000x128xf32, #tpu.memory_space<vmem_shared>> -> memref<128x128xf32, #tpu.memory_space<vmem_shared>>
      tpu.wait_dma2 semaphore(%run_scoped3A_66 : memref<!tpu.dma_semaphore, #tpu.memory_space<semaphore_mem>>) src(%dma_wait3A_74 : memref<128x128xf32, #tpu.memory_space<vmem_shared>>) dst(%dma_wait3A_72 : memref<128x128xf32, #tpu.memory_space<hbm>>)
      tpu.yield
    }) : () -> ()
    %add3A_57 = arith.constant 512 : i32
    %add3A_58 = arith.addi %multiple_of3A, %add3A_57 : i32
    %add3A_59 = arith.constant 512 : i32
    %add3A_60 = arith.addi %multiple_of3A, %add3A_59 : i32
    "tpu.region"() ({
      %run_scoped3A_66 = tpu.sem_alloc : memref<!tpu.dma_semaphore, #tpu.memory_space<semaphore_mem>>
      %dma_start3A = arith.constant 0 : i32
      %dma_start3A_67 = tpu.memref_slice %arg7[%arg0, %add3A_60, %dma_start3A] : memref<2x10000x128xf32, #tpu.memory_space<hbm>> -> memref<1x112x128xf32, #tpu.memory_space<hbm>>
      %dma_start3A_68 = tpu.memref_squeeze %dma_start3A_67 : memref<1x112x128xf32, #tpu.memory_space<hbm>> -> memref<112x128xf32, #tpu.memory_space<hbm>>
      %dma_start3A_69 = arith.constant 0 : i32
      %dma_start3A_70 = tpu.memref_slice %arg16[%add3A_58, %dma_start3A_69] : memref<10000x128xf32, #tpu.memory_space<vmem_shared>> -> memref<112x128xf32, #tpu.memory_space<vmem_shared>>
      tpu.enqueue_dma source(%dma_start3A_70 : memref<112x128xf32, #tpu.memory_space<vmem_shared>>) target(%dma_start3A_68 : memref<112x128xf32, #tpu.memory_space<hbm>>) target_semaphore(%run_scoped3A_66 : memref<!tpu.dma_semaphore, #tpu.memory_space<semaphore_mem>>)
      %dma_wait3A = arith.constant 0 : i32
      %dma_wait3A_71 = tpu.memref_slice %arg7[%arg0, %add3A_60, %dma_wait3A] : memref<2x10000x128xf32, #tpu.memory_space<hbm>> -> memref<1x112x128xf32, #tpu.memory_space<hbm>>
      %dma_wait3A_72 = tpu.memref_squeeze %dma_wait3A_71 : memref<1x112x128xf32, #tpu.memory_space<hbm>> -> memref<112x128xf32, #tpu.memory_space<hbm>>
      %dma_wait3A_73 = arith.constant 0 : i32
      %dma_wait3A_74 = tpu.memref_slice %arg16[%add3A_58, %dma_wait3A_73] : memref<10000x128xf32, #tpu.memory_space<vmem_shared>> -> memref<112x128xf32, #tpu.memory_space<vmem_shared>>
      tpu.wait_dma2 semaphore(%run_scoped3A_66 : memref<!tpu.dma_semaphore, #tpu.memory_space<semaphore_mem>>) src(%dma_wait3A_74 : memref<112x128xf32, #tpu.memory_space<vmem_shared>>) dst(%dma_wait3A_72 : memref<112x128xf32, #tpu.memory_space<hbm>>)
      tpu.yield
    }) : () -> ()
    %lt3A_61 = arith.constant 2 : i32
    %lt3A_62 = arith.cmpi slt, %arg1, %lt3A_61 : i32
    %convert_element_type3A_63 = arith.extui %lt3A_62 : i1 to i32
    %cond3A_64 = arith.constant 0 : i32
    %cond3A_65 = arith.cmpi ne, %convert_element_type3A_63, %cond3A_64 : i32
    scf.if %cond3A_65 {
      %add3A_66 = arith.constant 624 : i32
      %add3A_67 = arith.addi %multiple_of3A, %add3A_66 : i32
      %add3A_68 = arith.constant 624 : i32
      %add3A_69 = arith.addi %multiple_of3A, %add3A_68 : i32
      "tpu.region"() ({
        %run_scoped3A_70 = tpu.sem_alloc : memref<!tpu.dma_semaphore, #tpu.memory_space<semaphore_mem>>
        %dma_start3A = arith.constant 0 : i32
        %dma_start3A_71 = tpu.memref_slice %arg7[%arg0, %add3A_69, %dma_start3A] : memref<2x10000x128xf32, #tpu.memory_space<hbm>> -> memref<1x8x128xf32, #tpu.memory_space<hbm>>
        %dma_start3A_72 = tpu.memref_squeeze %dma_start3A_71 : memref<1x8x128xf32, #tpu.memory_space<hbm>> -> memref<8x128xf32, #tpu.memory_space<hbm>>
        %dma_start3A_73 = arith.constant 0 : i32
        %dma_start3A_74 = tpu.memref_slice %arg16[%add3A_67, %dma_start3A_73] : memref<10000x128xf32, #tpu.memory_space<vmem_shared>> -> memref<8x128xf32, #tpu.memory_space<vmem_shared>>
        tpu.enqueue_dma source(%dma_start3A_74 : memref<8x128xf32, #tpu.memory_space<vmem_shared>>) target(%dma_start3A_72 : memref<8x128xf32, #tpu.memory_space<hbm>>) target_semaphore(%run_scoped3A_70 : memref<!tpu.dma_semaphore, #tpu.memory_space<semaphore_mem>>)
        %dma_wait3A = arith.constant 0 : i32
        %dma_wait3A_75 = tpu.memref_slice %arg7[%arg0, %add3A_69, %dma_wait3A] : memref<2x10000x128xf32, #tpu.memory_space<hbm>> -> memref<1x8x128xf32, #tpu.memory_space<hbm>>
        %dma_wait3A_76 = tpu.memref_squeeze %dma_wait3A_75 : memref<1x8x128xf32, #tpu.memory_space<hbm>> -> memref<8x128xf32, #tpu.memory_space<hbm>>
        %dma_wait3A_77 = arith.constant 0 : i32
        %dma_wait3A_78 = tpu.memref_slice %arg16[%add3A_67, %dma_wait3A_77] : memref<10000x128xf32, #tpu.memory_space<vmem_shared>> -> memref<8x128xf32, #tpu.memory_space<vmem_shared>>
        tpu.wait_dma2 semaphore(%run_scoped3A_70 : memref<!tpu.dma_semaphore, #tpu.memory_space<semaphore_mem>>) src(%dma_wait3A_78 : memref<8x128xf32, #tpu.memory_space<vmem_shared>>) dst(%dma_wait3A_76 : memref<8x128xf32, #tpu.memory_space<hbm>>)
        tpu.yield
      }) : () -> ()
    } else {
    }
    %run_scoped3A = arith.constant 0 : i32
    "tpu.region"() ({
      %run_scoped3A_66 = tpu.sem_alloc : memref<!tpu.dma_semaphore, #tpu.memory_space<semaphore_mem>>
      %dma_start3A = arith.constant 0 : i32
      %dma_start3A_67 = tpu.memref_slice %arg8[%add3A, %run_scoped3A, %dma_start3A] : memref<32x1x10000xf32, #tpu.memory_space<hbm>> -> memref<1x1x10000xf32, #tpu.memory_space<hbm>>
      %dma_start3A_68 = tpu.memref_squeeze %dma_start3A_67 : memref<1x1x10000xf32, #tpu.memory_space<hbm>> -> memref<10000xf32, #tpu.memory_space<hbm>>
      %dma_start3A_69 = arith.constant 0 : i32
      %dma_start3A_70 = tpu.memref_slice %arg8[%add3A, %run_scoped3A, %dma_start3A_69] : memref<32x1x10000xf32, #tpu.memory_space<hbm>> -> memref<1x1x10000xf32, #tpu.memory_space<hbm>>
      %dma_start3A_71 = tpu.memref_squeeze %dma_start3A_70 : memref<1x1x10000xf32, #tpu.memory_space<hbm>> -> memref<10000xf32, #tpu.memory_space<hbm>>
      tpu.enqueue_dma source(%arg11 : memref<10000xf32, #tpu.memory_space<vmem>>) target(%dma_start3A_71 : memref<10000xf32, #tpu.memory_space<hbm>>) target_semaphore(%run_scoped3A_66 : memref<!tpu.dma_semaphore, #tpu.memory_space<semaphore_mem>>)
      %dma_wait3A = arith.constant 0 : i32
      %dma_wait3A_72 = tpu.memref_slice %arg8[%add3A, %run_scoped3A, %dma_wait3A] : memref<32x1x10000xf32, #tpu.memory_space<hbm>> -> memref<1x1x10000xf32, #tpu.memory_space<hbm>>
      %dma_wait3A_73 = tpu.memref_squeeze %dma_wait3A_72 : memref<1x1x10000xf32, #tpu.memory_space<hbm>> -> memref<10000xf32, #tpu.memory_space<hbm>>
      %dma_wait3A_74 = arith.constant 0 : i32
      %dma_wait3A_75 = tpu.memref_slice %arg8[%add3A, %run_scoped3A, %dma_wait3A_74] : memref<32x1x10000xf32, #tpu.memory_space<hbm>> -> memref<1x1x10000xf32, #tpu.memory_space<hbm>>
      %dma_wait3A_76 = tpu.memref_squeeze %dma_wait3A_75 : memref<1x1x10000xf32, #tpu.memory_space<hbm>> -> memref<10000xf32, #tpu.memory_space<hbm>>
      tpu.wait_dma2 semaphore(%run_scoped3A_66 : memref<!tpu.dma_semaphore, #tpu.memory_space<semaphore_mem>>) src(%arg11 : memref<10000xf32, #tpu.memory_space<vmem>>) dst(%dma_wait3A_76 : memref<10000xf32, #tpu.memory_space<hbm>>)
      tpu.yield
    }) : () -> ()
    return
  }
}

module attributes {stable_mosaic.version = 14 : i64} {
  func.func @_tc_prep_body(%arg0: i32, %arg1: memref<2000x128xf32, #tpu.memory_space<vmem>>, %arg2: memref<128x128xf32, #tpu.memory_space<vmem>>, %arg3: memref<1x128xf32, #tpu.memory_space<vmem>>, %arg4: memref<128x128xf32, #tpu.memory_space<vmem>>, %arg5: memref<2x128xf32, #tpu.memory_space<vmem>>, %arg6: memref<2000x128xf32, #tpu.memory_space<vmem>>, %arg7: memref<2000x128xf32, #tpu.memory_space<vmem>>, %arg8: memref<2000x2xf32, #tpu.memory_space<vmem>>) attributes {dimension_semantics = [#tpu.dimension_semantics<arbitrary>], iteration_bounds = array<i64: 5>, scalar_prefetch = 0 : i64, scratch_operands = 0 : i64, tpu.core_type = #tpu.core_type<tc>, window_params = [{transform_indices = @transform_0, window_bounds = array<i64: 2000, 128>}, {pipeline_mode = #tpu.pipeline_mode<synchronous>, transform_indices = @transform_1, window_bounds = array<i64: 128, 128>}, {pipeline_mode = #tpu.pipeline_mode<synchronous>, transform_indices = @transform_2, window_bounds = array<i64: 1, 128>}, {pipeline_mode = #tpu.pipeline_mode<synchronous>, transform_indices = @transform_3, window_bounds = array<i64: 128, 128>}, {pipeline_mode = #tpu.pipeline_mode<synchronous>, transform_indices = @transform_4, window_bounds = array<i64: 2, 128>}, {transform_indices = @transform_5, window_bounds = array<i64: 2000, 128>}, {transform_indices = @transform_6, window_bounds = array<i64: 2000, 128>}, {transform_indices = @transform_7, window_bounds = array<i64: 2000, 2>}]} {
    %get3A = arith.constant 0 : index
    %get3A_0 = arith.constant 0 : index
    %get3A_1 = vector.load %arg1[%get3A, %get3A_0] : memref<2000x128xf32, #tpu.memory_space<vmem>>, vector<2000x128xf32>
    %get3A_2 = arith.constant 0 : index
    %get3A_3 = arith.constant 0 : index
    %get3A_4 = vector.load %arg2[%get3A_2, %get3A_3] : memref<128x128xf32, #tpu.memory_space<vmem>>, vector<128x128xf32>
    %dot_general3A = arith.constant dense<0.000000e+00> : vector<2000x128xf32>
    %dot_general3A_5 = tpu.matmul %get3A_1, %get3A_4, %dot_general3A {dimension_numbers = #tpu.dot_dimension_numbers<[1], [0], [0], [1], [0, 0, 1, 1], [], []>, transpose_lhs_hint = false} : vector<2000x128xf32>, vector<128x128xf32>, vector<2000x128xf32> -> vector<2000x128xf32>
    %get3A_6 = arith.constant 0 : index
    %get3A_7 = arith.constant 0 : index
    %get3A_8 = vector.load %arg3[%get3A_6, %get3A_7] : memref<1x128xf32, #tpu.memory_space<vmem>>, vector<1x128xf32>
    %add3A = vector.broadcast %get3A_8 : vector<1x128xf32> to vector<2000x128xf32>
    %add3A_9 = arith.addf %dot_general3A_5, %add3A : vector<2000x128xf32>
    %get3A_10 = arith.constant 0 : index
    %get3A_11 = arith.constant 0 : index
    %get3A_12 = vector.load %arg4[%get3A_10, %get3A_11] : memref<128x128xf32, #tpu.memory_space<vmem>>, vector<128x128xf32>
    %dot_general3A_13 = arith.constant dense<0.000000e+00> : vector<2000x128xf32>
    %dot_general3A_14 = tpu.matmul %add3A_9, %get3A_12, %dot_general3A_13 {dimension_numbers = #tpu.dot_dimension_numbers<[1], [0], [0], [1], [0, 0, 1, 1], [], []>, transpose_lhs_hint = false} : vector<2000x128xf32>, vector<128x128xf32>, vector<2000x128xf32> -> vector<2000x128xf32>
    %get3A_15 = arith.constant 0 : index
    %get3A_16 = arith.constant 0 : index
    %get3A_17 = vector.load %arg5[%get3A_15, %get3A_16] : memref<2x128xf32, #tpu.memory_space<vmem>>, vector<2x128xf32>
    %dot_general3A_18 = arith.constant dense<0.000000e+00> : vector<2000x2xf32>
    %dot_general3A_19 = tpu.matmul %dot_general3A_14, %get3A_17, %dot_general3A_18 {dimension_numbers = #tpu.dot_dimension_numbers<[1], [1], [0], [0], [0, 0, 1, 0], [], []>, transpose_lhs_hint = false} : vector<2000x128xf32>, vector<2x128xf32>, vector<2000x2xf32> -> vector<2000x2xf32>
    %swap3A = arith.constant 0 : index
    %swap3A_20 = arith.constant 0 : index
    %swap3A_21 = vector.load %arg6[%swap3A, %swap3A_20] : memref<2000x128xf32, #tpu.memory_space<vmem>>, vector<2000x128xf32>
    tpu.vector_store %arg6[%swap3A, %swap3A_20], %add3A_9 {strides = array<i32>} : memref<2000x128xf32, #tpu.memory_space<vmem>>, vector<2000x128xf32>,
    %swap3A_22 = arith.constant 0 : index
    %swap3A_23 = arith.constant 0 : index
    %swap3A_24 = vector.load %arg7[%swap3A_22, %swap3A_23] : memref<2000x128xf32, #tpu.memory_space<vmem>>, vector<2000x128xf32>
    tpu.vector_store %arg7[%swap3A_22, %swap3A_23], %dot_general3A_14 {strides = array<i32>} : memref<2000x128xf32, #tpu.memory_space<vmem>>, vector<2000x128xf32>,
    %swap3A_25 = arith.constant 0 : index
    %swap3A_26 = arith.constant 0 : index
    %swap3A_27 = vector.load %arg8[%swap3A_25, %swap3A_26] : memref<2000x2xf32, #tpu.memory_space<vmem>>, vector<2000x2xf32>
    tpu.vector_store %arg8[%swap3A_25, %swap3A_26], %dot_general3A_19 {strides = array<i32>} : memref<2000x2xf32, #tpu.memory_space<vmem>>, vector<2000x2xf32>,
    return
  }
  func.func @transform_0(%arg0: i32) -> (i32, i32) {
    %c0_i32 = arith.constant 0 : i32
    %c0_i32_0 = arith.constant 0 : i32
    return %arg0, %c0_i32 : i32, i32
  }
  func.func @transform_1(%arg0: i32) -> (i32, i32) {
    %c0_i32 = arith.constant 0 : i32
    %c0_i32_0 = arith.constant 0 : i32
    %c0_i32_1 = arith.constant 0 : i32
    return %c0_i32, %c0_i32_0 : i32, i32
  }
  func.func @transform_2(%arg0: i32) -> (i32, i32) {
    %c0_i32 = arith.constant 0 : i32
    %c0_i32_0 = arith.constant 0 : i32
    %c0_i32_1 = arith.constant 0 : i32
    return %c0_i32, %c0_i32_0 : i32, i32
  }
  func.func @transform_3(%arg0: i32) -> (i32, i32) {
    %c0_i32 = arith.constant 0 : i32
    %c0_i32_0 = arith.constant 0 : i32
    %c0_i32_1 = arith.constant 0 : i32
    return %c0_i32, %c0_i32_0 : i32, i32
  }
  func.func @transform_4(%arg0: i32) -> (i32, i32) {
    %c0_i32 = arith.constant 0 : i32
    %c0_i32_0 = arith.constant 0 : i32
    %c0_i32_1 = arith.constant 0 : i32
    return %c0_i32, %c0_i32_0 : i32, i32
  }
  func.func @transform_5(%arg0: i32) -> (i32, i32) {
    %c0_i32 = arith.constant 0 : i32
    %c0_i32_0 = arith.constant 0 : i32
    return %arg0, %c0_i32 : i32, i32
  }
  func.func @transform_6(%arg0: i32) -> (i32, i32) {
    %c0_i32 = arith.constant 0 : i32
    %c0_i32_0 = arith.constant 0 : i32
    return %arg0, %c0_i32 : i32, i32
  }
  func.func @transform_7(%arg0: i32) -> (i32, i32) {
    %c0_i32 = arith.constant 0 : i32
    %c0_i32_0 = arith.constant 0 : i32
    return %arg0, %c0_i32 : i32, i32
  }
}

module attributes {stable_mosaic.version = 14 : i64} {
  func.func @_tc_mid_body(%arg0: i32, %arg1: memref<2x2000x128xf32, #tpu.memory_space<vmem>>, %arg2: memref<2000x32xf32, #tpu.memory_space<vmem>>, %arg3: memref<2000x128xf32, #tpu.memory_space<vmem>>, %arg4: memref<2000x2xf32, #tpu.memory_space<vmem>>, %arg5: memref<2000x128xf32, #tpu.memory_space<vmem>>, %arg6: memref<1x128xf32, #tpu.memory_space<vmem>>, %arg7: memref<128x128xf32, #tpu.memory_space<vmem>>, %arg8: memref<2x128xf32, #tpu.memory_space<vmem>>, %arg9: memref<2000x128xf32, #tpu.memory_space<vmem>>, %arg10: memref<2000x128xf32, #tpu.memory_space<vmem>>, %arg11: memref<2000x2xf32, #tpu.memory_space<vmem>>) attributes {dimension_semantics = [#tpu.dimension_semantics<arbitrary>], iteration_bounds = array<i64: 5>, scalar_prefetch = 0 : i64, scratch_operands = 0 : i64, tpu.core_type = #tpu.core_type<tc>, window_params = [{transform_indices = @transform_0, window_bounds = array<i64: 2, 2000, 128>}, {transform_indices = @transform_1, window_bounds = array<i64: 2000, 32>}, {transform_indices = @transform_2, window_bounds = array<i64: 2000, 128>}, {transform_indices = @transform_3, window_bounds = array<i64: 2000, 2>}, {transform_indices = @transform_4, window_bounds = array<i64: 2000, 128>}, {pipeline_mode = #tpu.pipeline_mode<synchronous>, transform_indices = @transform_5, window_bounds = array<i64: 1, 128>}, {pipeline_mode = #tpu.pipeline_mode<synchronous>, transform_indices = @transform_6, window_bounds = array<i64: 128, 128>}, {pipeline_mode = #tpu.pipeline_mode<synchronous>, transform_indices = @transform_7, window_bounds = array<i64: 2, 128>}, {transform_indices = @transform_8, window_bounds = array<i64: 2000, 128>}, {transform_indices = @transform_9, window_bounds = array<i64: 2000, 128>}, {transform_indices = @transform_10, window_bounds = array<i64: 2000, 2>}]} {
    %get3A = arith.constant 0 : index
    %get3A_0 = arith.constant 0 : index
    %get3A_1 = vector.load %arg4[%get3A, %get3A_0] : memref<2000x2xf32, #tpu.memory_space<vmem>>, vector<2000x2xf32>
    %reduce_sum3A = arith.constant dense<0.000000e+00> : vector<2000xf32>
    %reduce_sum3A_2 = vector.multi_reduction <add>, %get3A_1, %reduce_sum3A [1] : vector<2000x2xf32> to vector<2000xf32>
    %broadcast_in_dim3A = vector.shape_cast %reduce_sum3A_2 : vector<2000xf32> to vector<2000x1xf32>
    %gt3A = arith.constant 0.000000e+00 : f32
    %gt3A_3 = vector.broadcast %gt3A : f32 to vector<2000x1xf32>
    %gt3A_4 = arith.cmpf ogt, %broadcast_in_dim3A, %gt3A_3 : vector<2000x1xf32>
    %mul3A = arith.constant 2.000000e-01 : f32
    %mul3A_5 = vector.broadcast %mul3A : f32 to vector<2000x1xf32>
    %mul3A_6 = arith.mulf %mul3A_5, %broadcast_in_dim3A : vector<2000x1xf32>
    %select_n3A = arith.select %gt3A_4, %broadcast_in_dim3A, %mul3A_6 : vector<2000x1xi1>, vector<2000x1xf32>
    %exp3A = math.exp %select_n3A : vector<2000x1xf32>
    %get3A_7 = arith.constant 0 : index
    %get3A_8 = arith.constant 0 : index
    %get3A_9 = arith.constant 0 : index
    %get3A_10 = vector.load %arg1[%get3A_7, %get3A_8, %get3A_9] : memref<2x2000x128xf32, #tpu.memory_space<vmem>>, vector<1x2000x128xf32>
    %get3A_11 = vector.shape_cast %get3A_10 : vector<1x2000x128xf32> to vector<2000x128xf32>
    %get3A_12 = arith.constant 1 : index
    %get3A_13 = arith.constant 0 : index
    %get3A_14 = arith.constant 0 : index
    %get3A_15 = vector.load %arg1[%get3A_12, %get3A_13, %get3A_14] : memref<2x2000x128xf32, #tpu.memory_space<vmem>>, vector<1x2000x128xf32>
    %get3A_16 = vector.shape_cast %get3A_15 : vector<1x2000x128xf32> to vector<2000x128xf32>
    %add3A = arith.addf %get3A_11, %get3A_16 : vector<2000x128xf32>
    %get3A_17 = arith.constant 0 : index
    %get3A_18 = arith.constant 0 : index
    %get3A_19 = vector.load %arg3[%get3A_17, %get3A_18] : memref<2000x128xf32, #tpu.memory_space<vmem>>, vector<2000x128xf32>
    %mul3A_20 = vector.broadcast %exp3A : vector<2000x1xf32> to vector<2000x128xf32>
    %mul3A_21 = arith.mulf %mul3A_20, %get3A_19 : vector<2000x128xf32>
    %add3A_22 = arith.addf %add3A, %mul3A_21 : vector<2000x128xf32>
    %get3A_23 = arith.constant 0 : index
    %get3A_24 = arith.constant 0 : index
    %get3A_25 = vector.load %arg2[%get3A_23, %get3A_24] : memref<2000x32xf32, #tpu.memory_space<vmem>>, vector<2000x32xf32>
    %reduce_sum3A_26 = arith.constant dense<0.000000e+00> : vector<2000xf32>
    %reduce_sum3A_27 = vector.multi_reduction <add>, %get3A_25, %reduce_sum3A_26 [1] : vector<2000x32xf32> to vector<2000xf32>
    %broadcast_in_dim3A_28 = vector.shape_cast %reduce_sum3A_27 : vector<2000xf32> to vector<2000x1xf32>
    %add3A_29 = arith.addf %broadcast_in_dim3A_28, %exp3A : vector<2000x1xf32>
    %add3A_30 = arith.constant 1.000000e-16 : f32
    %add3A_31 = vector.broadcast %add3A_30 : f32 to vector<2000x1xf32>
    %add3A_32 = arith.addf %add3A_29, %add3A_31 : vector<2000x1xf32>
    %div3A = vector.broadcast %add3A_32 : vector<2000x1xf32> to vector<2000x128xf32>
    %div3A_33 = arith.divf %add3A_22, %div3A : vector<2000x128xf32>
    %get3A_34 = arith.constant 0 : index
    %get3A_35 = arith.constant 0 : index
    %get3A_36 = vector.load %arg6[%get3A_34, %get3A_35] : memref<1x128xf32, #tpu.memory_space<vmem>>, vector<1x128xf32>
    %add3A_37 = vector.broadcast %get3A_36 : vector<1x128xf32> to vector<2000x128xf32>
    %add3A_38 = arith.addf %div3A_33, %add3A_37 : vector<2000x128xf32>
    %max3A = arith.constant 0.000000e+00 : f32
    %max3A_39 = vector.broadcast %max3A : f32 to vector<2000x128xf32>
    %max3A_40 = arith.maximumf %add3A_38, %max3A_39 : vector<2000x128xf32>
    %get3A_41 = arith.constant 0 : index
    %get3A_42 = arith.constant 0 : index
    %get3A_43 = vector.load %arg5[%get3A_41, %get3A_42] : memref<2000x128xf32, #tpu.memory_space<vmem>>, vector<2000x128xf32>
    %add3A_44 = arith.addf %max3A_40, %get3A_43 : vector<2000x128xf32>
    %get3A_45 = arith.constant 0 : index
    %get3A_46 = arith.constant 0 : index
    %get3A_47 = vector.load %arg7[%get3A_45, %get3A_46] : memref<128x128xf32, #tpu.memory_space<vmem>>, vector<128x128xf32>
    %dot_general3A = arith.constant dense<0.000000e+00> : vector<2000x128xf32>
    %dot_general3A_48 = tpu.matmul %add3A_44, %get3A_47, %dot_general3A {dimension_numbers = #tpu.dot_dimension_numbers<[1], [0], [0], [1], [0, 0, 1, 1], [], []>, transpose_lhs_hint = false} : vector<2000x128xf32>, vector<128x128xf32>, vector<2000x128xf32> -> vector<2000x128xf32>
    %get3A_49 = arith.constant 0 : index
    %get3A_50 = arith.constant 0 : index
    %get3A_51 = vector.load %arg8[%get3A_49, %get3A_50] : memref<2x128xf32, #tpu.memory_space<vmem>>, vector<2x128xf32>
    %dot_general3A_52 = arith.constant dense<0.000000e+00> : vector<2000x2xf32>
    %dot_general3A_53 = tpu.matmul %dot_general3A_48, %get3A_51, %dot_general3A_52 {dimension_numbers = #tpu.dot_dimension_numbers<[1], [1], [0], [0], [0, 0, 1, 0], [], []>, transpose_lhs_hint = false} : vector<2000x128xf32>, vector<2x128xf32>, vector<2000x2xf32> -> vector<2000x2xf32>
    %swap3A = arith.constant 0 : index
    %swap3A_54 = arith.constant 0 : index
    %swap3A_55 = vector.load %arg9[%swap3A, %swap3A_54] : memref<2000x128xf32, #tpu.memory_space<vmem>>, vector<2000x128xf32>
    tpu.vector_store %arg9[%swap3A, %swap3A_54], %add3A_44 {strides = array<i32>} : memref<2000x128xf32, #tpu.memory_space<vmem>>, vector<2000x128xf32>,
    %swap3A_56 = arith.constant 0 : index
    %swap3A_57 = arith.constant 0 : index
    %swap3A_58 = vector.load %arg10[%swap3A_56, %swap3A_57] : memref<2000x128xf32, #tpu.memory_space<vmem>>, vector<2000x128xf32>
    tpu.vector_store %arg10[%swap3A_56, %swap3A_57], %dot_general3A_48 {strides = array<i32>} : memref<2000x128xf32, #tpu.memory_space<vmem>>, vector<2000x128xf32>,
    %swap3A_59 = arith.constant 0 : index
    %swap3A_60 = arith.constant 0 : index
    %swap3A_61 = vector.load %arg11[%swap3A_59, %swap3A_60] : memref<2000x2xf32, #tpu.memory_space<vmem>>, vector<2000x2xf32>
    tpu.vector_store %arg11[%swap3A_59, %swap3A_60], %dot_general3A_53 {strides = array<i32>} : memref<2000x2xf32, #tpu.memory_space<vmem>>, vector<2000x2xf32>,
    return
  }
  func.func @transform_0(%arg0: i32) -> (i32, i32, i32) {
    %c0_i32 = arith.constant 0 : i32
    %c0_i32_0 = arith.constant 0 : i32
    %c0_i32_1 = arith.constant 0 : i32
    return %c0_i32, %arg0, %c0_i32_0 : i32, i32, i32
  }
  func.func @transform_1(%arg0: i32) -> (i32, i32) {
    %c0_i32 = arith.constant 0 : i32
    %c0_i32_0 = arith.constant 0 : i32
    return %arg0, %c0_i32 : i32, i32
  }
  func.func @transform_2(%arg0: i32) -> (i32, i32) {
    %c0_i32 = arith.constant 0 : i32
    %c0_i32_0 = arith.constant 0 : i32
    return %arg0, %c0_i32 : i32, i32
  }
  func.func @transform_3(%arg0: i32) -> (i32, i32) {
    %c0_i32 = arith.constant 0 : i32
    %c0_i32_0 = arith.constant 0 : i32
    return %arg0, %c0_i32 : i32, i32
  }
  func.func @transform_4(%arg0: i32) -> (i32, i32) {
    %c0_i32 = arith.constant 0 : i32
    %c0_i32_0 = arith.constant 0 : i32
    return %arg0, %c0_i32 : i32, i32
  }
  func.func @transform_5(%arg0: i32) -> (i32, i32) {
    %c0_i32 = arith.constant 0 : i32
    %c0_i32_0 = arith.constant 0 : i32
    %c0_i32_1 = arith.constant 0 : i32
    return %c0_i32, %c0_i32_0 : i32, i32
  }
  func.func @transform_6(%arg0: i32) -> (i32, i32) {
    %c0_i32 = arith.constant 0 : i32
    %c0_i32_0 = arith.constant 0 : i32
    %c0_i32_1 = arith.constant 0 : i32
    return %c0_i32, %c0_i32_0 : i32, i32
  }
  func.func @transform_7(%arg0: i32) -> (i32, i32) {
    %c0_i32 = arith.constant 0 : i32
    %c0_i32_0 = arith.constant 0 : i32
    %c0_i32_1 = arith.constant 0 : i32
    return %c0_i32, %c0_i32_0 : i32, i32
  }
  func.func @transform_8(%arg0: i32) -> (i32, i32) {
    %c0_i32 = arith.constant 0 : i32
    %c0_i32_0 = arith.constant 0 : i32
    return %arg0, %c0_i32 : i32, i32
  }
  func.func @transform_9(%arg0: i32) -> (i32, i32) {
    %c0_i32 = arith.constant 0 : i32
    %c0_i32_0 = arith.constant 0 : i32
    return %arg0, %c0_i32 : i32, i32
  }
  func.func @transform_10(%arg0: i32) -> (i32, i32) {
    %c0_i32 = arith.constant 0 : i32
    %c0_i32_0 = arith.constant 0 : i32
    return %arg0, %c0_i32 : i32, i32
  }
}

module attributes {stable_mosaic.version = 14 : i64} {
  func.func @_tc_final_body(%arg0: i32, %arg1: memref<2x2000x128xf32, #tpu.memory_space<vmem>>, %arg2: memref<2000x32xf32, #tpu.memory_space<vmem>>, %arg3: memref<2000x128xf32, #tpu.memory_space<vmem>>, %arg4: memref<2000x2xf32, #tpu.memory_space<vmem>>, %arg5: memref<2000x128xf32, #tpu.memory_space<vmem>>, %arg6: memref<1x128xf32, #tpu.memory_space<vmem>>, %arg7: memref<2000x1xi32, #tpu.memory_space<vmem>>, %arg8: memref<128x128xf32, #tpu.memory_space<vmem>>, %arg9: memref<1x128xf32, #tpu.memory_space<vmem>>, %arg10: memref<64x128xf32, #tpu.memory_space<vmem>>, %arg11: memref<64x128xf32, #tpu.memory_space<vmem>>) attributes {dimension_semantics = [#tpu.dimension_semantics<arbitrary>], iteration_bounds = array<i64: 5>, scalar_prefetch = 0 : i64, scratch_operands = 1 : i64, tpu.core_type = #tpu.core_type<tc>, window_params = [{transform_indices = @transform_0, window_bounds = array<i64: 2, 2000, 128>}, {transform_indices = @transform_1, window_bounds = array<i64: 2000, 32>}, {transform_indices = @transform_2, window_bounds = array<i64: 2000, 128>}, {transform_indices = @transform_3, window_bounds = array<i64: 2000, 2>}, {transform_indices = @transform_4, window_bounds = array<i64: 2000, 128>}, {pipeline_mode = #tpu.pipeline_mode<synchronous>, transform_indices = @transform_5, window_bounds = array<i64: 1, 128>}, {transform_indices = @transform_6, window_bounds = array<i64: 2000, 1>}, {pipeline_mode = #tpu.pipeline_mode<synchronous>, transform_indices = @transform_7, window_bounds = array<i64: 128, 128>}, {pipeline_mode = #tpu.pipeline_mode<synchronous>, transform_indices = @transform_8, window_bounds = array<i64: 1, 128>}, {pipeline_mode = #tpu.pipeline_mode<synchronous>, transform_indices = @transform_9, window_bounds = array<i64: 64, 128>}]} {
    %get3A = arith.constant 0 : index
    %get3A_0 = arith.constant 0 : index
    %get3A_1 = vector.load %arg4[%get3A, %get3A_0] : memref<2000x2xf32, #tpu.memory_space<vmem>>, vector<2000x2xf32>
    %reduce_sum3A = arith.constant dense<0.000000e+00> : vector<2000xf32>
    %reduce_sum3A_2 = vector.multi_reduction <add>, %get3A_1, %reduce_sum3A [1] : vector<2000x2xf32> to vector<2000xf32>
    %broadcast_in_dim3A = vector.shape_cast %reduce_sum3A_2 : vector<2000xf32> to vector<2000x1xf32>
    %gt3A = arith.constant 0.000000e+00 : f32
    %gt3A_3 = vector.broadcast %gt3A : f32 to vector<2000x1xf32>
    %gt3A_4 = arith.cmpf ogt, %broadcast_in_dim3A, %gt3A_3 : vector<2000x1xf32>
    %mul3A = arith.constant 2.000000e-01 : f32
    %mul3A_5 = vector.broadcast %mul3A : f32 to vector<2000x1xf32>
    %mul3A_6 = arith.mulf %mul3A_5, %broadcast_in_dim3A : vector<2000x1xf32>
    %select_n3A = arith.select %gt3A_4, %broadcast_in_dim3A, %mul3A_6 : vector<2000x1xi1>, vector<2000x1xf32>
    %exp3A = math.exp %select_n3A : vector<2000x1xf32>
    %get3A_7 = arith.constant 0 : index
    %get3A_8 = arith.constant 0 : index
    %get3A_9 = arith.constant 0 : index
    %get3A_10 = vector.load %arg1[%get3A_7, %get3A_8, %get3A_9] : memref<2x2000x128xf32, #tpu.memory_space<vmem>>, vector<1x2000x128xf32>
    %get3A_11 = vector.shape_cast %get3A_10 : vector<1x2000x128xf32> to vector<2000x128xf32>
    %get3A_12 = arith.constant 1 : index
    %get3A_13 = arith.constant 0 : index
    %get3A_14 = arith.constant 0 : index
    %get3A_15 = vector.load %arg1[%get3A_12, %get3A_13, %get3A_14] : memref<2x2000x128xf32, #tpu.memory_space<vmem>>, vector<1x2000x128xf32>
    %get3A_16 = vector.shape_cast %get3A_15 : vector<1x2000x128xf32> to vector<2000x128xf32>
    %add3A = arith.addf %get3A_11, %get3A_16 : vector<2000x128xf32>
    %get3A_17 = arith.constant 0 : index
    %get3A_18 = arith.constant 0 : index
    %get3A_19 = vector.load %arg3[%get3A_17, %get3A_18] : memref<2000x128xf32, #tpu.memory_space<vmem>>, vector<2000x128xf32>
    %mul3A_20 = vector.broadcast %exp3A : vector<2000x1xf32> to vector<2000x128xf32>
    %mul3A_21 = arith.mulf %mul3A_20, %get3A_19 : vector<2000x128xf32>
    %add3A_22 = arith.addf %add3A, %mul3A_21 : vector<2000x128xf32>
    %get3A_23 = arith.constant 0 : index
    %get3A_24 = arith.constant 0 : index
    %get3A_25 = vector.load %arg2[%get3A_23, %get3A_24] : memref<2000x32xf32, #tpu.memory_space<vmem>>, vector<2000x32xf32>
    %reduce_sum3A_26 = arith.constant dense<0.000000e+00> : vector<2000xf32>
    %reduce_sum3A_27 = vector.multi_reduction <add>, %get3A_25, %reduce_sum3A_26 [1] : vector<2000x32xf32> to vector<2000xf32>
    %broadcast_in_dim3A_28 = vector.shape_cast %reduce_sum3A_27 : vector<2000xf32> to vector<2000x1xf32>
    %add3A_29 = arith.addf %broadcast_in_dim3A_28, %exp3A : vector<2000x1xf32>
    %add3A_30 = arith.constant 1.000000e-16 : f32
    %add3A_31 = vector.broadcast %add3A_30 : f32 to vector<2000x1xf32>
    %add3A_32 = arith.addf %add3A_29, %add3A_31 : vector<2000x1xf32>
    %div3A = vector.broadcast %add3A_32 : vector<2000x1xf32> to vector<2000x128xf32>
    %div3A_33 = arith.divf %add3A_22, %div3A : vector<2000x128xf32>
    %get3A_34 = arith.constant 0 : index
    %get3A_35 = arith.constant 0 : index
    %get3A_36 = vector.load %arg6[%get3A_34, %get3A_35] : memref<1x128xf32, #tpu.memory_space<vmem>>, vector<1x128xf32>
    %add3A_37 = vector.broadcast %get3A_36 : vector<1x128xf32> to vector<2000x128xf32>
    %add3A_38 = arith.addf %div3A_33, %add3A_37 : vector<2000x128xf32>
    %max3A = arith.constant 0.000000e+00 : f32
    %max3A_39 = vector.broadcast %max3A : f32 to vector<2000x128xf32>
    %max3A_40 = arith.maximumf %add3A_38, %max3A_39 : vector<2000x128xf32>
    %get3A_41 = arith.constant 0 : index
    %get3A_42 = arith.constant 0 : index
    %get3A_43 = vector.load %arg5[%get3A_41, %get3A_42] : memref<2000x128xf32, #tpu.memory_space<vmem>>, vector<2000x128xf32>
    %add3A_44 = arith.addf %max3A_40, %get3A_43 : vector<2000x128xf32>
    %iota3A = tpu.iota {dimensions = array<i32: 1>} : vector<1x64xi32>
    %get3A_45 = arith.constant 0 : index
    %get3A_46 = arith.constant 0 : index
    %get3A_47 = vector.load %arg7[%get3A_45, %get3A_46] : memref<2000x1xi32, #tpu.memory_space<vmem>>, vector<2000x1xi32>
    %eq3A = vector.broadcast %get3A_47 : vector<2000x1xi32> to vector<2000x64xi32>
    %eq3A_48 = vector.broadcast %iota3A : vector<1x64xi32> to vector<2000x64xi32>
    %eq3A_49 = arith.cmpi eq, %eq3A, %eq3A_48 : vector<2000x64xi32>
    %convert_element_type3A = arith.extui %eq3A_49 : vector<2000x64xi1> to vector<2000x64xi32>
    %convert_element_type3A_50 = arith.sitofp %convert_element_type3A : vector<2000x64xi32> to vector<2000x64xf32>
    %dot_general3A = arith.constant dense<0.000000e+00> : vector<64x128xf32>
    %dot_general3A_51 = tpu.matmul %convert_element_type3A_50, %add3A_44, %dot_general3A {dimension_numbers = #tpu.dot_dimension_numbers<[0], [0], [1], [1], [0, 1, 1, 1], [], []>, transpose_lhs_hint = false} : vector<2000x64xf32>, vector<2000x128xf32>, vector<64x128xf32> -> vector<64x128xf32>
    %eq3A_52 = arith.constant 0 : i32
    %eq3A_53 = arith.cmpi eq, %arg0, %eq3A_52 : i32
    %convert_element_type3A_54 = arith.extui %eq3A_53 : i1 to i32
    %cond3A = arith.constant 0 : i32
    %cond3A_55 = arith.cmpi ne, %convert_element_type3A_54, %cond3A : i32
    scf.if %cond3A_55 {
      %swap3A = arith.constant 0 : index
      %swap3A_66 = arith.constant 0 : index
      %swap3A_67 = vector.load %arg11[%swap3A, %swap3A_66] : memref<64x128xf32, #tpu.memory_space<vmem>>, vector<64x128xf32>
      tpu.vector_store %arg11[%swap3A, %swap3A_66], %dot_general3A_51 {strides = array<i32>} : memref<64x128xf32, #tpu.memory_space<vmem>>, vector<64x128xf32>,
    } else {
    }
    %gt3A_56 = arith.constant 0 : i32
    %gt3A_57 = arith.cmpi sgt, %arg0, %gt3A_56 : i32
    %convert_element_type3A_58 = arith.extui %gt3A_57 : i1 to i32
    %cond3A_59 = arith.constant 0 : i32
    %cond3A_60 = arith.cmpi ne, %convert_element_type3A_58, %cond3A_59 : i32
    scf.if %cond3A_60 {
      %get3A_66 = arith.constant 0 : index
      %get3A_67 = arith.constant 0 : index
      %get3A_68 = vector.load %arg11[%get3A_66, %get3A_67] : memref<64x128xf32, #tpu.memory_space<vmem>>, vector<64x128xf32>
      %add3A_69 = arith.addf %get3A_68, %dot_general3A_51 : vector<64x128xf32>
      %swap3A = arith.constant 0 : index
      %swap3A_70 = arith.constant 0 : index
      %swap3A_71 = vector.load %arg11[%swap3A, %swap3A_70] : memref<64x128xf32, #tpu.memory_space<vmem>>, vector<64x128xf32>
      tpu.vector_store %arg11[%swap3A, %swap3A_70], %add3A_69 {strides = array<i32>} : memref<64x128xf32, #tpu.memory_space<vmem>>, vector<64x128xf32>,
    } else {
    }
    %eq3A_61 = arith.constant 4 : i32
    %eq3A_62 = arith.cmpi eq, %arg0, %eq3A_61 : i32
    %convert_element_type3A_63 = arith.extui %eq3A_62 : i1 to i32
    %cond3A_64 = arith.constant 0 : i32
    %cond3A_65 = arith.cmpi ne, %convert_element_type3A_63, %cond3A_64 : i32
    scf.if %cond3A_65 {
      %get3A_66 = arith.constant 0 : index
      %get3A_67 = arith.constant 0 : index
      %get3A_68 = vector.load %arg11[%get3A_66, %get3A_67] : memref<64x128xf32, #tpu.memory_space<vmem>>, vector<64x128xf32>
      %get3A_69 = arith.constant 0 : index
      %get3A_70 = arith.constant 0 : index
      %get3A_71 = vector.load %arg8[%get3A_69, %get3A_70] : memref<128x128xf32, #tpu.memory_space<vmem>>, vector<128x128xf32>
      %dot_general3A_72 = arith.constant dense<0.000000e+00> : vector<64x128xf32>
      %dot_general3A_73 = tpu.matmul %get3A_68, %get3A_71, %dot_general3A_72 {dimension_numbers = #tpu.dot_dimension_numbers<[1], [0], [0], [1], [0, 0, 1, 1], [], []>, transpose_lhs_hint = false} : vector<64x128xf32>, vector<128x128xf32>, vector<64x128xf32> -> vector<64x128xf32>
      %get3A_74 = arith.constant 0 : index
      %get3A_75 = arith.constant 0 : index
      %get3A_76 = vector.load %arg9[%get3A_74, %get3A_75] : memref<1x128xf32, #tpu.memory_space<vmem>>, vector<1x128xf32>
      %add3A_77 = vector.broadcast %get3A_76 : vector<1x128xf32> to vector<64x128xf32>
      %add3A_78 = arith.addf %dot_general3A_73, %add3A_77 : vector<64x128xf32>
      %swap3A = arith.constant 0 : index
      %swap3A_79 = arith.constant 0 : index
      %swap3A_80 = vector.load %arg10[%swap3A, %swap3A_79] : memref<64x128xf32, #tpu.memory_space<vmem>>, vector<64x128xf32>
      tpu.vector_store %arg10[%swap3A, %swap3A_79], %add3A_78 {strides = array<i32>} : memref<64x128xf32, #tpu.memory_space<vmem>>, vector<64x128xf32>,
    } else {
    }
    return
  }
  func.func @transform_0(%arg0: i32) -> (i32, i32, i32) {
    %c0_i32 = arith.constant 0 : i32
    %c0_i32_0 = arith.constant 0 : i32
    %c0_i32_1 = arith.constant 0 : i32
    return %c0_i32, %arg0, %c0_i32_0 : i32, i32, i32
  }
  func.func @transform_1(%arg0: i32) -> (i32, i32) {
    %c0_i32 = arith.constant 0 : i32
    %c0_i32_0 = arith.constant 0 : i32
    return %arg0, %c0_i32 : i32, i32
  }
  func.func @transform_2(%arg0: i32) -> (i32, i32) {
    %c0_i32 = arith.constant 0 : i32
    %c0_i32_0 = arith.constant 0 : i32
    return %arg0, %c0_i32 : i32, i32
  }
  func.func @transform_3(%arg0: i32) -> (i32, i32) {
    %c0_i32 = arith.constant 0 : i32
    %c0_i32_0 = arith.constant 0 : i32
    return %arg0, %c0_i32 : i32, i32
  }
  func.func @transform_4(%arg0: i32) -> (i32, i32) {
    %c0_i32 = arith.constant 0 : i32
    %c0_i32_0 = arith.constant 0 : i32
    return %arg0, %c0_i32 : i32, i32
  }
  func.func @transform_5(%arg0: i32) -> (i32, i32) {
    %c0_i32 = arith.constant 0 : i32
    %c0_i32_0 = arith.constant 0 : i32
    %c0_i32_1 = arith.constant 0 : i32
    return %c0_i32, %c0_i32_0 : i32, i32
  }
  func.func @transform_6(%arg0: i32) -> (i32, i32) {
    %c0_i32 = arith.constant 0 : i32
    %c0_i32_0 = arith.constant 0 : i32
    return %arg0, %c0_i32 : i32, i32
  }
  func.func @transform_7(%arg0: i32) -> (i32, i32) {
    %c0_i32 = arith.constant 0 : i32
    %c0_i32_0 = arith.constant 0 : i32
    %c0_i32_1 = arith.constant 0 : i32
    return %c0_i32, %c0_i32_0 : i32, i32
  }
  func.func @transform_8(%arg0: i32) -> (i32, i32) {
    %c0_i32 = arith.constant 0 : i32
    %c0_i32_0 = arith.constant 0 : i32
    %c0_i32_1 = arith.constant 0 : i32
    return %c0_i32, %c0_i32_0 : i32, i32
  }
  func.func @transform_9(%arg0: i32) -> (i32, i32) {
    %c0_i32 = arith.constant 0 : i32
    %c0_i32_0 = arith.constant 0 : i32
    %c0_i32_1 = arith.constant 0 : i32
    return %c0_i32, %c0_i32_0 : i32, i32
  }
}

</mosaic_0001>

<sc_bundles>
// kernel: kernel.10.cloned.1.call-start
scs
__scs_entry_jumppad:
0x0: {  	(pc) =	sbr.rel $0x88, $3  }
0x1: {  	(tag) =	ssettag $0x0;
	lr =	simm.s32 $0x1  }
0x2: {  	[smem:$0x3F96] =	sst lr;
	_ =	strace $0xD0000000  }
0x3: {  	_ = 	snop  }
0x4: {  	_ = 	snop  }
0x5: {  	_ = 	snop  }
0x6: {  	_ = 	snop  }
0x7: {  	_ = 	snop  }
__scs_overlays_trampoline_lowered:
0x8: {  	[smem:$0x3FA5] =	sst s0  }
0x9: {  	[smem:$0x3FA6] =	sst s1  }
0xa: {  	[smem:$0x3FA7] =	sst s2  }
0xb: {  	[smem:$0x3FA8] =	sst s3  }
0xc: {  	[smem:$0x3FA9] =	sst s4  }
0xd: {  	[smem:$0x3FAA] =	sst s5  }
0xe: {  	[smem:$0x3FAB] =	sst s6  }
0xf: {  	[smem:$0x3FAC] =	sst s7  }
0x10: {  	[smem:$0x3FAD] =	sst s8  }
0x11: {  	[smem:$0x3FAE] =	sst s9;
	s0 =	simm.s32 @!p0 $0x0  }
0x12: {  	s1 =	sld [smem:$0x3F94];
	s0 =	simm.s32 @p0 $0x1  }
0x13: {  	[smem:$0x3FAF] =	sst s0;
	s0 =	simm.s32 @!p1 $0x0  }
0x14: {  	s2 =	sld [smem:$0x3F93];
	s0 =	simm.s32 @p1 $0x1  }
0x15: {  	[smem:$0x3FB0] =	sst s0;
	s0 =	simm.s32 @!p2 $0x0  }
0x16: {  	s3 =	sld [smem:$0x3FDB];
	s0 =	simm.s32 @p2 $0x1  }
0x17: {  	s4 =	simm.s32 $0x1BF5;
	[smem:$0x3FB2] =	sst s0  }
0x18: {  	s0 =	sld [smem:$0x3F95];
	_ =	swait.ge [sflag:s4], $0x0  }
0x19: {  	s7 =	sld [smem:$0x3F96]  }
0x1a: {  	s8 =	sadd.s32 $0xFFFFE003, lr  }
0x1b: {  	s9 =	sadd.s32 $0xFFFFFEF7, lr;
	s5 =	simm.s32 $0xFFFFFFFF;
	p2 =	slt.u32 s8, $0xFFFFF086  }
0x1c: {  	p1 =	slt.u32 s9, $0xF7A;
	s5 =	simm.s32 @!p2 $0x0  }
0x1d: {  	s5 =	simm.s32 @p1 $0x1;
	p0 =	seq.s32 s7, s2  }
0x1e: {  	s7 =	smul.u32 @!p0 $0xF7A, s2;
	p2 =	seq.s32 @!p0 s5, $0x0  }
0x1f: {  	s9 =	smul.u32 $0xF7A, s1;
	s8 =	simm.s32 @!p0 $0x1BF5;
	p2 =	por !p2, p0  }
0x20: {  	[sflag:s8] =	ssyncset.s32 @!p0 $0xFFFFF086;
	s6 =	sadd.s32 @!p0 s3, s7;
	s7 =	simm.s32 @!p0 $0x108  }
0x21: {  	s3 =	sadd.s32 s3, s9;
	s6 =	sadd.s32 @!p0 $0x88, s6;
	s7 =	simm.s32 @p2 $0x1082  }
0x22: {  	[simem:s7], [sflag:s8] =	dma.local @!p0 [hbm:s6], $0xF7A  }
0x23: {  	s9 =	sor.u32 $0xD0000000, s2;
	s6 =	simm.s32 $0x108;
	_ =	swait.ge @!p0 [sflag:s8], $0x0  }
0x24: {  	s3 =	sadd.s32 $0x88, s3;
	s6 =	simm.s32 @!p1 $0x1082;
	[sflag:s4] =	ssyncset.s32 $0xFFFFF086  }
0x25: {  	[simem:s6], [sflag:s4] =	dma.local [hbm:s3], $0xF7A  }
0x26: {  	[smem:$0x3F96] =	sst s1;
	(tag) =	ssettag s2;
	_ =	strace s9  }
0x27: {  	s1 =	sld [smem:$0x3FA6]  }
0x28: {  	s2 =	sld [smem:$0x3FA7]  }
0x29: {  	s4 =	sld [smem:$0x3FA9]  }
0x2a: {  	p0 =	seq.s32 s5, $0x0;
	s5 =	sld [smem:$0x3FAA]  }
0x2b: {  	s6 =	sld [smem:$0x3FAB]  }
0x2c: {  	s7 =	sld [smem:$0x3FAC]  }
0x2d: {  	s3 =	simm.s32 $0x108;
	s8 =	sld [smem:$0x3FAD]  }
0x2e: {  	s3 =	simm.s32 @!p0 $0x1082;
	s9 =	sld [smem:$0x3FAE]  }
0x2f: {  	lr =	sadd.s32 s0, s3;
	s0 =	sld [smem:$0x3FA5]  }
0x30: {  	s3 =	sld [smem:$0x3FA8]  }
0x31: {  	[smem:$0x3FB1] =	sst s10  }
0x32: {  	s10 =	sld [smem:$0x3FAF];
	_ =	sdelay $0x3  }
0x33: {  	p0 =	seq.s32 s10, $0x1;
	s10 =	sld [smem:$0x3FB1];
	_ =	sdelay $0x3  }
0x34: {  	[smem:$0x3FB1] =	sst s10  }
0x35: {  	s10 =	sld [smem:$0x3FB0];
	_ =	sdelay $0x3  }
0x36: {  	p1 =	seq.s32 s10, $0x1;
	s10 =	sld [smem:$0x3FB1];
	_ =	sdelay $0x3  }
0x37: {  	[smem:$0x3FB1] =	sst s10  }
0x38: {  	s10 =	sld [smem:$0x3FB2]  }
0x39: {  	_ = 	snop;
	(pc) =	sbr.ind lr, $3  }
0x3a: {  	_ = 	snop  }
0x3b: {  	_ = 	snop  }
0x3c: {  	p2 =	seq.s32 s10, $0x1;
	s10 =	sld [smem:$0x3FB1]  }
0x3d: {  	_ =	shalt  }
0x3e: {  	_ =	shalt  }
0x3f: {  	_ =	shalt  }
0x40: {  	_ =	shalt  }
0x41: {  	_ =	shalt  }
0x42: {  	_ =	shalt  }
0x43: {  	_ =	shalt  }
0x44: {  	_ =	shalt  }
0x45: {  	_ =	shalt  }
0x46: {  	_ =	shalt  }
0x47: {  	_ =	shalt  }
0x48: {  	_ =	shalt  }
0x49: {  	_ =	shalt  }
0x4a: {  	_ =	shalt  }
0x4b: {  	_ =	shalt  }
0x4c: {  	_ =	shalt  }
0x4d: {  	_ =	shalt  }
0x4e: {  	_ =	shalt  }
0x4f: {  	_ =	shalt  }
0x50: {  	_ =	shalt  }
0x51: {  	_ =	shalt  }
0x52: {  	_ =	shalt  }
0x53: {  	_ =	shalt  }
0x54: {  	_ =	shalt  }
0x55: {  	_ =	shalt  }
0x56: {  	_ =	shalt  }
0x57: {  	_ =	shalt  }
0x58: {  	_ =	shalt  }
0x59: {  	_ =	shalt  }
0x5a: {  	_ =	shalt  }
0x5b: {  	_ =	shalt  }
0x5c: {  	_ =	shalt  }
0x5d: {  	_ =	shalt  }
0x5e: {  	_ =	shalt  }
0x5f: {  	_ =	shalt  }
0x60: {  	_ =	shalt  }
0x61: {  	_ =	shalt  }
0x62: {  	_ =	shalt  }
0x63: {  	_ =	shalt  }
0x64: {  	_ =	shalt  }
0x65: {  	_ =	shalt  }
0x66: {  	_ =	shalt  }
0x67: {  	_ =	shalt  }
0x68: {  	_ =	shalt  }
0x69: {  	_ =	shalt  }
0x6a: {  	_ =	shalt  }
0x6b: {  	_ =	shalt  }
0x6c: {  	_ =	shalt  }
0x6d: {  	_ =	shalt  }
0x6e: {  	_ =	shalt  }
0x6f: {  	_ =	shalt  }
0x70: {  	_ =	shalt  }
0x71: {  	_ =	shalt  }
0x72: {  	_ =	shalt  }
0x73: {  	_ =	shalt  }
0x74: {  	_ =	shalt  }
0x75: {  	_ =	shalt  }
0x76: {  	_ =	shalt  }
0x77: {  	_ =	shalt  }
0x78: {  	_ =	shalt  }
0x79: {  	_ =	shalt  }
0x7a: {  	_ =	shalt  }
0x7b: {  	_ =	shalt  }
0x7c: {  	_ =	shalt  }
0x7d: {  	_ =	shalt  }
0x7e: {  	_ =	shalt  }
0x7f: {  	_ =	shalt  }
0x80: {  	_ =	shalt  }
0x81: {  	_ =	shalt  }
0x82: {  	_ =	shalt  }
0x83: {  	_ =	shalt  }
0x84: {  	_ =	shalt  }
0x85: {  	_ =	shalt  }
0x86: {  	_ =	shalt  }
0x87: {  	_ =	shalt  }
.Lfunc_end0:
.L_simem_size_0:
called_computation.1_lowered:
.L_overlay_start_0:
0x88: {  	s2 =	sld [smem:$0x3FD9]  }
0x89: {  	s3 =	sld [smem:$0x3FFE];
	_ =	sdelay $0x1  }
0x8a: {  	s1 =	srdreg.scid  }
0x8b: {  	s0 =	sand.u32 $0x1, s1  }
0x8c: {  	s16 =	sshll.u32 s0, $0xA;
	s2 =	sadd.s32 s3, s2  }
0x8d: {  	s2 =	sadd.s32 s2, s16  }
0x8e: {  	[smem:$0x3FBD] =	sst s2  }
0x8f: {  	_ = 	snop  }
0x90: {  	(tm) =	ssettm $0x1  }
0x91: {  	s17 =	sld [smem:$0x3FFB];
	_ =	sdelay $0x3  }
0x92: {  	_ =	strace s17  }
0x93: {  	s2 =	sld [smem:$0x3FFC];
	_ =	sdelay $0x3  }
0x94: {  	_ =	strace s2  }
0x95: {  	s2 =	sld [smem:$0x3FFD];
	_ =	sdelay $0x3  }
0x96: {  	_ =	strace s2  }
0x97: {  	_ =	strace $0x8FFFFFFF  }
0x98: {  	s18 =	sld [smem:$0x3FDB];
	_ =	sdelay $0x1  }
0x99: {  	s19 =	simm.s32 $_scs_section_size  }
0x9a: {  	s4 =	simm.s32 $_size__tile_overlayer_lowered;
	s5 =	simm.s32 $_tile_overlayer_lowered  }
0x9b: {  	s22 =	simm.s32 $0x1BFF;
	s21 =	sshll.u32 s5, $0x1;
	s2 =	sadd.s32 s19, s18  }
0x9c: {  	s6 =	simm.s32 $0x0;
	s20 =	sshll.u32 s4, $0x1;
	s4 =	sadd.s32 s21, s2  }
0x9d: {  	[timem:s6], [sflag:s22] =	dma.local [hbm:s4], s20  }
0x9e: {  	_ =	swait.ge [sflag:s22], s20  }
0x9f: {  	s3 =	ssub.s32 $0x0, s20;
	[sflag:s22] =	ssyncset.done $0x0  }
0xa0: {  	[sflag:s22] =	ssyncadd.s32 s3;
	_ =	sdelay $0x1  }
0xa1: {  	s23 =	simm.s32 $0x1B8B  }
0xa2: {  	_ =	swait.ge [sflag:s23], $0x1  }
0xa3: {  	[sflag:s23] =	ssyncset.done $0x0  }
0xa4: {  	s25 =	simm.s32 $0x1B8E;
	s24 =	sld [smem:$0x3FFE];
	[sflag:s23] =	ssyncadd.s32 $0xFFFFFFFF  }
0xa5: {  	s26 =	simm.s32 $execute0_lowered;
	[smem:$0x3FD2] =	sst s25  }
0xa6: {  	s4 =	sshll.u32 s26, $0x1;
	_ =	strace $0x80000049;
	[dreg:$0x1] =	wrdreg $0xFFFFFFFF  }
0xa7: {  	s28 =	simm.s32 $_size_execute0_lowered;
	s2 =	sadd.s32 s2, s4;
	[dreg:$0x0] =	wrdreg $0x0  }
0xa8: {  	s4 =	sshll.u32 s28, $0x1;
	[dreg:$0x2] =	wrdreg s2  }
0xa9: {  	[dreg:$0x3] =	wrdreg s4  }
0xaa: {  	[dreg:$0x4] =	wrdreg $0xC0  }
0xab: {  	_ =	task [dreg:s6], $0x5FFFF  }
0xac: {  	[dreg:$0x1] =	wrdreg $0xFFFFFFFF  }
0xad: {  	[dreg:$0x0] =	wrdreg $0x60  }
0xae: {  	[dreg:$0x2] =	wrdreg s24  }
0xaf: {  	[dreg:$0x3] =	wrdreg $0xB8000  }
0xb0: {  	[dreg:$0x4] =	wrdreg $0x9  }
0xb1: {  	_ =	task.clear_ibuf [dreg:s6], $0x5FFFF;
	_ =	strace $0x90000049  }
0xb2: {  	s29 =	simm.s32 $0x9;
	_ =	strace $0x8000004B  }
0xb3: {  	_ =	swait.ge [sflag:s29], $0x1  }
0xb4: {  	[sflag:s29] =	ssyncadd.s32 $0xFFFFFFFF  }
0xb5: {  	_ =	strace $0x9000004B  }
0xb6: {  	_ =	sfence  }
0xb7: {  	s30 =	sld [smem:$0x0];
	_ =	sdelay $0x2  }
0xb8: {  	s31 =	sshll.u32 s1, $0xD;
	s1 =	sshrl.u32 s1, $0x2  }
0xb9: {  	s3 =	sand.u32 $0x4000, s31;
	s1 =	sadd.s32 s1, s30  }
0xba: {  	s0 =	sor.u32 s3, s0;
	s1 =	sshll.u32 s1, $0x11  }
0xbb: {  	s0 =	sor.u32 s1, s0  }
0xbc: {  	s0 =	sadd.s32 $0x8F2B, s0  }
0xbd: {  	[sflag:s0] =	ssyncadd.remote.s32 $0x1  }
0xbe: {  	_ =	sfence.sel $0xFFFF  }
0xbf: {  	[dreg:$0x0] =	wrdreg $0xFFFFFFFF;
	(pc) =	sbr.abs _section_cstart, $3  }
0xc0: {  	[dreg:$0x1] =	wrdreg $0xFFFFFFFF  }
0xc1: {  	_ =	task.clear_ibuf [dreg:s6], $0x2FFFF;
	_ =	strace $0x9FFFFFFF  }
0xc2: {  	(tm) =	ssettm $0x7FFFFFFF  }
0xc3: {  	_ =	shalt  }
tec
execute0_lowered:
.L_overlay_start_1:
0x0: {  	(tag) =	ssettag $0x1  }
0x1: {  	s0 =	rddreg [dreg:$0x0]  }
0x2: {  	s1 =	rddreg [dreg:$0x1];
	s2 =	simm.s32 $0x0;
	s25 =	srdreg.scid  }
0x3: {  	s28 =	simm.s32 $0x2780;
	s29 =	simm.s32 $0xB680;
	s30 =	simm.s32 $0xB700  }
0x4: {  	s31 =	simm.s32 $0x80;
	[smem:$0x7FF] =	sst s2;
	s3 =	sadd.s32 $0x2200, s0  }
0x5: {  	s23 =	sadd.s32 $0x29A00, s0;
	s24 =	sadd.s32 $0x29400, s0;
	s7 =	sadd.s32 $0x78400, s0  }
0x6: {  	s2 =	sand.u32 $0x1, s25;
	_ =	strace $0x8000004A;
	[dreg:$0x3] =	wrdreg s23  }
0x7: {  	s8 =	sadd.s32 $0x82200, s0;
	[dreg:$0x4] =	wrdreg s24;
	s23 =	stileid.u32  }
0x8: {  	s10 =	ssub.s32 $0x2, s2;
	s4 =	sshll.u32 s23, $0x1;
	s5 =	smul.u32 $0x270, s23  }
0x9: {  	s6 =	smin.u32 s23, $0x2;
	s11 =	sshrl.u32 s10, $0x1;
	p0 =	sgt.u32 s23, $0x1  }
0xa: {  	s4 =	sor.u32 s2, s4;
	s6 =	sshll.u32 s6, $0x3;
	s2 =	smul.u32 $0x138800, s2  }
0xb: {  	s14 =	ssub.s32 s10, s11;
	s9 =	smul.u32 $0x4F0, s4;
	s5 =	sadd.s32 s5, s6  }
0xc: {  	s6 =	sadd.s32 $0x8C000, s0;
	s23 =	smax.u32 s14, $0x1;
	s5 =	sshll.u32 s5, $0x7  }
0xd: {  	s0 =	sadd.s32 s9, s0;
	s16 =	sadd.s32 $0x4000, s5;
	s9 =	sadd.s32 s5, s1  }
0xe: {  	s17 =	sadd.s32 $0x8000, s5;
	s18 =	sadd.s32 $0xC000, s5;
	s19 =	sadd.s32 $0x10000, s5  }
0xf: {  	s26 =	sadd.s32 s2, s5;
	s24 =	sadd.s32 $0x13800, s5;
	s10 =	sadd.s32 s16, s1  }
0x10: {  	s11 =	sadd.s32 s17, s1;
	s12 =	sadd.s32 s18, s1;
	s13 =	sadd.s32 s19, s1  }
0x11: {  	s15 =	sadd.s32 $0x13800, s9;
	s16 =	sadd.s32 s2, s16;
	s17 =	sadd.s32 s2, s17  }
0x12: {  	s25 =	sadd.s32 s2, s18;
	[dreg:$0x5] =	wrdreg s15;
	s15 =	smul.u32 $0x2710, s4  }
0x13: {  	s4 =	sshrl.u32 s26, $0x3;
	s20 =	sshrl.u32 s16, $0x3;
	s21 =	sshrl.u32 s17, $0x3  }
0x14: {  	s26 =	sadd.s32 s2, s19;
	s2 =	sadd.s32 s2, s24;
	s5 =	sshrl.u32 s25, $0x3  }
0x15: {  	s4 =	sadd.s32 s6, s4;
	s22 =	sadd.s32 s6, s21;
	s16 =	sshrl.u32 s26, $0x3  }
0x16: {  	s2 =	sshrl.u32 s2, $0x3;
	s5 =	sadd.s32 s6, s5;
	[dreg:$0x6] =	wrdreg s4  }
0x17: {  	s26 =	simm.s32 $0x2;
	s4 =	sadd.s32 s6, s20;
	[dreg:$0x8] =	wrdreg s22  }
0x18: {  	[dreg:$0x9] =	wrdreg s5;
	s20 =	sadd.s32 s6, s16;
	s21 =	sadd.s32 s6, s2  }
0x19: {  	s2 =	sadd.s32 s24, s1;
	s22 =	sadd.s32 $0x2A000, s0;
	s24 =	simm.s32 $0x7680  }
0x1a: {  	s0 =	simm.s32 $0x4F00;
	s5 =	simm.s32 $0x0;
	[dreg:$0x7] =	wrdreg s4  }
0x1b: {  	v0 =	vimm.f32 $0.0e+00;
	s25 =	sshrl.u32 @!p0 s2, $0x3;
	s2 =	simm.s32 $0x1;
	s4 =	simm.s32 $0xB780  }
.LBB2_1:
0x1c: {  	s6 =	simm.s32 $0x0;
	s14 =	simm.s32 $0x200  }
.LBB2_2:
0x1d: {  	p1 =	sne.s32 s14, $0xFE00;
	[tilespmem:s6+$0x76F0] =	vst v0  }
0x1e: {  	[tilespmem:s6+$0x7680] =	vst v0  }
0x1f: {  	[tilespmem:s6+$0x7690] =	vst v0  }
.Ltmp0:
0x20: {  	[tilespmem:s6+$0x76A0] =	vst v0;
	(pc) =	sbr.rel @p1 .LBB2_2-.Ltmp0, $4  }
0x21: {  	[tilespmem:s6+$0x76B0] =	vst v0  }
0x22: {  	[tilespmem:s6+$0x76C0] =	vst v0  }
0x23: {  	[tilespmem:s6+$0x76D0] =	vst v0  }
0x24: {  	[tilespmem:s6+$0x76E0] =	vst v0;
	s6 =	sshra.s32 s14, $0x2;
	s14 =	sadd.s32 $0x200, s14  }
0x25: {  	[tilespmem:s6+$0x76F0] =	vst v0  }
0x26: {  	[tilespmem:s6+$0x7680] =	vst v0  }
0x27: {  	[tilespmem:s6+$0x7690] =	vst v0  }
0x28: {  	[tilespmem:s6+$0x76A0] =	vst v0  }
0x29: {  	[tilespmem:s6+$0x76B0] =	vst v0  }
0x2a: {  	[tilespmem:s6+$0x76C0] =	vst v0  }
0x2b: {  	[tilespmem:s6+$0x76D0] =	vst v0  }
0x2c: {  	[tilespmem:s6+$0x76E0] =	vst v0  }
0x2d: {  	[spmem:s9] =	stream.linear.scatter [tilespmem:s24], [sflag:$0x2], $0x4000, $0x38;
	[tilespmem:$0x1F080] =	vst v63  }
0x2e: {  	_ =	swait.ge [sflag:s26], $0x4000  }
0x2f: {  	[sflag:s26] =	ssyncset.done $0x0  }
0x30: {  	[sflag:s26] =	ssyncadd.s32 $0xFFFFC000  }
0x31: {  	[spmem:s10] =	stream.linear.scatter [tilespmem:s24], [sflag:$0x2], $0x4000, $0x38;
	[tilespmem:$0x1F080] =	vst v63  }
0x32: {  	_ =	swait.ge [sflag:s26], $0x4000  }
0x33: {  	[sflag:s26] =	ssyncset.done $0x0  }
0x34: {  	[sflag:s26] =	ssyncadd.s32 $0xFFFFC000  }
0x35: {  	[spmem:s11] =	stream.linear.scatter [tilespmem:s24], [sflag:$0x2], $0x4000, $0x38;
	[tilespmem:$0x1F080] =	vst v63  }
0x36: {  	_ =	swait.ge [sflag:s26], $0x4000  }
0x37: {  	[sflag:s26] =	ssyncset.done $0x0  }
0x38: {  	[sflag:s26] =	ssyncadd.s32 $0xFFFFC000  }
0x39: {  	[spmem:s12] =	stream.linear.scatter [tilespmem:s24], [sflag:$0x2], $0x4000, $0x38;
	[tilespmem:$0x1F080] =	vst v63  }
0x3a: {  	_ =	swait.ge [sflag:s26], $0x4000  }
0x3b: {  	[sflag:s26] =	ssyncset.done $0x0  }
0x3c: {  	[sflag:s26] =	ssyncadd.s32 $0xFFFFC000  }
0x3d: {  	[spmem:s13] =	stream.linear.scatter [tilespmem:s24], [sflag:$0x2], $0x3800, $0x38;
	[tilespmem:$0x1F080] =	vst v63  }
0x3e: {  	_ =	swait.ge [sflag:s26], $0x3800  }
0x3f: {  	[sflag:s26] =	ssyncset.done $0x0  }
0x40: {  	s6 =	simm.s32 @!p0 $0x7680;
	s14 =	rddreg [dreg:$0x5];
	[sflag:s26] =	ssyncadd.s32 $0xFFFFC800  }
0x41: {  	[spmem:s14] =	stream.linear.scatter @!p0 [tilespmem:s6], [sflag:$0x2], $0x400, $0x38;
	[tilespmem:$0x1F080] =	vst v63  }
0x42: {  	s6 =	simm.s32 @!p0 $0x2  }
0x43: {  	_ =	swait.ge @!p0 [sflag:s6], $0x400  }
0x44: {  	[sflag:s6] =	ssyncset.done @!p0 $0x0  }
0x45: {  	s14 =	simm.s32 $0x0;
	[sflag:s6] =	ssyncadd.s32 @!p0 $0xFFFFFC00;
	s6 =	simm.s32 $0x40  }
.LBB2_4:
0x46: {  	p1 =	sne.s32 s6, $0x9C00;
	[tilespmem:s14+$0x4F00] =	vst v0;
	s14 =	smov.u32 s6;
	s6 =	sadd.s32 $0x40, s6  }
.Ltmp1:
0x47: {  	(pc) =	sbr.rel @p1 .LBB2_4-.Ltmp1, $2  }
0x48: {  	_ =	sdelay $0x2  }
0x49: {  	s14 =	sshra.s32 s14, $0x2  }
0x4a: {  	[tilespmem:s14+$0x4F00] =	vst v0;
	s6 =	simm.s32 $0x0;
	s18 =	rddreg [dreg:$0x3]  }
0x4b: {  	[tilespmem:s6], [sflag:$0x2] =	stream.linear.gather [hbm4b:s18+s6], $0x2780, $0x38;
	[tilespmem:$0x1F080] =	vst v63  }
0x4c: {  	_ =	swait.ge [sflag:s26], $0x2780  }
0x4d: {  	[sflag:s26] =	ssyncset.done $0x0  }
0x4e: {  	s19 =	rddreg [dreg:$0x4];
	[sflag:s26] =	ssyncadd.s32 $0xFFFFD880  }
0x4f: {  	[tilespmem:s28], [sflag:$0x2] =	stream.linear.gather [hbm4b:s19+s6], $0x2780, $0x38;
	[tilespmem:$0x1F080] =	vst v63  }
0x50: {  	_ =	swait.ge [sflag:s26], $0x2780  }
0x51: {  	[sflag:s26] =	ssyncset.done $0x0  }
0x52: {  	[sflag:s26] =	ssyncadd.s32 $0xFFFFD880  }
0x53: {  	s14 =	simm.s32 $0x0;
	[bflag:$0x0] =	sbarrier.arrive $0xFFFF  }
.LBB2_6:
0x54: {  	s16 =	sshll.u32 s14, $0x7  }
0x55: {  	s17 =	sadd.s32 s15, s16  }
0x56: {  	s17 =	sshrl.u32 s17, $0x3  }
0x57: {  	s18 =	sadd.s32 s7, s17  }
0x58: {  	[tilespmem:s29], [sflag:$0x2] =	stream.linear.gather [hbm4b:s18+s6], $0x80, $0x38;
	[tilespmem:$0x1F080] =	vst v63  }
0x59: {  	_ =	swait.ge [sflag:s26], $0x80  }
0x5a: {  	[sflag:s26] =	ssyncset.done $0x0  }
0x5b: {  	s17 =	sadd.s32 s8, s17;
	[sflag:s26] =	ssyncadd.s32 $0xFFFFFF80  }
0x5c: {  	[tilespmem:s30], [sflag:$0x2] =	stream.linear.gather [hbm4b:s17+s6], $0x80, $0x38;
	[tilespmem:$0x1F080] =	vst v63  }
0x5d: {  	_ =	swait.ge [sflag:s26], $0x80  }
0x5e: {  	[sflag:s26] =	ssyncset.done $0x0  }
0x5f: {  	[sflag:s26] =	ssyncadd.s32 $0xFFFFFF80  }
0x60: {  	[tilespmem:s24], [sflag:$0x1] =	stream.indirect.gather [hbm4b:s3+s31], $0x80, s29, s31, $0xb8;
	[tilespmem:$0x1F080] =	vst v63  }
0x61: {  	v1 =	vld [tilespmem:$0xB680]  }
0x62: {  	v2 =	vld [tilespmem:$0xB700];
	_ =	sdelay $0x6  }
0x63: {  	v1 =	vld.idx.msk [tilespmem:v1+s6+$0x0], $0xffff  }
0x64: {  	v3 =	vld.idx.msk [tilespmem:v2+s28+$0x0], $0xffff;
	_ =	sdelay $0x4  }
0x65: {  	v1 =	vadd.f32 v3, v1;
	_ =	sdelay $0x1  }
0x66: {  	v3 =	vmul.f32 $2.000000030e-01, v1  }
0x67: {  	vm0 =	vgt.f32 v1, $0.0e+00  }
0x68: {  	v1 =	vsel vm0, v1, v3  }
0x69: {  	v1 =	vmul.f32 $1.442695020e+00, v1;
	_ =	sdelay $0x1  }
0x6a: {  	(erf) = vpow2.f32 v1;
	_ =	sdelay $0x8  }
0x6b: {  	v1 =	vpop (erf)  }
0x6c: {  	[tilespmem:$0xB780] =	vst v1  }
0x6d: {  	[tilespmem:v2+s0+$0x0] =	vst.idx.add.f32.msk $0xffff, v1  }
0x6e: {  	v1 =	vld [tilespmem:$0xB690]  }
0x6f: {  	v2 =	vld [tilespmem:$0xB710];
	_ =	sdelay $0x6  }
0x70: {  	v1 =	vld.idx.msk [tilespmem:v1+s6+$0x0], $0xffff  }
0x71: {  	v3 =	vld.idx.msk [tilespmem:v2+s28+$0x0], $0xffff;
	_ =	sdelay $0x4  }
0x72: {  	v1 =	vadd.f32 v3, v1;
	_ =	sdelay $0x1  }
0x73: {  	v3 =	vmul.f32 $2.000000030e-01, v1  }
0x74: {  	vm9 =	vgt.f32 v1, $0.0e+00  }
0x75: {  	v1 =	vsel vm9, v1, v3  }
0x76: {  	v1 =	vmul.f32 $1.442695020e+00, v1;
	_ =	sdelay $0x1  }
0x77: {  	(erf) = vpow2.f32 v1;
	_ =	sdelay $0x7  }
0x78: {  	s18 =	sor.u32 $0x10, s16  }
0x79: {  	p1 =	slt.u32 s18, $0x2710;
	v1 =	vpop (erf)  }
0x7a: {  	v1 =	vpsel !p1, $0x0, v1  }
0x7b: {  	[tilespmem:$0xB790] =	vst v1  }
0x7c: {  	[tilespmem:v2+s0+$0x0] =	vst.idx.add.f32.msk $0xffff, v1  }
0x7d: {  	v1 =	vld [tilespmem:$0xB6A0]  }
0x7e: {  	v2 =	vld [tilespmem:$0xB720];
	_ =	sdelay $0x6  }
0x7f: {  	v1 =	vld.idx.msk [tilespmem:v1+s6+$0x0], $0xffff  }
0x80: {  	v3 =	vld.idx.msk [tilespmem:v2+s28+$0x0], $0xffff;
	_ =	sdelay $0x4  }
0x81: {  	v1 =	vadd.f32 v3, v1;
	_ =	sdelay $0x1  }
0x82: {  	v3 =	vmul.f32 $2.000000030e-01, v1  }
0x83: {  	vm10 =	vgt.f32 v1, $0.0e+00  }
0x84: {  	v1 =	vsel vm10, v1, v3  }
0x85: {  	v1 =	vmul.f32 $1.442695020e+00, v1;
	_ =	sdelay $0x1  }
0x86: {  	(erf) = vpow2.f32 v1;
	_ =	sdelay $0x7  }
0x87: {  	s19 =	sor.u32 $0x20, s16  }
0x88: {  	p6 =	slt.u32 s19, $0x2710;
	v1 =	vpop (erf)  }
0x89: {  	v1 =	vpsel !p6, $0x0, v1  }
0x8a: {  	[tilespmem:$0xB7A0] =	vst v1  }
0x8b: {  	[tilespmem:v2+s0+$0x0] =	vst.idx.add.f32.msk $0xffff, v1  }
0x8c: {  	v1 =	vld [tilespmem:$0xB6B0]  }
0x8d: {  	v2 =	vld [tilespmem:$0xB730];
	_ =	sdelay $0x6  }
0x8e: {  	v1 =	vld.idx.msk [tilespmem:v1+s6+$0x0], $0xffff  }
0x8f: {  	v3 =	vld.idx.msk [tilespmem:v2+s28+$0x0], $0xffff;
	_ =	sdelay $0x4  }
0x90: {  	v1 =	vadd.f32 v3, v1;
	_ =	sdelay $0x1  }
0x91: {  	v3 =	vmul.f32 $2.000000030e-01, v1  }
0x92: {  	vm11 =	vgt.f32 v1, $0.0e+00  }
0x93: {  	v1 =	vsel vm11, v1, v3  }
0x94: {  	v1 =	vmul.f32 $1.442695020e+00, v1;
	_ =	sdelay $0x1  }
0x95: {  	(erf) = vpow2.f32 v1;
	_ =	sdelay $0x7  }
0x96: {  	s18 =	sor.u32 $0x30, s16  }
0x97: {  	p2 =	slt.u32 s18, $0x2710;
	v1 =	vpop (erf)  }
0x98: {  	v1 =	vpsel !p2, $0x0, v1  }
0x99: {  	[tilespmem:$0xB7B0] =	vst v1  }
0x9a: {  	[tilespmem:v2+s0+$0x0] =	vst.idx.add.f32.msk $0xffff, v1  }
0x9b: {  	v1 =	vld [tilespmem:$0xB6C0]  }
0x9c: {  	v2 =	vld [tilespmem:$0xB740];
	_ =	sdelay $0x6  }
0x9d: {  	v1 =	vld.idx.msk [tilespmem:v1+s6+$0x0], $0xffff  }
0x9e: {  	v3 =	vld.idx.msk [tilespmem:v2+s28+$0x0], $0xffff;
	_ =	sdelay $0x4  }
0x9f: {  	v1 =	vadd.f32 v3, v1;
	_ =	sdelay $0x1  }
0xa0: {  	v3 =	vmul.f32 $2.000000030e-01, v1  }
0xa1: {  	vm12 =	vgt.f32 v1, $0.0e+00  }
0xa2: {  	v1 =	vsel vm12, v1, v3  }
0xa3: {  	v1 =	vmul.f32 $1.442695020e+00, v1;
	_ =	sdelay $0x1  }
0xa4: {  	(erf) = vpow2.f32 v1;
	_ =	sdelay $0x7  }
0xa5: {  	s19 =	sor.u32 $0x40, s16  }
0xa6: {  	p3 =	slt.u32 s19, $0x2710;
	v1 =	vpop (erf)  }
0xa7: {  	v1 =	vpsel !p3, $0x0, v1  }
0xa8: {  	[tilespmem:$0xB7C0] =	vst v1  }
0xa9: {  	[tilespmem:v2+s0+$0x0] =	vst.idx.add.f32.msk $0xffff, v1  }
0xaa: {  	v1 =	vld [tilespmem:$0xB6D0]  }
0xab: {  	v2 =	vld [tilespmem:$0xB750];
	_ =	sdelay $0x6  }
0xac: {  	v1 =	vld.idx.msk [tilespmem:v1+s6+$0x0], $0xffff  }
0xad: {  	v3 =	vld.idx.msk [tilespmem:v2+s28+$0x0], $0xffff;
	_ =	sdelay $0x4  }
0xae: {  	v1 =	vadd.f32 v3, v1;
	_ =	sdelay $0x1  }
0xaf: {  	v3 =	vmul.f32 $2.000000030e-01, v1  }
0xb0: {  	vm13 =	vgt.f32 v1, $0.0e+00  }
0xb1: {  	v1 =	vsel vm13, v1, v3  }
0xb2: {  	v1 =	vmul.f32 $1.442695020e+00, v1;
	_ =	sdelay $0x1  }
0xb3: {  	(erf) = vpow2.f32 v1;
	_ =	sdelay $0x7  }
0xb4: {  	s18 =	sor.u32 $0x50, s16  }
0xb5: {  	p4 =	slt.u32 s18, $0x2710;
	v1 =	vpop (erf)  }
0xb6: {  	v1 =	vpsel !p4, $0x0, v1  }
0xb7: {  	[tilespmem:$0xB7D0] =	vst v1  }
0xb8: {  	[tilespmem:v2+s0+$0x0] =	vst.idx.add.f32.msk $0xffff, v1  }
0xb9: {  	v1 =	vld [tilespmem:$0xB6E0]  }
0xba: {  	v2 =	vld [tilespmem:$0xB760];
	_ =	sdelay $0x6  }
0xbb: {  	v1 =	vld.idx.msk [tilespmem:v1+s6+$0x0], $0xffff  }
0xbc: {  	v3 =	vld.idx.msk [tilespmem:v2+s28+$0x0], $0xffff;
	_ =	sdelay $0x4  }
0xbd: {  	v1 =	vadd.f32 v3, v1;
	_ =	sdelay $0x1  }
0xbe: {  	v3 =	vmul.f32 $2.000000030e-01, v1  }
0xbf: {  	vm14 =	vgt.f32 v1, $0.0e+00  }
0xc0: {  	v1 =	vsel vm14, v1, v3  }
0xc1: {  	v1 =	vmul.f32 $1.442695020e+00, v1;
	_ =	sdelay $0x1  }
0xc2: {  	(erf) = vpow2.f32 v1;
	_ =	sdelay $0x7  }
0xc3: {  	s19 =	sor.u32 $0x60, s16  }
0xc4: {  	p5 =	slt.u32 s19, $0x2710;
	v1 =	vpop (erf)  }
0xc5: {  	v1 =	vpsel !p5, $0x0, v1  }
0xc6: {  	[tilespmem:$0xB7E0] =	vst v1  }
0xc7: {  	[tilespmem:v2+s0+$0x0] =	vst.idx.add.f32.msk $0xffff, v1  }
0xc8: {  	v1 =	vld [tilespmem:$0xB6F0]  }
0xc9: {  	v2 =	vld [tilespmem:$0xB770];
	_ =	sdelay $0x6  }
0xca: {  	v1 =	vld.idx.msk [tilespmem:v1+s6+$0x0], $0xffff  }
0xcb: {  	v3 =	vld.idx.msk [tilespmem:v2+s28+$0x0], $0xffff;
	_ =	sdelay $0x4  }
0xcc: {  	v1 =	vadd.f32 v3, v1;
	_ =	sdelay $0x1  }
0xcd: {  	v3 =	vmul.f32 $2.000000030e-01, v1  }
0xce: {  	vm15 =	vgt.f32 v1, $0.0e+00  }
0xcf: {  	v1 =	vsel vm15, v1, v3  }
0xd0: {  	v1 =	vmul.f32 $1.442695020e+00, v1;
	_ =	sdelay $0x1  }
0xd1: {  	(erf) = vpow2.f32 v1;
	_ =	sdelay $0x7  }
0xd2: {  	s16 =	sor.u32 $0x70, s16  }
0xd3: {  	p6 =	slt.u32 s16, $0x2710;
	v1 =	vpop (erf)  }
0xd4: {  	v1 =	vpsel !p6, $0x0, v1  }
0xd5: {  	[tilespmem:$0xB7F0] =	vst v1  }
0xd6: {  	[tilespmem:v2+s0+$0x0] =	vst.idx.add.f32.msk $0xffff, v1  }
0xd7: {  	_ =	swait.ge [sflag:s2], $0x4000  }
0xd8: {  	v1 =	vmov s6;
	[sflag:s2] =	ssyncset.done $0x0  }
0xd9: {  	s16 =	simm.s32 $0x76C0;
	[sflag:s2] =	ssyncadd.s32 $0xFFFFC000  }
0xda: {  	v5 =	vld [tilespmem:s16+$0x30]  }
0xdb: {  	v8 =	vld [tilespmem:s16+$0x10]  }
0xdc: {  	v6 =	vld [tilespmem:s16+$0xFFFFFFC0]  }
0xdd: {  	v2 =	vld.idx.msk [tilespmem:v1+s4+$0x0], $0xffff  }
0xde: {  	v10 =	vld [tilespmem:s16+$0xFFFFFFE0]  }
0xdf: {  	v3 =	vld [tilespmem:s16+$0x20]  }
0xe0: {  	v4 =	vld [tilespmem:s16+$0xFFFFFFD0]  }
0xe1: {  	v1 =	vld [tilespmem:s16+$0xFFFFFFF0]  }
0xe2: {  	v9 =	vmul.f32 v5, v2;
	v5 =	vld [tilespmem:s16+$0x0]  }
0xe3: {  	v7 =	vmul.f32 v6, v2  }
0xe4: {  	s18 =	simm.s32 $0x76C0;
	s17 =	simm.s32 $0x1;
	v6 =	vmul.f32 v10, v2;
	v8 =	vmul.f32 v8, v2  }
.LBB2_7:
0xe5: {  	p1 =	sne.s32 s17, $0x7F  }
0xe6: {  	v4 =	vmul.f32 v4, v2;
	v3 =	vmul.f32 v3, v2;
	[tilespmem:s16+$0x30] =	vst v9;
	s18 =	sadd.s32 $0x80, s18;
	s19 =	smov.u32 s17;
	s17 =	sadd.s32 $0x1, s17  }
0xe7: {  	[tilespmem:s16+$0xFFFFFFC0] =	vst v7;
	v7 =	vmul.f32 v1, v2;
	v2 =	vmul.f32 v5, v2  }
0xe8: {  	[tilespmem:s16+$0x10] =	vst v8  }
0xe9: {  	v5 =	vmov s19;
	[tilespmem:s16+$0xFFFFFFE0] =	vst v6  }
0xea: {  	v1 =	vld [tilespmem:s18+$0xFFFFFFF0];
	[tilespmem:s16+$0xFFFFFFF0] =	vst v7  }
0xeb: {  	v6 =	vld [tilespmem:s18+$0x30];
	[tilespmem:s16+$0x0] =	vst v2  }
0xec: {  	v8 =	vld [tilespmem:s18+$0x10];
	[tilespmem:s16+$0x20] =	vst v3  }
0xed: {  	v7 =	vld [tilespmem:s18+$0xFFFFFFC0];
	[tilespmem:s16+$0xFFFFFFD0] =	vst v4;
	s16 =	smov.u32 s18  }
0xee: {  	v2 =	vld.idx.msk [tilespmem:v5+s4+$0x0], $0xffff  }
0xef: {  	v10 =	vld [tilespmem:s18+$0xFFFFFFE0]  }
0xf0: {  	v3 =	vld [tilespmem:s18+$0x20]  }
.Ltmp2:
0xf1: {  	v4 =	vld [tilespmem:s18+$0xFFFFFFD0];
	(pc) =	sbr.rel @p1 .LBB2_7-.Ltmp2, $3  }
0xf2: {  	v5 =	vld [tilespmem:s18+$0x0];
	_ =	sdelay $0x1  }
0xf3: {  	v7 =	vmul.f32 v7, v2;
	v9 =	vmul.f32 v6, v2  }
0xf4: {  	v8 =	vmul.f32 v8, v2;
	v6 =	vmul.f32 v10, v2  }
0xf5: {  	[tilespmem:s16+$0x30] =	vst v9  }
0xf6: {  	[tilespmem:s16+$0xFFFFFFC0] =	vst v7  }
0xf7: {  	v1 =	vmul.f32 v1, v2;
	[tilespmem:s16+$0x10] =	vst v8  }
0xf8: {  	v3 =	vmul.f32 v3, v2;
	[tilespmem:s16+$0xFFFFFFE0] =	vst v6  }
0xf9: {  	v5 =	vmul.f32 v5, v2;
	[tilespmem:s16+$0xFFFFFFF0] =	vst v1  }
0xfa: {  	s14 =	sadd.s32 $0x1, s14;
	v1 =	vmul.f32 v4, v2;
	[tilespmem:s16+$0x20] =	vst v3  }
0xfb: {  	p1 =	sne.s32 s14, $0x4F;
	[tilespmem:s16+$0x0] =	vst v5  }
.Ltmp3:
0xfc: {  	[tilespmem:s16+$0xFFFFFFD0] =	vst v1;
	(pc) =	sbr.rel @p1 .LBB2_6-.Ltmp3, $4  }
0xfd: {  	[spmem:s1] =	stream.indirect.scatter.add.f32 [tilespmem:s24], [sflag:$0x2], $0x80, s30, s31, $0xb8;
	[tilespmem:$0x1F080] =	vst v63  }
0xfe: {  	_ =	swait.ge [sflag:s26], $0x4000  }
0xff: {  	[sflag:s26] =	ssyncset.done $0x0  }
0x100: {  	[sflag:s26] =	ssyncadd.s32 $0xFFFFC000  }
0x101: {  	s6 =	stileid.u32  }
0x102: {  	[bflag:$0x0] =	sbarrier.arrive $0xFFFF;
	s6 =	sshll.u32 s6, $0x6  }
0x103: {  	s14 =	sshrl.u32 s9, $0x3;
	s16 =	rddreg [dreg:$0x6];
	s6 =	sor.u32 $0x1C02, s6  }
0x104: {  	[hbm:s16], [sflag:s6] =	dma.local [spmem:s14], $0x800  }
0x105: {  	_ =	swait.ge [sflag:s26], $0x800  }
0x106: {  	[sflag:s26] =	ssyncset.done $0x0  }
0x107: {  	s16 =	sshrl.u32 s10, $0x3;
	s17 =	rddreg [dreg:$0x7];
	[sflag:s26] =	ssyncadd.s32 $0xFFFFF800  }
0x108: {  	[hbm:s17], [sflag:s6] =	dma.local [spmem:s16], $0x800  }
0x109: {  	_ =	swait.ge [sflag:s26], $0x800  }
0x10a: {  	[sflag:s26] =	ssyncset.done $0x0  }
0x10b: {  	s18 =	sshrl.u32 s11, $0x3;
	s19 =	rddreg [dreg:$0x8];
	[sflag:s26] =	ssyncadd.s32 $0xFFFFF800  }
0x10c: {  	[hbm:s19], [sflag:s6] =	dma.local [spmem:s18], $0x800  }
0x10d: {  	_ =	swait.ge [sflag:s26], $0x800  }
0x10e: {  	[sflag:s26] =	ssyncset.done $0x0  }
0x10f: {  	s16 =	sshrl.u32 s12, $0x3;
	s17 =	rddreg [dreg:$0x9];
	[sflag:s26] =	ssyncadd.s32 $0xFFFFF800  }
0x110: {  	[hbm:s17], [sflag:s6] =	dma.local [spmem:s16], $0x800  }
0x111: {  	_ =	swait.ge [sflag:s26], $0x800  }
0x112: {  	[sflag:s26] =	ssyncset.done $0x0  }
0x113: {  	s18 =	sshrl.u32 s13, $0x3;
	[sflag:s26] =	ssyncadd.s32 $0xFFFFF800  }
0x114: {  	[hbm:s20], [sflag:s6] =	dma.local [spmem:s18], $0x700  }
0x115: {  	_ =	swait.ge [sflag:s26], $0x700  }
0x116: {  	[sflag:s26] =	ssyncset.done $0x0  }
0x117: {  	[sflag:s26] =	ssyncadd.s32 $0xFFFFF900  }
0x118: {  	[hbm:s21], [sflag:s6] =	dma.local @!p0 [spmem:s25], $0x80  }
0x119: {  	s6 =	simm.s32 @!p0 $0x2  }
0x11a: {  	s5 =	sadd.s32 $0x1, s5;
	_ =	swait.ge @!p0 [sflag:s6], $0x80  }
0x11b: {  	p1 =	sne.s32 s5, s23;
	[sflag:s6] =	ssyncset.done @!p0 $0x0  }
.Ltmp4:
0x11c: {  	s19 =	simm.s32 $0x0;
	[sflag:s6] =	ssyncadd.s32 @!p0 $0xFFFFFF80;
	(pc) =	sbr.rel @p1 .LBB2_1-.Ltmp4, $4  }
0x11d: {  	[hbm4b:s22+s19] =	stream.linear.scatter [tilespmem:s0], [sflag:$0x2], $0x2780, $0x38;
	[tilespmem:$0x1F080] =	vst v63  }
0x11e: {  	_ =	swait.ge [sflag:s26], $0x2780  }
0x11f: {  	[sflag:s26] =	ssyncset.done $0x0  }
0x120: {  	[sflag:s26] =	ssyncadd.s32 $0xFFFFD880  }
0x121: {  	_ =	sfence.sel $0x180000  }
0x122: {  	[bflag:$0x0] =	sbarrier.arrive $0xFFFF  }
0x123: {  	_ =	strace $0x9000004A  }
0x124: {  	s0 =	stileid.u32;
	[bflag:$0x2] =	sbarrier.arrive $0xFFFF  }
0x125: {  	p0 =	sne.s32 s0, $0x0;
	s0 =	rddreg [dreg:$0x2]  }
0x126: {  	s0 =	sadd.s32 @!p0 $0x100000, s0  }
0x127: {  	[sflag:s0] =	ssyncadd.tile.s32 @!p0 $0x1;
	_ =	shalt  }
.Lfunc_end2:
_tile_overlayer_lowered:
.L_overlay_start_2:
0x128: {  	(tag) =	ssettag $0x2  }
0x129: {  	s0 =	rddreg [dreg:$0x0];
	s2 =	stileid.u32  }
0x12a: {  	s1 =	rddreg [dreg:$0x1];
	p0 =	sne.s32 s2, $0x0  }
0x12b: {  	s3 =	rddreg [dreg:$0x2];
	[bflag:$0x3] =	sbarrier.arrive $0xFFFF;
	s2 =	simm.s32 @!p0 $0x1C02  }
0x12c: {  	[timem:s3], [sflag:s2] =	dma.local @!p0 [hbm:s0], s1  }
0x12d: {  	s0 =	simm.s32 @!p0 $0x2  }
0x12e: {  	_ =	swait.ge @!p0 [sflag:s0], s1  }
0x12f: {  	s1 =	ssub.s32 @!p0 $0x0, s1;
	[sflag:s0] =	ssyncset.done @!p0 $0x0  }
0x130: {  	[sflag:s0] =	ssyncadd.s32 @!p0 s1  }
0x131: {  	[bflag:$0x3] =	sbarrier.arrive $0xFFFF  }
0x132: {  	_ =	shalt  }

// kernel: kernel.7.cloned.1.call-start
scs
__scs_entry_jumppad:
0x0: {  	(pc) =	sbr.rel $0x88, $3  }
0x1: {  	(tag) =	ssettag $0x0;
	lr =	simm.s32 $0x1  }
0x2: {  	[smem:$0x3F96] =	sst lr;
	_ =	strace $0xD0000000  }
0x3: {  	_ = 	snop  }
0x4: {  	_ = 	snop  }
0x5: {  	_ = 	snop  }
0x6: {  	_ = 	snop  }
0x7: {  	_ = 	snop  }
__scs_overlays_trampoline_lowered:
0x8: {  	[smem:$0x3FA5] =	sst s0  }
0x9: {  	[smem:$0x3FA6] =	sst s1  }
0xa: {  	[smem:$0x3FA7] =	sst s2  }
0xb: {  	[smem:$0x3FA8] =	sst s3  }
0xc: {  	[smem:$0x3FA9] =	sst s4  }
0xd: {  	[smem:$0x3FAA] =	sst s5  }
0xe: {  	[smem:$0x3FAB] =	sst s6  }
0xf: {  	[smem:$0x3FAC] =	sst s7  }
0x10: {  	[smem:$0x3FAD] =	sst s8  }
0x11: {  	[smem:$0x3FAE] =	sst s9;
	s0 =	simm.s32 @!p0 $0x0  }
0x12: {  	s1 =	sld [smem:$0x3F94];
	s0 =	simm.s32 @p0 $0x1  }
0x13: {  	[smem:$0x3FAF] =	sst s0;
	s0 =	simm.s32 @!p1 $0x0  }
0x14: {  	s2 =	sld [smem:$0x3F93];
	s0 =	simm.s32 @p1 $0x1  }
0x15: {  	[smem:$0x3FB0] =	sst s0;
	s0 =	simm.s32 @!p2 $0x0  }
0x16: {  	s3 =	sld [smem:$0x3FDB];
	s0 =	simm.s32 @p2 $0x1  }
0x17: {  	s4 =	simm.s32 $0x1BF5;
	[smem:$0x3FB2] =	sst s0  }
0x18: {  	s0 =	sld [smem:$0x3F95];
	_ =	swait.ge [sflag:s4], $0x0  }
0x19: {  	s7 =	sld [smem:$0x3F96]  }
0x1a: {  	s8 =	sadd.s32 $0xFFFFE003, lr  }
0x1b: {  	s9 =	sadd.s32 $0xFFFFFEF7, lr;
	s5 =	simm.s32 $0xFFFFFFFF;
	p2 =	slt.u32 s8, $0xFFFFF086  }
0x1c: {  	p1 =	slt.u32 s9, $0xF7A;
	s5 =	simm.s32 @!p2 $0x0  }
0x1d: {  	s5 =	simm.s32 @p1 $0x1;
	p0 =	seq.s32 s7, s2  }
0x1e: {  	s7 =	smul.u32 @!p0 $0xF7A, s2;
	p2 =	seq.s32 @!p0 s5, $0x0  }
0x1f: {  	s9 =	smul.u32 $0xF7A, s1;
	s8 =	simm.s32 @!p0 $0x1BF5;
	p2 =	por !p2, p0  }
0x20: {  	[sflag:s8] =	ssyncset.s32 @!p0 $0xFFFFF086;
	s6 =	sadd.s32 @!p0 s3, s7;
	s7 =	simm.s32 @!p0 $0x108  }
0x21: {  	s3 =	sadd.s32 s3, s9;
	s6 =	sadd.s32 @!p0 $0x88, s6;
	s7 =	simm.s32 @p2 $0x1082  }
0x22: {  	[simem:s7], [sflag:s8] =	dma.local @!p0 [hbm:s6], $0xF7A  }
0x23: {  	s9 =	sor.u32 $0xD0000000, s2;
	s6 =	simm.s32 $0x108;
	_ =	swait.ge @!p0 [sflag:s8], $0x0  }
0x24: {  	s3 =	sadd.s32 $0x88, s3;
	s6 =	simm.s32 @!p1 $0x1082;
	[sflag:s4] =	ssyncset.s32 $0xFFFFF086  }
0x25: {  	[simem:s6], [sflag:s4] =	dma.local [hbm:s3], $0xF7A  }
0x26: {  	[smem:$0x3F96] =	sst s1;
	(tag) =	ssettag s2;
	_ =	strace s9  }
0x27: {  	s1 =	sld [smem:$0x3FA6]  }
0x28: {  	s2 =	sld [smem:$0x3FA7]  }
0x29: {  	s4 =	sld [smem:$0x3FA9]  }
0x2a: {  	p0 =	seq.s32 s5, $0x0;
	s5 =	sld [smem:$0x3FAA]  }
0x2b: {  	s6 =	sld [smem:$0x3FAB]  }
0x2c: {  	s7 =	sld [smem:$0x3FAC]  }
0x2d: {  	s3 =	simm.s32 $0x108;
	s8 =	sld [smem:$0x3FAD]  }
0x2e: {  	s3 =	simm.s32 @!p0 $0x1082;
	s9 =	sld [smem:$0x3FAE]  }
0x2f: {  	lr =	sadd.s32 s0, s3;
	s0 =	sld [smem:$0x3FA5]  }
0x30: {  	s3 =	sld [smem:$0x3FA8]  }
0x31: {  	[smem:$0x3FB1] =	sst s10  }
0x32: {  	s10 =	sld [smem:$0x3FAF];
	_ =	sdelay $0x3  }
0x33: {  	p0 =	seq.s32 s10, $0x1;
	s10 =	sld [smem:$0x3FB1];
	_ =	sdelay $0x3  }
0x34: {  	[smem:$0x3FB1] =	sst s10  }
0x35: {  	s10 =	sld [smem:$0x3FB0];
	_ =	sdelay $0x3  }
0x36: {  	p1 =	seq.s32 s10, $0x1;
	s10 =	sld [smem:$0x3FB1];
	_ =	sdelay $0x3  }
0x37: {  	[smem:$0x3FB1] =	sst s10  }
0x38: {  	s10 =	sld [smem:$0x3FB2]  }
0x39: {  	_ = 	snop;
	(pc) =	sbr.ind lr, $3  }
0x3a: {  	_ = 	snop  }
0x3b: {  	_ = 	snop  }
0x3c: {  	p2 =	seq.s32 s10, $0x1;
	s10 =	sld [smem:$0x3FB1]  }
0x3d: {  	_ =	shalt  }
0x3e: {  	_ =	shalt  }
0x3f: {  	_ =	shalt  }
0x40: {  	_ =	shalt  }
0x41: {  	_ =	shalt  }
0x42: {  	_ =	shalt  }
0x43: {  	_ =	shalt  }
0x44: {  	_ =	shalt  }
0x45: {  	_ =	shalt  }
0x46: {  	_ =	shalt  }
0x47: {  	_ =	shalt  }
0x48: {  	_ =	shalt  }
0x49: {  	_ =	shalt  }
0x4a: {  	_ =	shalt  }
0x4b: {  	_ =	shalt  }
0x4c: {  	_ =	shalt  }
0x4d: {  	_ =	shalt  }
0x4e: {  	_ =	shalt  }
0x4f: {  	_ =	shalt  }
0x50: {  	_ =	shalt  }
0x51: {  	_ =	shalt  }
0x52: {  	_ =	shalt  }
0x53: {  	_ =	shalt  }
0x54: {  	_ =	shalt  }
0x55: {  	_ =	shalt  }
0x56: {  	_ =	shalt  }
0x57: {  	_ =	shalt  }
0x58: {  	_ =	shalt  }
0x59: {  	_ =	shalt  }
0x5a: {  	_ =	shalt  }
0x5b: {  	_ =	shalt  }
0x5c: {  	_ =	shalt  }
0x5d: {  	_ =	shalt  }
0x5e: {  	_ =	shalt  }
0x5f: {  	_ =	shalt  }
0x60: {  	_ =	shalt  }
0x61: {  	_ =	shalt  }
0x62: {  	_ =	shalt  }
0x63: {  	_ =	shalt  }
0x64: {  	_ =	shalt  }
0x65: {  	_ =	shalt  }
0x66: {  	_ =	shalt  }
0x67: {  	_ =	shalt  }
0x68: {  	_ =	shalt  }
0x69: {  	_ =	shalt  }
0x6a: {  	_ =	shalt  }
0x6b: {  	_ =	shalt  }
0x6c: {  	_ =	shalt  }
0x6d: {  	_ =	shalt  }
0x6e: {  	_ =	shalt  }
0x6f: {  	_ =	shalt  }
0x70: {  	_ =	shalt  }
0x71: {  	_ =	shalt  }
0x72: {  	_ =	shalt  }
0x73: {  	_ =	shalt  }
0x74: {  	_ =	shalt  }
0x75: {  	_ =	shalt  }
0x76: {  	_ =	shalt  }
0x77: {  	_ =	shalt  }
0x78: {  	_ =	shalt  }
0x79: {  	_ =	shalt  }
0x7a: {  	_ =	shalt  }
0x7b: {  	_ =	shalt  }
0x7c: {  	_ =	shalt  }
0x7d: {  	_ =	shalt  }
0x7e: {  	_ =	shalt  }
0x7f: {  	_ =	shalt  }
0x80: {  	_ =	shalt  }
0x81: {  	_ =	shalt  }
0x82: {  	_ =	shalt  }
0x83: {  	_ =	shalt  }
0x84: {  	_ =	shalt  }
0x85: {  	_ =	shalt  }
0x86: {  	_ =	shalt  }
0x87: {  	_ =	shalt  }
.Lfunc_end0:
.L_simem_size_0:
called_computation_lowered:
.L_overlay_start_0:
0x88: {  	s2 =	sld [smem:$0x3FD9]  }
0x89: {  	s3 =	sld [smem:$0x3FFE];
	_ =	sdelay $0x1  }
0x8a: {  	s1 =	srdreg.scid  }
0x8b: {  	s0 =	sand.u32 $0x1, s1  }
0x8c: {  	s16 =	sshll.u32 s0, $0xA;
	s2 =	sadd.s32 s3, s2  }
0x8d: {  	s2 =	sadd.s32 s2, s16  }
0x8e: {  	[smem:$0x3FBD] =	sst s2  }
0x8f: {  	_ = 	snop  }
0x90: {  	(tm) =	ssettm $0x1  }
0x91: {  	s17 =	sld [smem:$0x3FFB];
	_ =	sdelay $0x3  }
0x92: {  	_ =	strace s17  }
0x93: {  	s2 =	sld [smem:$0x3FFC];
	_ =	sdelay $0x3  }
0x94: {  	_ =	strace s2  }
0x95: {  	s2 =	sld [smem:$0x3FFD];
	_ =	sdelay $0x3  }
0x96: {  	_ =	strace s2  }
0x97: {  	_ =	strace $0x8FFFFFFF  }
0x98: {  	s18 =	sld [smem:$0x3FDB];
	_ =	sdelay $0x1  }
0x99: {  	s19 =	simm.s32 $_scs_section_size  }
0x9a: {  	s4 =	simm.s32 $_size__tile_overlayer_lowered;
	s5 =	simm.s32 $_tile_overlayer_lowered  }
0x9b: {  	s22 =	simm.s32 $0x1BFF;
	s21 =	sshll.u32 s5, $0x1;
	s2 =	sadd.s32 s19, s18  }
0x9c: {  	s6 =	simm.s32 $0x0;
	s20 =	sshll.u32 s4, $0x1;
	s4 =	sadd.s32 s21, s2  }
0x9d: {  	[timem:s6], [sflag:s22] =	dma.local [hbm:s4], s20  }
0x9e: {  	_ =	swait.ge [sflag:s22], s20  }
0x9f: {  	s3 =	ssub.s32 $0x0, s20;
	[sflag:s22] =	ssyncset.done $0x0  }
0xa0: {  	[sflag:s22] =	ssyncadd.s32 s3;
	_ =	sdelay $0x1  }
0xa1: {  	s23 =	simm.s32 $0x1B8B  }
0xa2: {  	_ =	swait.ge [sflag:s23], $0x1  }
0xa3: {  	[sflag:s23] =	ssyncset.done $0x0  }
0xa4: {  	s25 =	simm.s32 $0x1B8E;
	s24 =	sld [smem:$0x3FFE];
	[sflag:s23] =	ssyncadd.s32 $0xFFFFFFFF  }
0xa5: {  	s26 =	simm.s32 $execute0_lowered;
	[smem:$0x3FD2] =	sst s25  }
0xa6: {  	s4 =	sshll.u32 s26, $0x1;
	_ =	strace $0x80000046;
	[dreg:$0x1] =	wrdreg $0xFFFFFFFF  }
0xa7: {  	s28 =	simm.s32 $_size_execute0_lowered;
	s2 =	sadd.s32 s2, s4;
	[dreg:$0x0] =	wrdreg $0x0  }
0xa8: {  	s4 =	sshll.u32 s28, $0x1;
	[dreg:$0x2] =	wrdreg s2  }
0xa9: {  	[dreg:$0x3] =	wrdreg s4  }
0xaa: {  	[dreg:$0x4] =	wrdreg $0xC0  }
0xab: {  	_ =	task [dreg:s6], $0x5FFFF  }
0xac: {  	[dreg:$0x1] =	wrdreg $0xFFFFFFFF  }
0xad: {  	[dreg:$0x0] =	wrdreg $0x60  }
0xae: {  	[dreg:$0x2] =	wrdreg s24  }
0xaf: {  	[dreg:$0x3] =	wrdreg $0xB8000  }
0xb0: {  	[dreg:$0x4] =	wrdreg $0x9  }
0xb1: {  	_ =	task.clear_ibuf [dreg:s6], $0x5FFFF;
	_ =	strace $0x90000046  }
0xb2: {  	s29 =	simm.s32 $0x9;
	_ =	strace $0x80000048  }
0xb3: {  	_ =	swait.ge [sflag:s29], $0x1  }
0xb4: {  	[sflag:s29] =	ssyncadd.s32 $0xFFFFFFFF  }
0xb5: {  	_ =	strace $0x90000048  }
0xb6: {  	_ =	sfence  }
0xb7: {  	s30 =	sld [smem:$0x0];
	_ =	sdelay $0x2  }
0xb8: {  	s31 =	sshll.u32 s1, $0xD;
	s1 =	sshrl.u32 s1, $0x2  }
0xb9: {  	s3 =	sand.u32 $0x4000, s31;
	s1 =	sadd.s32 s1, s30  }
0xba: {  	s0 =	sor.u32 s3, s0;
	s1 =	sshll.u32 s1, $0x11  }
0xbb: {  	s0 =	sor.u32 s1, s0  }
0xbc: {  	s0 =	sadd.s32 $0x8F2B, s0  }
0xbd: {  	[sflag:s0] =	ssyncadd.remote.s32 $0x1  }
0xbe: {  	_ =	sfence.sel $0xFFFF  }
0xbf: {  	[dreg:$0x0] =	wrdreg $0xFFFFFFFF;
	(pc) =	sbr.abs _section_cstart, $3  }
0xc0: {  	[dreg:$0x1] =	wrdreg $0xFFFFFFFF  }
0xc1: {  	_ =	task.clear_ibuf [dreg:s6], $0x2FFFF;
	_ =	strace $0x9FFFFFFF  }
0xc2: {  	(tm) =	ssettm $0x7FFFFFFF  }
0xc3: {  	_ =	shalt  }
tec
execute0_lowered:
.L_overlay_start_1:
0x0: {  	(tag) =	ssettag $0x1  }
0x1: {  	s0 =	rddreg [dreg:$0x0]  }
0x2: {  	s1 =	rddreg [dreg:$0x1];
	s2 =	simm.s32 $0x0;
	s25 =	srdreg.scid  }
0x3: {  	s28 =	simm.s32 $0x2780;
	s29 =	simm.s32 $0xB680;
	s30 =	simm.s32 $0xB700  }
0x4: {  	s31 =	simm.s32 $0x80;
	[smem:$0x7FF] =	sst s2;
	s3 =	sadd.s32 $0x29400, s0  }
0x5: {  	s23 =	sadd.s32 $0x77E00, s0;
	s24 =	sadd.s32 $0x77800, s0;
	s7 =	sadd.s32 $0x78400, s0  }
0x6: {  	s2 =	sand.u32 $0x1, s25;
	_ =	strace $0x80000047;
	[dreg:$0x3] =	wrdreg s23  }
0x7: {  	s8 =	sadd.s32 $0x82200, s0;
	[dreg:$0x4] =	wrdreg s24;
	s23 =	stileid.u32  }
0x8: {  	s10 =	ssub.s32 $0x2, s2;
	s4 =	sshll.u32 s23, $0x1;
	s5 =	smul.u32 $0x270, s23  }
0x9: {  	s6 =	smin.u32 s23, $0x2;
	s11 =	sshrl.u32 s10, $0x1;
	p0 =	sgt.u32 s23, $0x1  }
0xa: {  	s4 =	sor.u32 s2, s4;
	s6 =	sshll.u32 s6, $0x3;
	s2 =	smul.u32 $0x138800, s2  }
0xb: {  	s14 =	ssub.s32 s10, s11;
	s9 =	smul.u32 $0x4F0, s4;
	s5 =	sadd.s32 s5, s6  }
0xc: {  	s6 =	sadd.s32 $0x95E00, s0;
	s23 =	smax.u32 s14, $0x1;
	s5 =	sshll.u32 s5, $0x7  }
0xd: {  	s0 =	sadd.s32 s9, s0;
	s16 =	sadd.s32 $0x4000, s5;
	s9 =	sadd.s32 s5, s1  }
0xe: {  	s17 =	sadd.s32 $0x8000, s5;
	s18 =	sadd.s32 $0xC000, s5;
	s19 =	sadd.s32 $0x10000, s5  }
0xf: {  	s26 =	sadd.s32 s2, s5;
	s24 =	sadd.s32 $0x13800, s5;
	s10 =	sadd.s32 s16, s1  }
0x10: {  	s11 =	sadd.s32 s17, s1;
	s12 =	sadd.s32 s18, s1;
	s13 =	sadd.s32 s19, s1  }
0x11: {  	s15 =	sadd.s32 $0x13800, s9;
	s16 =	sadd.s32 s2, s16;
	s17 =	sadd.s32 s2, s17  }
0x12: {  	s25 =	sadd.s32 s2, s18;
	[dreg:$0x5] =	wrdreg s15;
	s15 =	smul.u32 $0x2710, s4  }
0x13: {  	s4 =	sshrl.u32 s26, $0x3;
	s20 =	sshrl.u32 s16, $0x3;
	s21 =	sshrl.u32 s17, $0x3  }
0x14: {  	s26 =	sadd.s32 s2, s19;
	s2 =	sadd.s32 s2, s24;
	s5 =	sshrl.u32 s25, $0x3  }
0x15: {  	s4 =	sadd.s32 s6, s4;
	s22 =	sadd.s32 s6, s21;
	s16 =	sshrl.u32 s26, $0x3  }
0x16: {  	s2 =	sshrl.u32 s2, $0x3;
	s5 =	sadd.s32 s6, s5;
	[dreg:$0x6] =	wrdreg s4  }
0x17: {  	s26 =	simm.s32 $0x2;
	s4 =	sadd.s32 s6, s20;
	[dreg:$0x8] =	wrdreg s22  }
0x18: {  	[dreg:$0x9] =	wrdreg s5;
	s20 =	sadd.s32 s6, s16;
	s21 =	sadd.s32 s6, s2  }
0x19: {  	s2 =	sadd.s32 s24, s1;
	s22 =	sadd.s32 $0x8C000, s0;
	s24 =	simm.s32 $0x7680  }
0x1a: {  	s0 =	simm.s32 $0x4F00;
	s5 =	simm.s32 $0x0;
	[dreg:$0x7] =	wrdreg s4  }
0x1b: {  	v0 =	vimm.f32 $0.0e+00;
	s25 =	sshrl.u32 @!p0 s2, $0x3;
	s2 =	simm.s32 $0x1;
	s4 =	simm.s32 $0xB780  }
.LBB2_1:
0x1c: {  	s6 =	simm.s32 $0x0;
	s14 =	simm.s32 $0x200  }
.LBB2_2:
0x1d: {  	p1 =	sne.s32 s14, $0xFE00;
	[tilespmem:s6+$0x76F0] =	vst v0  }
0x1e: {  	[tilespmem:s6+$0x7680] =	vst v0  }
0x1f: {  	[tilespmem:s6+$0x7690] =	vst v0  }
.Ltmp0:
0x20: {  	[tilespmem:s6+$0x76A0] =	vst v0;
	(pc) =	sbr.rel @p1 .LBB2_2-.Ltmp0, $4  }
0x21: {  	[tilespmem:s6+$0x76B0] =	vst v0  }
0x22: {  	[tilespmem:s6+$0x76C0] =	vst v0  }
0x23: {  	[tilespmem:s6+$0x76D0] =	vst v0  }
0x24: {  	[tilespmem:s6+$0x76E0] =	vst v0;
	s6 =	sshra.s32 s14, $0x2;
	s14 =	sadd.s32 $0x200, s14  }
0x25: {  	[tilespmem:s6+$0x76F0] =	vst v0  }
0x26: {  	[tilespmem:s6+$0x7680] =	vst v0  }
0x27: {  	[tilespmem:s6+$0x7690] =	vst v0  }
0x28: {  	[tilespmem:s6+$0x76A0] =	vst v0  }
0x29: {  	[tilespmem:s6+$0x76B0] =	vst v0  }
0x2a: {  	[tilespmem:s6+$0x76C0] =	vst v0  }
0x2b: {  	[tilespmem:s6+$0x76D0] =	vst v0  }
0x2c: {  	[tilespmem:s6+$0x76E0] =	vst v0  }
0x2d: {  	[spmem:s9] =	stream.linear.scatter [tilespmem:s24], [sflag:$0x2], $0x4000, $0x38;
	[tilespmem:$0x1F080] =	vst v63  }
0x2e: {  	_ =	swait.ge [sflag:s26], $0x4000  }
0x2f: {  	[sflag:s26] =	ssyncset.done $0x0  }
0x30: {  	[sflag:s26] =	ssyncadd.s32 $0xFFFFC000  }
0x31: {  	[spmem:s10] =	stream.linear.scatter [tilespmem:s24], [sflag:$0x2], $0x4000, $0x38;
	[tilespmem:$0x1F080] =	vst v63  }
0x32: {  	_ =	swait.ge [sflag:s26], $0x4000  }
0x33: {  	[sflag:s26] =	ssyncset.done $0x0  }
0x34: {  	[sflag:s26] =	ssyncadd.s32 $0xFFFFC000  }
0x35: {  	[spmem:s11] =	stream.linear.scatter [tilespmem:s24], [sflag:$0x2], $0x4000, $0x38;
	[tilespmem:$0x1F080] =	vst v63  }
0x36: {  	_ =	swait.ge [sflag:s26], $0x4000  }
0x37: {  	[sflag:s26] =	ssyncset.done $0x0  }
0x38: {  	[sflag:s26] =	ssyncadd.s32 $0xFFFFC000  }
0x39: {  	[spmem:s12] =	stream.linear.scatter [tilespmem:s24], [sflag:$0x2], $0x4000, $0x38;
	[tilespmem:$0x1F080] =	vst v63  }
0x3a: {  	_ =	swait.ge [sflag:s26], $0x4000  }
0x3b: {  	[sflag:s26] =	ssyncset.done $0x0  }
0x3c: {  	[sflag:s26] =	ssyncadd.s32 $0xFFFFC000  }
0x3d: {  	[spmem:s13] =	stream.linear.scatter [tilespmem:s24], [sflag:$0x2], $0x3800, $0x38;
	[tilespmem:$0x1F080] =	vst v63  }
0x3e: {  	_ =	swait.ge [sflag:s26], $0x3800  }
0x3f: {  	[sflag:s26] =	ssyncset.done $0x0  }
0x40: {  	s6 =	simm.s32 @!p0 $0x7680;
	s14 =	rddreg [dreg:$0x5];
	[sflag:s26] =	ssyncadd.s32 $0xFFFFC800  }
0x41: {  	[spmem:s14] =	stream.linear.scatter @!p0 [tilespmem:s6], [sflag:$0x2], $0x400, $0x38;
	[tilespmem:$0x1F080] =	vst v63  }
0x42: {  	s6 =	simm.s32 @!p0 $0x2  }
0x43: {  	_ =	swait.ge @!p0 [sflag:s6], $0x400  }
0x44: {  	[sflag:s6] =	ssyncset.done @!p0 $0x0  }
0x45: {  	s14 =	simm.s32 $0x0;
	[sflag:s6] =	ssyncadd.s32 @!p0 $0xFFFFFC00;
	s6 =	simm.s32 $0x40  }
.LBB2_4:
0x46: {  	p1 =	sne.s32 s6, $0x9C00;
	[tilespmem:s14+$0x4F00] =	vst v0;
	s14 =	smov.u32 s6;
	s6 =	sadd.s32 $0x40, s6  }
.Ltmp1:
0x47: {  	(pc) =	sbr.rel @p1 .LBB2_4-.Ltmp1, $2  }
0x48: {  	_ =	sdelay $0x2  }
0x49: {  	s14 =	sshra.s32 s14, $0x2  }
0x4a: {  	[tilespmem:s14+$0x4F00] =	vst v0;
	s6 =	simm.s32 $0x0;
	s18 =	rddreg [dreg:$0x3]  }
0x4b: {  	[tilespmem:s6], [sflag:$0x2] =	stream.linear.gather [hbm4b:s18+s6], $0x2780, $0x38;
	[tilespmem:$0x1F080] =	vst v63  }
0x4c: {  	_ =	swait.ge [sflag:s26], $0x2780  }
0x4d: {  	[sflag:s26] =	ssyncset.done $0x0  }
0x4e: {  	s19 =	rddreg [dreg:$0x4];
	[sflag:s26] =	ssyncadd.s32 $0xFFFFD880  }
0x4f: {  	[tilespmem:s28], [sflag:$0x2] =	stream.linear.gather [hbm4b:s19+s6], $0x2780, $0x38;
	[tilespmem:$0x1F080] =	vst v63  }
0x50: {  	_ =	swait.ge [sflag:s26], $0x2780  }
0x51: {  	[sflag:s26] =	ssyncset.done $0x0  }
0x52: {  	[sflag:s26] =	ssyncadd.s32 $0xFFFFD880  }
0x53: {  	s14 =	simm.s32 $0x0;
	[bflag:$0x0] =	sbarrier.arrive $0xFFFF  }
.LBB2_6:
0x54: {  	s16 =	sshll.u32 s14, $0x7  }
0x55: {  	s17 =	sadd.s32 s15, s16  }
0x56: {  	s17 =	sshrl.u32 s17, $0x3  }
0x57: {  	s18 =	sadd.s32 s7, s17  }
0x58: {  	[tilespmem:s29], [sflag:$0x2] =	stream.linear.gather [hbm4b:s18+s6], $0x80, $0x38;
	[tilespmem:$0x1F080] =	vst v63  }
0x59: {  	_ =	swait.ge [sflag:s26], $0x80  }
0x5a: {  	[sflag:s26] =	ssyncset.done $0x0  }
0x5b: {  	s17 =	sadd.s32 s8, s17;
	[sflag:s26] =	ssyncadd.s32 $0xFFFFFF80  }
0x5c: {  	[tilespmem:s30], [sflag:$0x2] =	stream.linear.gather [hbm4b:s17+s6], $0x80, $0x38;
	[tilespmem:$0x1F080] =	vst v63  }
0x5d: {  	_ =	swait.ge [sflag:s26], $0x80  }
0x5e: {  	[sflag:s26] =	ssyncset.done $0x0  }
0x5f: {  	[sflag:s26] =	ssyncadd.s32 $0xFFFFFF80  }
0x60: {  	[tilespmem:s24], [sflag:$0x1] =	stream.indirect.gather [hbm4b:s3+s31], $0x80, s29, s31, $0xb8;
	[tilespmem:$0x1F080] =	vst v63  }
0x61: {  	v1 =	vld [tilespmem:$0xB680]  }
0x62: {  	v2 =	vld [tilespmem:$0xB700];
	_ =	sdelay $0x6  }
0x63: {  	v1 =	vld.idx.msk [tilespmem:v1+s6+$0x0], $0xffff  }
0x64: {  	v3 =	vld.idx.msk [tilespmem:v2+s28+$0x0], $0xffff;
	_ =	sdelay $0x4  }
0x65: {  	v1 =	vadd.f32 v3, v1;
	_ =	sdelay $0x1  }
0x66: {  	v3 =	vmul.f32 $2.000000030e-01, v1  }
0x67: {  	vm0 =	vgt.f32 v1, $0.0e+00  }
0x68: {  	v1 =	vsel vm0, v1, v3  }
0x69: {  	v1 =	vmul.f32 $1.442695020e+00, v1;
	_ =	sdelay $0x1  }
0x6a: {  	(erf) = vpow2.f32 v1;
	_ =	sdelay $0x8  }
0x6b: {  	v1 =	vpop (erf)  }
0x6c: {  	[tilespmem:$0xB780] =	vst v1  }
0x6d: {  	[tilespmem:v2+s0+$0x0] =	vst.idx.add.f32.msk $0xffff, v1  }
0x6e: {  	v1 =	vld [tilespmem:$0xB690]  }
0x6f: {  	v2 =	vld [tilespmem:$0xB710];
	_ =	sdelay $0x6  }
0x70: {  	v1 =	vld.idx.msk [tilespmem:v1+s6+$0x0], $0xffff  }
0x71: {  	v3 =	vld.idx.msk [tilespmem:v2+s28+$0x0], $0xffff;
	_ =	sdelay $0x4  }
0x72: {  	v1 =	vadd.f32 v3, v1;
	_ =	sdelay $0x1  }
0x73: {  	v3 =	vmul.f32 $2.000000030e-01, v1  }
0x74: {  	vm9 =	vgt.f32 v1, $0.0e+00  }
0x75: {  	v1 =	vsel vm9, v1, v3  }
0x76: {  	v1 =	vmul.f32 $1.442695020e+00, v1;
	_ =	sdelay $0x1  }
0x77: {  	(erf) = vpow2.f32 v1;
	_ =	sdelay $0x7  }
0x78: {  	s18 =	sor.u32 $0x10, s16  }
0x79: {  	p1 =	slt.u32 s18, $0x2710;
	v1 =	vpop (erf)  }
0x7a: {  	v1 =	vpsel !p1, $0x0, v1  }
0x7b: {  	[tilespmem:$0xB790] =	vst v1  }
0x7c: {  	[tilespmem:v2+s0+$0x0] =	vst.idx.add.f32.msk $0xffff, v1  }
0x7d: {  	v1 =	vld [tilespmem:$0xB6A0]  }
0x7e: {  	v2 =	vld [tilespmem:$0xB720];
	_ =	sdelay $0x6  }
0x7f: {  	v1 =	vld.idx.msk [tilespmem:v1+s6+$0x0], $0xffff  }
0x80: {  	v3 =	vld.idx.msk [tilespmem:v2+s28+$0x0], $0xffff;
	_ =	sdelay $0x4  }
0x81: {  	v1 =	vadd.f32 v3, v1;
	_ =	sdelay $0x1  }
0x82: {  	v3 =	vmul.f32 $2.000000030e-01, v1  }
0x83: {  	vm10 =	vgt.f32 v1, $0.0e+00  }
0x84: {  	v1 =	vsel vm10, v1, v3  }
0x85: {  	v1 =	vmul.f32 $1.442695020e+00, v1;
	_ =	sdelay $0x1  }
0x86: {  	(erf) = vpow2.f32 v1;
	_ =	sdelay $0x7  }
0x87: {  	s19 =	sor.u32 $0x20, s16  }
0x88: {  	p6 =	slt.u32 s19, $0x2710;
	v1 =	vpop (erf)  }
0x89: {  	v1 =	vpsel !p6, $0x0, v1  }
0x8a: {  	[tilespmem:$0xB7A0] =	vst v1  }
0x8b: {  	[tilespmem:v2+s0+$0x0] =	vst.idx.add.f32.msk $0xffff, v1  }
0x8c: {  	v1 =	vld [tilespmem:$0xB6B0]  }
0x8d: {  	v2 =	vld [tilespmem:$0xB730];
	_ =	sdelay $0x6  }
0x8e: {  	v1 =	vld.idx.msk [tilespmem:v1+s6+$0x0], $0xffff  }
0x8f: {  	v3 =	vld.idx.msk [tilespmem:v2+s28+$0x0], $0xffff;
	_ =	sdelay $0x4  }
0x90: {  	v1 =	vadd.f32 v3, v1;
	_ =	sdelay $0x1  }
0x91: {  	v3 =	vmul.f32 $2.000000030e-01, v1  }
0x92: {  	vm11 =	vgt.f32 v1, $0.0e+00  }
0x93: {  	v1 =	vsel vm11, v1, v3  }
0x94: {  	v1 =	vmul.f32 $1.442695020e+00, v1;
	_ =	sdelay $0x1  }
0x95: {  	(erf) = vpow2.f32 v1;
	_ =	sdelay $0x7  }
0x96: {  	s18 =	sor.u32 $0x30, s16  }
0x97: {  	p2 =	slt.u32 s18, $0x2710;
	v1 =	vpop (erf)  }
0x98: {  	v1 =	vpsel !p2, $0x0, v1  }
0x99: {  	[tilespmem:$0xB7B0] =	vst v1  }
0x9a: {  	[tilespmem:v2+s0+$0x0] =	vst.idx.add.f32.msk $0xffff, v1  }
0x9b: {  	v1 =	vld [tilespmem:$0xB6C0]  }
0x9c: {  	v2 =	vld [tilespmem:$0xB740];
	_ =	sdelay $0x6  }
0x9d: {  	v1 =	vld.idx.msk [tilespmem:v1+s6+$0x0], $0xffff  }
0x9e: {  	v3 =	vld.idx.msk [tilespmem:v2+s28+$0x0], $0xffff;
	_ =	sdelay $0x4  }
0x9f: {  	v1 =	vadd.f32 v3, v1;
	_ =	sdelay $0x1  }
0xa0: {  	v3 =	vmul.f32 $2.000000030e-01, v1  }
0xa1: {  	vm12 =	vgt.f32 v1, $0.0e+00  }
0xa2: {  	v1 =	vsel vm12, v1, v3  }
0xa3: {  	v1 =	vmul.f32 $1.442695020e+00, v1;
	_ =	sdelay $0x1  }
0xa4: {  	(erf) = vpow2.f32 v1;
	_ =	sdelay $0x7  }
0xa5: {  	s19 =	sor.u32 $0x40, s16  }
0xa6: {  	p3 =	slt.u32 s19, $0x2710;
	v1 =	vpop (erf)  }
0xa7: {  	v1 =	vpsel !p3, $0x0, v1  }
0xa8: {  	[tilespmem:$0xB7C0] =	vst v1  }
0xa9: {  	[tilespmem:v2+s0+$0x0] =	vst.idx.add.f32.msk $0xffff, v1  }
0xaa: {  	v1 =	vld [tilespmem:$0xB6D0]  }
0xab: {  	v2 =	vld [tilespmem:$0xB750];
	_ =	sdelay $0x6  }
0xac: {  	v1 =	vld.idx.msk [tilespmem:v1+s6+$0x0], $0xffff  }
0xad: {  	v3 =	vld.idx.msk [tilespmem:v2+s28+$0x0], $0xffff;
	_ =	sdelay $0x4  }
0xae: {  	v1 =	vadd.f32 v3, v1;
	_ =	sdelay $0x1  }
0xaf: {  	v3 =	vmul.f32 $2.000000030e-01, v1  }
0xb0: {  	vm13 =	vgt.f32 v1, $0.0e+00  }
0xb1: {  	v1 =	vsel vm13, v1, v3  }
0xb2: {  	v1 =	vmul.f32 $1.442695020e+00, v1;
	_ =	sdelay $0x1  }
0xb3: {  	(erf) = vpow2.f32 v1;
	_ =	sdelay $0x7  }
0xb4: {  	s18 =	sor.u32 $0x50, s16  }
0xb5: {  	p4 =	slt.u32 s18, $0x2710;
	v1 =	vpop (erf)  }
0xb6: {  	v1 =	vpsel !p4, $0x0, v1  }
0xb7: {  	[tilespmem:$0xB7D0] =	vst v1  }
0xb8: {  	[tilespmem:v2+s0+$0x0] =	vst.idx.add.f32.msk $0xffff, v1  }
0xb9: {  	v1 =	vld [tilespmem:$0xB6E0]  }
0xba: {  	v2 =	vld [tilespmem:$0xB760];
	_ =	sdelay $0x6  }
0xbb: {  	v1 =	vld.idx.msk [tilespmem:v1+s6+$0x0], $0xffff  }
0xbc: {  	v3 =	vld.idx.msk [tilespmem:v2+s28+$0x0], $0xffff;
	_ =	sdelay $0x4  }
0xbd: {  	v1 =	vadd.f32 v3, v1;
	_ =	sdelay $0x1  }
0xbe: {  	v3 =	vmul.f32 $2.000000030e-01, v1  }
0xbf: {  	vm14 =	vgt.f32 v1, $0.0e+00  }
0xc0: {  	v1 =	vsel vm14, v1, v3  }
0xc1: {  	v1 =	vmul.f32 $1.442695020e+00, v1;
	_ =	sdelay $0x1  }
0xc2: {  	(erf) = vpow2.f32 v1;
	_ =	sdelay $0x7  }
0xc3: {  	s19 =	sor.u32 $0x60, s16  }
0xc4: {  	p5 =	slt.u32 s19, $0x2710;
	v1 =	vpop (erf)  }
0xc5: {  	v1 =	vpsel !p5, $0x0, v1  }
0xc6: {  	[tilespmem:$0xB7E0] =	vst v1  }
0xc7: {  	[tilespmem:v2+s0+$0x0] =	vst.idx.add.f32.msk $0xffff, v1  }
0xc8: {  	v1 =	vld [tilespmem:$0xB6F0]  }
0xc9: {  	v2 =	vld [tilespmem:$0xB770];
	_ =	sdelay $0x6  }
0xca: {  	v1 =	vld.idx.msk [tilespmem:v1+s6+$0x0], $0xffff  }
0xcb: {  	v3 =	vld.idx.msk [tilespmem:v2+s28+$0x0], $0xffff;
	_ =	sdelay $0x4  }
0xcc: {  	v1 =	vadd.f32 v3, v1;
	_ =	sdelay $0x1  }
0xcd: {  	v3 =	vmul.f32 $2.000000030e-01, v1  }
0xce: {  	vm15 =	vgt.f32 v1, $0.0e+00  }
0xcf: {  	v1 =	vsel vm15, v1, v3  }
0xd0: {  	v1 =	vmul.f32 $1.442695020e+00, v1;
	_ =	sdelay $0x1  }
0xd1: {  	(erf) = vpow2.f32 v1;
	_ =	sdelay $0x7  }
0xd2: {  	s16 =	sor.u32 $0x70, s16  }
0xd3: {  	p6 =	slt.u32 s16, $0x2710;
	v1 =	vpop (erf)  }
0xd4: {  	v1 =	vpsel !p6, $0x0, v1  }
0xd5: {  	[tilespmem:$0xB7F0] =	vst v1  }
0xd6: {  	[tilespmem:v2+s0+$0x0] =	vst.idx.add.f32.msk $0xffff, v1  }
0xd7: {  	_ =	swait.ge [sflag:s2], $0x4000  }
0xd8: {  	v1 =	vmov s6;
	[sflag:s2] =	ssyncset.done $0x0  }
0xd9: {  	s16 =	simm.s32 $0x76C0;
	[sflag:s2] =	ssyncadd.s32 $0xFFFFC000  }
0xda: {  	v5 =	vld [tilespmem:s16+$0x30]  }
0xdb: {  	v8 =	vld [tilespmem:s16+$0x10]  }
0xdc: {  	v6 =	vld [tilespmem:s16+$0xFFFFFFC0]  }
0xdd: {  	v2 =	vld.idx.msk [tilespmem:v1+s4+$0x0], $0xffff  }
0xde: {  	v10 =	vld [tilespmem:s16+$0xFFFFFFE0]  }
0xdf: {  	v3 =	vld [tilespmem:s16+$0x20]  }
0xe0: {  	v4 =	vld [tilespmem:s16+$0xFFFFFFD0]  }
0xe1: {  	v1 =	vld [tilespmem:s16+$0xFFFFFFF0]  }
0xe2: {  	v9 =	vmul.f32 v5, v2;
	v5 =	vld [tilespmem:s16+$0x0]  }
0xe3: {  	v7 =	vmul.f32 v6, v2  }
0xe4: {  	s18 =	simm.s32 $0x76C0;
	s17 =	simm.s32 $0x1;
	v6 =	vmul.f32 v10, v2;
	v8 =	vmul.f32 v8, v2  }
.LBB2_7:
0xe5: {  	p1 =	sne.s32 s17, $0x7F  }
0xe6: {  	v4 =	vmul.f32 v4, v2;
	v3 =	vmul.f32 v3, v2;
	[tilespmem:s16+$0x30] =	vst v9;
	s18 =	sadd.s32 $0x80, s18;
	s19 =	smov.u32 s17;
	s17 =	sadd.s32 $0x1, s17  }
0xe7: {  	[tilespmem:s16+$0xFFFFFFC0] =	vst v7;
	v7 =	vmul.f32 v1, v2;
	v2 =	vmul.f32 v5, v2  }
0xe8: {  	[tilespmem:s16+$0x10] =	vst v8  }
0xe9: {  	v5 =	vmov s19;
	[tilespmem:s16+$0xFFFFFFE0] =	vst v6  }
0xea: {  	v1 =	vld [tilespmem:s18+$0xFFFFFFF0];
	[tilespmem:s16+$0xFFFFFFF0] =	vst v7  }
0xeb: {  	v6 =	vld [tilespmem:s18+$0x30];
	[tilespmem:s16+$0x0] =	vst v2  }
0xec: {  	v8 =	vld [tilespmem:s18+$0x10];
	[tilespmem:s16+$0x20] =	vst v3  }
0xed: {  	v7 =	vld [tilespmem:s18+$0xFFFFFFC0];
	[tilespmem:s16+$0xFFFFFFD0] =	vst v4;
	s16 =	smov.u32 s18  }
0xee: {  	v2 =	vld.idx.msk [tilespmem:v5+s4+$0x0], $0xffff  }
0xef: {  	v10 =	vld [tilespmem:s18+$0xFFFFFFE0]  }
0xf0: {  	v3 =	vld [tilespmem:s18+$0x20]  }
.Ltmp2:
0xf1: {  	v4 =	vld [tilespmem:s18+$0xFFFFFFD0];
	(pc) =	sbr.rel @p1 .LBB2_7-.Ltmp2, $3  }
0xf2: {  	v5 =	vld [tilespmem:s18+$0x0];
	_ =	sdelay $0x1  }
0xf3: {  	v7 =	vmul.f32 v7, v2;
	v9 =	vmul.f32 v6, v2  }
0xf4: {  	v8 =	vmul.f32 v8, v2;
	v6 =	vmul.f32 v10, v2  }
0xf5: {  	[tilespmem:s16+$0x30] =	vst v9  }
0xf6: {  	[tilespmem:s16+$0xFFFFFFC0] =	vst v7  }
0xf7: {  	v1 =	vmul.f32 v1, v2;
	[tilespmem:s16+$0x10] =	vst v8  }
0xf8: {  	v3 =	vmul.f32 v3, v2;
	[tilespmem:s16+$0xFFFFFFE0] =	vst v6  }
0xf9: {  	v5 =	vmul.f32 v5, v2;
	[tilespmem:s16+$0xFFFFFFF0] =	vst v1  }
0xfa: {  	s14 =	sadd.s32 $0x1, s14;
	v1 =	vmul.f32 v4, v2;
	[tilespmem:s16+$0x20] =	vst v3  }
0xfb: {  	p1 =	sne.s32 s14, $0x4F;
	[tilespmem:s16+$0x0] =	vst v5  }
.Ltmp3:
0xfc: {  	[tilespmem:s16+$0xFFFFFFD0] =	vst v1;
	(pc) =	sbr.rel @p1 .LBB2_6-.Ltmp3, $4  }
0xfd: {  	[spmem:s1] =	stream.indirect.scatter.add.f32 [tilespmem:s24], [sflag:$0x2], $0x80, s30, s31, $0xb8;
	[tilespmem:$0x1F080] =	vst v63  }
0xfe: {  	_ =	swait.ge [sflag:s26], $0x4000  }
0xff: {  	[sflag:s26] =	ssyncset.done $0x0  }
0x100: {  	[sflag:s26] =	ssyncadd.s32 $0xFFFFC000  }
0x101: {  	s6 =	stileid.u32  }
0x102: {  	[bflag:$0x0] =	sbarrier.arrive $0xFFFF;
	s6 =	sshll.u32 s6, $0x6  }
0x103: {  	s14 =	sshrl.u32 s9, $0x3;
	s16 =	rddreg [dreg:$0x6];
	s6 =	sor.u32 $0x1C02, s6  }
0x104: {  	[hbm:s16], [sflag:s6] =	dma.local [spmem:s14], $0x800  }
0x105: {  	_ =	swait.ge [sflag:s26], $0x800  }
0x106: {  	[sflag:s26] =	ssyncset.done $0x0  }
0x107: {  	s16 =	sshrl.u32 s10, $0x3;
	s17 =	rddreg [dreg:$0x7];
	[sflag:s26] =	ssyncadd.s32 $0xFFFFF800  }
0x108: {  	[hbm:s17], [sflag:s6] =	dma.local [spmem:s16], $0x800  }
0x109: {  	_ =	swait.ge [sflag:s26], $0x800  }
0x10a: {  	[sflag:s26] =	ssyncset.done $0x0  }
0x10b: {  	s18 =	sshrl.u32 s11, $0x3;
	s19 =	rddreg [dreg:$0x8];
	[sflag:s26] =	ssyncadd.s32 $0xFFFFF800  }
0x10c: {  	[hbm:s19], [sflag:s6] =	dma.local [spmem:s18], $0x800  }
0x10d: {  	_ =	swait.ge [sflag:s26], $0x800  }
0x10e: {  	[sflag:s26] =	ssyncset.done $0x0  }
0x10f: {  	s16 =	sshrl.u32 s12, $0x3;
	s17 =	rddreg [dreg:$0x9];
	[sflag:s26] =	ssyncadd.s32 $0xFFFFF800  }
0x110: {  	[hbm:s17], [sflag:s6] =	dma.local [spmem:s16], $0x800  }
0x111: {  	_ =	swait.ge [sflag:s26], $0x800  }
0x112: {  	[sflag:s26] =	ssyncset.done $0x0  }
0x113: {  	s18 =	sshrl.u32 s13, $0x3;
	[sflag:s26] =	ssyncadd.s32 $0xFFFFF800  }
0x114: {  	[hbm:s20], [sflag:s6] =	dma.local [spmem:s18], $0x700  }
0x115: {  	_ =	swait.ge [sflag:s26], $0x700  }
0x116: {  	[sflag:s26] =	ssyncset.done $0x0  }
0x117: {  	[sflag:s26] =	ssyncadd.s32 $0xFFFFF900  }
0x118: {  	[hbm:s21], [sflag:s6] =	dma.local @!p0 [spmem:s25], $0x80  }
0x119: {  	s6 =	simm.s32 @!p0 $0x2  }
0x11a: {  	s5 =	sadd.s32 $0x1, s5;
	_ =	swait.ge @!p0 [sflag:s6], $0x80  }
0x11b: {  	p1 =	sne.s32 s5, s23;
	[sflag:s6] =	ssyncset.done @!p0 $0x0  }
.Ltmp4:
0x11c: {  	s19 =	simm.s32 $0x0;
	[sflag:s6] =	ssyncadd.s32 @!p0 $0xFFFFFF80;
	(pc) =	sbr.rel @p1 .LBB2_1-.Ltmp4, $4  }
0x11d: {  	[hbm4b:s22+s19] =	stream.linear.scatter [tilespmem:s0], [sflag:$0x2], $0x2780, $0x38;
	[tilespmem:$0x1F080] =	vst v63  }
0x11e: {  	_ =	swait.ge [sflag:s26], $0x2780  }
0x11f: {  	[sflag:s26] =	ssyncset.done $0x0  }
0x120: {  	[sflag:s26] =	ssyncadd.s32 $0xFFFFD880  }
0x121: {  	_ =	sfence.sel $0x180000  }
0x122: {  	[bflag:$0x0] =	sbarrier.arrive $0xFFFF  }
0x123: {  	_ =	strace $0x90000047  }
0x124: {  	s0 =	stileid.u32;
	[bflag:$0x2] =	sbarrier.arrive $0xFFFF  }
0x125: {  	p0 =	sne.s32 s0, $0x0;
	s0 =	rddreg [dreg:$0x2]  }
0x126: {  	s0 =	sadd.s32 @!p0 $0x100000, s0  }
0x127: {  	[sflag:s0] =	ssyncadd.tile.s32 @!p0 $0x1;
	_ =	shalt  }
.Lfunc_end2:
_tile_overlayer_lowered:
.L_overlay_start_2:
0x128: {  	(tag) =	ssettag $0x2  }
0x129: {  	s0 =	rddreg [dreg:$0x0];
	s2 =	stileid.u32  }
0x12a: {  	s1 =	rddreg [dreg:$0x1];
	p0 =	sne.s32 s2, $0x0  }
0x12b: {  	s3 =	rddreg [dreg:$0x2];
	[bflag:$0x3] =	sbarrier.arrive $0xFFFF;
	s2 =	simm.s32 @!p0 $0x1C02  }
0x12c: {  	[timem:s3], [sflag:s2] =	dma.local @!p0 [hbm:s0], s1  }
0x12d: {  	s0 =	simm.s32 @!p0 $0x2  }
0x12e: {  	_ =	swait.ge @!p0 [sflag:s0], s1  }
0x12f: {  	s1 =	ssub.s32 @!p0 $0x0, s1;
	[sflag:s0] =	ssyncset.done @!p0 $0x0  }
0x130: {  	[sflag:s0] =	ssyncadd.s32 @!p0 s1  }
0x131: {  	[bflag:$0x3] =	sbarrier.arrive $0xFFFF  }
0x132: {  	_ =	shalt  }

</sc_bundles>
